<compile_context>
chip_gen: v7x
topology: tpu7x:2x2x1
jax: 0.10.2.dev20260603
libtpu: 0.0.44.dev20260713+nightly
codegen_flags: <defaults>
</compile_context>

<pallas_src>
import functools

import jax
import jax.numpy as jnp
from jax import lax
from jax.experimental import pallas as pl
from jax.experimental.pallas import tpu as pltpu
from jax.experimental.pallas import tpu_sc as plsc

N = 10000
E = 320000
F_IN = 128
H = 64
G = 64

NC = 2
NS = 16
NW = NC * NS
BLK = 128
EPW = E // NW
NBUF = 4
NBLK = 80
EPAD = NW * NBLK * BLK
N_PAD = 10240
RPT = N_PAD // NS
DH = 16
RB = 1280

@functools.lru_cache(maxsize=1)
def _sc_kernels():
    mesh = plsc.VectorSubcoreMesh(
        core_axis_name="c", subcore_axis_name="s", num_cores=NC, num_subcores=NS
    )

    @functools.partial(
        pl.kernel,
        out_type=jax.ShapeDtypeStruct((NC, N_PAD, 128), jnp.float32),
        mesh=mesh,
        scratch_types=[
            pltpu.VMEM_SHARED((N_PAD, DH), jnp.float32),
            pltpu.VMEM((NBLK, BLK), jnp.int32),
            pltpu.VMEM((BLK, DH), jnp.float32),
            pltpu.VMEM((16, DH), jnp.float32),
            pltpu.VMEM((RPT // 4, DH), jnp.float32),
            pltpu.SemaphoreType.DMA,
        ],
        compiler_params=pltpu.CompilerParams(use_tc_tiling_on_sc=False),
    )
    def sc_hist(dstb_hbm, ones_hbm, zeros_hbm, out_hbm, acc_sh,
                dst_v, ones_v, zb_v, rd_v, sem):
        c = lax.axis_index("c")
        s = lax.axis_index("s")
        wid = c * NS + s

        pltpu.sync_copy(ones_hbm, ones_v)
        pltpu.sync_copy(zeros_hbm, zb_v)
        pltpu.sync_copy(dstb_hbm.at[wid], dst_v)

        @pl.loop(0, RPT // 16)
        def _zero(k):
            pltpu.sync_copy(zb_v, acc_sh.at[pl.ds(s * RPT + k * 16, 16)])

        plsc.subcore_barrier()

        @pl.loop(0, NBLK // 8)
        def _scatter(j8):
            for b in range(8):
                pltpu.async_copy(ones_v, acc_sh.at[dst_v.at[j8 * 8 + b]], sem,
                                 add=True)
            for b in range(8):
                pltpu.make_async_copy(
                    ones_v, acc_sh.at[dst_v.at[0]], sem
                ).wait()

        plsc.subcore_barrier()

        @pl.loop(0, 4)
        def _readout(k):
            r0 = s * RPT + k * (RPT // 4)
            pltpu.sync_copy(acc_sh.at[pl.ds(r0, RPT // 4)], rd_v)
            pltpu.sync_copy(rd_v, out_hbm.at[c, pl.ds(r0, RPT // 4), pl.ds(0, DH)])

    @functools.partial(
        pl.kernel,
        out_type=jax.ShapeDtypeStruct((NC, N_PAD, 128), jnp.float32),
        mesh=mesh,
        scratch_types=[
            pltpu.VMEM_SHARED((N_PAD, H), jnp.float32),
            pltpu.VMEM((NBLK, BLK), jnp.int32),
            pltpu.VMEM((NBLK, BLK), jnp.int32),
            pltpu.VMEM((16, H), jnp.float32),
            pltpu.VMEM((RPT // 4, H), jnp.float32),
        ]
        + [pltpu.VMEM((BLK, H), jnp.float32) for _ in range(NBUF)]
        + [pltpu.SemaphoreType.DMA for _ in range(2 * NBUF)],
        compiler_params=pltpu.CompilerParams(use_tc_tiling_on_sc=False),
    )
    def sc_agg(g_hbm, srcb_hbm, dstb_hbm, zeros_hbm, out_hbm, acc_sh,
               src_v, dst_v, zb_v, rd_v, *bufs_sems):
        bufs = bufs_sems[:NBUF]
        gsem = bufs_sems[NBUF:2 * NBUF]
        ssem = bufs_sems[2 * NBUF:]
        c = lax.axis_index("c")
        s = lax.axis_index("s")
        wid = c * NS + s

        pltpu.sync_copy(zeros_hbm, zb_v)
        pltpu.sync_copy(srcb_hbm.at[wid], src_v)
        pltpu.sync_copy(dstb_hbm.at[wid], dst_v)

        @pl.loop(0, RPT // 16)
        def _zero(k):
            pltpu.sync_copy(zb_v, acc_sh.at[pl.ds(s * RPT + k * 16, 16)])

        plsc.subcore_barrier()

        def gather_start(j, b):
            pltpu.async_copy(g_hbm.at[src_v.at[j]], bufs[b], gsem[b])

        def gather_wait(b):
            pltpu.make_async_copy(g_hbm.at[src_v.at[0]], bufs[b], gsem[b]).wait()

        def scat_start(j, b):
            pltpu.async_copy(bufs[b], acc_sh.at[dst_v.at[j]], ssem[b], add=True)

        def scat_wait(b):
            pltpu.make_async_copy(
                bufs[b], acc_sh.at[dst_v.at[0]], ssem[b]
            ).wait()

        for b in range(NBUF):
            gather_start(b, b)

        @pl.loop(0, NBLK // NBUF - 1)
        def _edges(jg):
            j0 = jg * NBUF
            for b in range(NBUF):
                gather_wait(b)
                scat_start(j0 + b, b)
            for b in range(NBUF):
                scat_wait(b)
                gather_start(j0 + NBUF + b, b)

        for b in range(NBUF):
            gather_wait(b)
            scat_start(NBLK - NBUF + b, b)
        for b in range(NBUF):
            scat_wait(b)

        plsc.subcore_barrier()

        @pl.loop(0, 4)
        def _readout(k):
            r0 = s * RPT + k * (RPT // 4)
            pltpu.sync_copy(acc_sh.at[pl.ds(r0, RPT // 4)], rd_v)
            pltpu.sync_copy(rd_v, out_hbm.at[c, pl.ds(r0, RPT // 4), pl.ds(0, H)])

    return sc_hist, sc_agg


def _dinv_from_degp(da_ref, db_ref):
    deg = da_ref[0, :, 0:1] + db_ref[0, :, 0:1] + 1.0
    return lax.rsqrt(deg)


def _tc_prep1_body(x_ref, w1_ref, da_ref, db_ref, g1_ref):
    h = jnp.dot(x_ref[...], w1_ref[...], preferred_element_type=jnp.float32)
    g1_ref[:, 0:H] = h * _dinv_from_degp(da_ref, db_ref)


def _tc_mid_body(pa_ref, pb_ref, g1_ref, da_ref, db_ref, b1_ref, w2_ref,
                 g2_ref):
    dinv = _dinv_from_degp(da_ref, db_ref)
    acc = pa_ref[0, :, 0:H] + pb_ref[0, :, 0:H] + g1_ref[:, 0:H]
    out1 = jnp.maximum(acc * dinv + b1_ref[...], 0.0)
    h2 = jnp.dot(out1, w2_ref[...], preferred_element_type=jnp.float32)
    g2_ref[:, 0:H] = h2 * dinv


def _tc_final_body(pa_ref, pb_ref, g2_ref, da_ref, db_ref, b2_ref, batch_ref,
                   wl_ref, bl_ref, out_ref, sums_ref, cnt_ref):
    i = pl.program_id(0)
    dinv = _dinv_from_degp(da_ref, db_ref)
    acc = pa_ref[0, :, 0:H] + pb_ref[0, :, 0:H] + g2_ref[:, 0:H]
    out2 = acc * dinv + b2_ref[...]

    rows = i * RB + lax.broadcasted_iota(jnp.int32, (RB, 1), 0)
    valid = rows < N
    out2m = jnp.where(valid, out2, 0.0)
    vones = jnp.where(valid, 1.0, 0.0)

    gids = lax.broadcasted_iota(jnp.int32, (RB, G), 1)
    oh = jnp.where((batch_ref[...] == gids) & valid, 1.0, 0.0)

    dn = (((0,), (0,)), ((), ()))
    part = lax.dot_general(oh, out2m, dn, preferred_element_type=jnp.float32)
    cntp = lax.dot_general(oh, vones, dn, preferred_element_type=jnp.float32)

    @pl.when(i == 0)
    def _init():
        sums_ref[...] = jnp.zeros_like(sums_ref)
        cnt_ref[...] = jnp.zeros_like(cnt_ref)

    sums_ref[...] += part
    cnt_ref[:, 0:1] += cntp

    @pl.when(i == (N_PAD // RB) - 1)
    def _fin():
        pooled = sums_ref[...] / jnp.maximum(cnt_ref[:, 0:1], 1.0)
        res = jnp.dot(pooled, wl_ref[...], preferred_element_type=jnp.float32)
        out_ref[...] = res + bl_ref[...]


def _row_spec(shape_tail):
    return pl.BlockSpec((RB,) + shape_tail, lambda i: (i,) + (0,) * len(shape_tail))


def _full_spec(shape):
    nd = len(shape)
    return pl.BlockSpec(shape, lambda i: (0,) * nd)


_core0_spec = pl.BlockSpec((1, RB, 128), lambda i: (0, i, 0))
_core1_spec = pl.BlockSpec((1, RB, 128), lambda i: (1, i, 0))
_grid = (N_PAD // RB,)


def kernel(x, edge_index, batch, W1, b1, W2, b2, Wl, bl):
    src = edge_index[0].astype(jnp.int32)
    dst = edge_index[1].astype(jnp.int32)
    batch2d = batch.astype(jnp.int32)[:, None]

    npad = EPAD - E
    pad_ids = jnp.arange(npad, dtype=jnp.int32)
    src_p = (jnp.concatenate([src, pad_ids % N]) * 2).reshape(NW, NBLK, BLK)
    dst_p = jnp.concatenate([dst, N + pad_ids % (N_PAD - N)]).reshape(NW, NBLK, BLK)

    ones_upd = jnp.ones((BLK, DH), jnp.float32)
    zeros_h = jnp.zeros((16, DH), jnp.float32)
    zeros_a = jnp.zeros((16, H), jnp.float32)

    sc_hist, sc_agg = _sc_kernels()
    degp = sc_hist(dst_p, ones_upd, zeros_h)

    r128 = _row_spec((128,))

    g1 = pl.pallas_call(
        _tc_prep1_body,
        grid=_grid,
        in_specs=[
            _row_spec((F_IN,)),
            _full_spec((F_IN, H)),
            _core0_spec,
            _core1_spec,
        ],
        out_specs=r128,
        out_shape=jax.ShapeDtypeStruct((N_PAD, 128), jnp.float32),
    )(x, W1, degp, degp)

    p1 = sc_agg(g1.reshape(2 * N_PAD, H), src_p, dst_p, zeros_a)

    g2 = pl.pallas_call(
        _tc_mid_body,
        grid=_grid,
        in_specs=[
            _core0_spec,
            _core1_spec,
            r128,
            _core0_spec,
            _core1_spec,
            _full_spec((1, H)),
            _full_spec((H, H)),
        ],
        out_specs=r128,
        out_shape=jax.ShapeDtypeStruct((N_PAD, 128), jnp.float32),
    )(p1, p1, g1, degp, degp, b1[None, :], W2)

    p2 = sc_agg(g2.reshape(2 * N_PAD, H), src_p, dst_p, zeros_a)

    out = pl.pallas_call(
        _tc_final_body,
        grid=_grid,
        in_specs=[
            _core0_spec,
            _core1_spec,
            r128,
            _core0_spec,
            _core1_spec,
            _full_spec((1, H)),
            _row_spec((1,)),
            _full_spec((H, 1)),
            _full_spec((1, 1)),
        ],
        out_specs=_full_spec((G, 1)),
        out_shape=jax.ShapeDtypeStruct((G, 1), jnp.float32),
        scratch_shapes=[
            pltpu.VMEM((G, G), jnp.float32),
            pltpu.VMEM((G, 8), jnp.float32),
        ],
    )(p2, p2, g2, degp, degp, b2[None, :], batch2d, Wl, bl[:, None])

    return out

# --- scband reference (transcript-rebuilt; emitter-appended) ---
"""Pipeline reference for scband-gcn-original-37194416783379 (READ-ONLY COPY).

The authoritative reference and input builder live on the scoring server;
editing this copy changes nothing except your own understanding.
"""

import jax, jax.numpy as jnp
import numpy as np

N = 10000
E = 320000
F_IN = 128
H = 64
G = 64


def setup_inputs(seed: int = 0) -> dict:
    key = jax.random.key(seed)
    ks = [jax.random.fold_in(key, i) for i in range(10)]
    x = jax.random.normal(ks[0], (N, F_IN), dtype=jnp.float32)
    edge_index = jax.random.randint(ks[1], (2, E), 0, N, dtype=jnp.int64)
    batch = jnp.sort(jax.random.randint(ks[2], (N,), 0, G, dtype=jnp.int64))
    s1 = 1.0 / np.sqrt(F_IN)
    s2 = 1.0 / np.sqrt(H)
    W1 = jax.random.uniform(ks[3], (F_IN, H), dtype=jnp.float32, minval=-s1, maxval=s1)
    b1 = jnp.zeros((H,), dtype=jnp.float32)
    W2 = jax.random.uniform(ks[4], (H, H), dtype=jnp.float32, minval=-s2, maxval=s2)
    b2 = jnp.zeros((H,), dtype=jnp.float32)
    Wl = jax.random.uniform(ks[5], (H, 1), dtype=jnp.float32, minval=-s2, maxval=s2)
    bl = jax.random.uniform(ks[6], (1,), dtype=jnp.float32, minval=-s2, maxval=s2)
    return {"x": x, "edge_index": edge_index, "batch": batch,
            "W1": W1, "b1": b1, "W2": W2, "b2": b2, "Wl": Wl, "bl": bl}


def _gcn_conv(x, src, dst, W, b, n):
    # PyG GCNConv: h = x @ W; symmetric normalization with self-loops already
    # included in (src, dst); aggregate at dst.
    h = x @ W
    deg = jax.ops.segment_sum(jnp.ones_like(dst, dtype=h.dtype), dst, num_segments=n)
    dinv = jnp.where(deg > 0, 1.0 / jnp.sqrt(deg), 0.0)
    norm = dinv[src] * dinv[dst]
    msg = h[src] * norm[:, None]
    out = jax.ops.segment_sum(msg, dst, num_segments=n)
    return out + b


def reference(x, edge_index, batch, W1, b1, W2, b2, Wl, bl):
    n = x.shape[0]
    loop = jnp.arange(n, dtype=edge_index.dtype)
    src = jnp.concatenate([edge_index[0], loop])
    dst = jnp.concatenate([edge_index[1], loop])
    h = _gcn_conv(x, src, dst, W1, b1, n)
    h = jax.nn.relu(h)
    h = _gcn_conv(h, src, dst, W2, b2, n)
    sums = jax.ops.segment_sum(h, batch, num_segments=G)
    cnt = jax.ops.segment_sum(jnp.ones((n,), h.dtype), batch, num_segments=G)
    pooled = sums / jnp.clip(cnt, 1.0)[:, None]
    return pooled @ Wl + bl

if __name__ == "__main__":
    import jax
    _d = setup_inputs()
    print(jax.jit(kernel)(*tuple(_d.values())))

</pallas_src>

<mosaic_0001>
#map = affine_map<(d0, d1) -> (0, 0)>
#map1 = affine_map<(d0, d1) -> (0, 0, 0)>
module attributes {stable_mosaic.version = 14 : i64} {
  func.func @sc_agg(%arg0: i32, %arg1: i32, %arg2: memref<20480x64xf32, #tpu.memory_space<hbm>>, %arg3: memref<32x80x128xi32, #tpu.memory_space<hbm>>, %arg4: memref<32x80x128xi32, #tpu.memory_space<hbm>>, %arg5: memref<16x64xf32, #tpu.memory_space<hbm>>, %arg6: memref<2x10240x128xf32, #tpu.memory_space<hbm>>, %arg7: memref<10240x64xf32, #tpu.memory_space<vmem_shared>>, %arg8: memref<80x128xi32, #tpu.memory_space<vmem>>, %arg9: memref<80x128xi32, #tpu.memory_space<vmem>>, %arg10: memref<16x64xf32, #tpu.memory_space<vmem>>, %arg11: memref<160x64xf32, #tpu.memory_space<vmem>>, %arg12: memref<128x64xf32, #tpu.memory_space<vmem>>, %arg13: memref<128x64xf32, #tpu.memory_space<vmem>>, %arg14: memref<128x64xf32, #tpu.memory_space<vmem>>, %arg15: memref<128x64xf32, #tpu.memory_space<vmem>>, %arg16: memref<!tpu.dma_semaphore, #tpu.memory_space<semaphore_mem>>, %arg17: memref<!tpu.dma_semaphore, #tpu.memory_space<semaphore_mem>>, %arg18: memref<!tpu.dma_semaphore, #tpu.memory_space<semaphore_mem>>, %arg19: memref<!tpu.dma_semaphore, #tpu.memory_space<semaphore_mem>>, %arg20: memref<!tpu.dma_semaphore, #tpu.memory_space<semaphore_mem>>, %arg21: memref<!tpu.dma_semaphore, #tpu.memory_space<semaphore_mem>>, %arg22: memref<!tpu.dma_semaphore, #tpu.memory_space<semaphore_mem>>, %arg23: memref<!tpu.dma_semaphore, #tpu.memory_space<semaphore_mem>>) attributes {dimension_semantics = [#tpu.dimension_semantics<core_parallel>, #tpu.dimension_semantics<subcore_parallel>], iteration_bounds = array<i64: 2, 16>, scalar_prefetch = 0 : i64, scratch_operands = 17 : i64, tpu.core_type = #tpu.core_type<sc_vector_subcore>, window_params = [{transform_indices = #map}, {transform_indices = #map1}, {transform_indices = #map1}, {transform_indices = #map}, {transform_indices = #map1}]} {
    %mul3A = arith.constant 16 : i32
    %mul3A_0 = arith.muli %arg0, %mul3A : i32
    %add3A = arith.addi %mul3A_0, %arg1 : i32
    "tpu.region"() ({
      %run_scoped3A = tpu.sem_alloc : memref<!tpu.dma_semaphore, #tpu.memory_space<semaphore_mem>>
      tpu.enqueue_dma source(%arg5 : memref<16x64xf32, #tpu.memory_space<hbm>>) target(%arg10 : memref<16x64xf32, #tpu.memory_space<vmem>>) target_semaphore(%run_scoped3A : memref<!tpu.dma_semaphore, #tpu.memory_space<semaphore_mem>>)
      tpu.wait_dma2 semaphore(%run_scoped3A : memref<!tpu.dma_semaphore, #tpu.memory_space<semaphore_mem>>) src(%arg5 : memref<16x64xf32, #tpu.memory_space<hbm>>) dst(%arg10 : memref<16x64xf32, #tpu.memory_space<vmem>>)
      tpu.yield
    }) : () -> ()
    "tpu.region"() ({
      %run_scoped3A = tpu.sem_alloc : memref<!tpu.dma_semaphore, #tpu.memory_space<semaphore_mem>>
      %dma_start3A_126 = arith.constant 0 : i32
      %dma_start3A_127 = arith.constant 0 : i32
      %dma_start3A_128 = tpu.memref_slice %arg3[%add3A, %dma_start3A_126, %dma_start3A_127] : memref<32x80x128xi32, #tpu.memory_space<hbm>> -> memref<1x80x128xi32, #tpu.memory_space<hbm>>
      %dma_start3A_129 = tpu.memref_squeeze %dma_start3A_128 : memref<1x80x128xi32, #tpu.memory_space<hbm>> -> memref<80x128xi32, #tpu.memory_space<hbm>>
      %dma_start3A_130 = arith.constant 0 : i32
      %dma_start3A_131 = arith.constant 0 : i32
      %dma_start3A_132 = tpu.memref_slice %arg3[%add3A, %dma_start3A_130, %dma_start3A_131] : memref<32x80x128xi32, #tpu.memory_space<hbm>> -> memref<1x80x128xi32, #tpu.memory_space<hbm>>
      %dma_start3A_133 = tpu.memref_squeeze %dma_start3A_132 : memref<1x80x128xi32, #tpu.memory_space<hbm>> -> memref<80x128xi32, #tpu.memory_space<hbm>>
      tpu.enqueue_dma source(%dma_start3A_133 : memref<80x128xi32, #tpu.memory_space<hbm>>) target(%arg8 : memref<80x128xi32, #tpu.memory_space<vmem>>) target_semaphore(%run_scoped3A : memref<!tpu.dma_semaphore, #tpu.memory_space<semaphore_mem>>)
      %dma_wait3A_134 = arith.constant 0 : i32
      %dma_wait3A_135 = arith.constant 0 : i32
      %dma_wait3A_136 = tpu.memref_slice %arg3[%add3A, %dma_wait3A_134, %dma_wait3A_135] : memref<32x80x128xi32, #tpu.memory_space<hbm>> -> memref<1x80x128xi32, #tpu.memory_space<hbm>>
      %dma_wait3A_137 = tpu.memref_squeeze %dma_wait3A_136 : memref<1x80x128xi32, #tpu.memory_space<hbm>> -> memref<80x128xi32, #tpu.memory_space<hbm>>
      %dma_wait3A_138 = arith.constant 0 : i32
      %dma_wait3A_139 = arith.constant 0 : i32
      %dma_wait3A_140 = tpu.memref_slice %arg3[%add3A, %dma_wait3A_138, %dma_wait3A_139] : memref<32x80x128xi32, #tpu.memory_space<hbm>> -> memref<1x80x128xi32, #tpu.memory_space<hbm>>
      %dma_wait3A_141 = tpu.memref_squeeze %dma_wait3A_140 : memref<1x80x128xi32, #tpu.memory_space<hbm>> -> memref<80x128xi32, #tpu.memory_space<hbm>>
      tpu.wait_dma2 semaphore(%run_scoped3A : memref<!tpu.dma_semaphore, #tpu.memory_space<semaphore_mem>>) src(%dma_wait3A_141 : memref<80x128xi32, #tpu.memory_space<hbm>>) dst(%arg8 : memref<80x128xi32, #tpu.memory_space<vmem>>)
      tpu.yield
    }) : () -> ()
    "tpu.region"() ({
      %run_scoped3A = tpu.sem_alloc : memref<!tpu.dma_semaphore, #tpu.memory_space<semaphore_mem>>
      %dma_start3A_126 = arith.constant 0 : i32
      %dma_start3A_127 = arith.constant 0 : i32
      %dma_start3A_128 = tpu.memref_slice %arg4[%add3A, %dma_start3A_126, %dma_start3A_127] : memref<32x80x128xi32, #tpu.memory_space<hbm>> -> memref<1x80x128xi32, #tpu.memory_space<hbm>>
      %dma_start3A_129 = tpu.memref_squeeze %dma_start3A_128 : memref<1x80x128xi32, #tpu.memory_space<hbm>> -> memref<80x128xi32, #tpu.memory_space<hbm>>
      %dma_start3A_130 = arith.constant 0 : i32
      %dma_start3A_131 = arith.constant 0 : i32
      %dma_start3A_132 = tpu.memref_slice %arg4[%add3A, %dma_start3A_130, %dma_start3A_131] : memref<32x80x128xi32, #tpu.memory_space<hbm>> -> memref<1x80x128xi32, #tpu.memory_space<hbm>>
      %dma_start3A_133 = tpu.memref_squeeze %dma_start3A_132 : memref<1x80x128xi32, #tpu.memory_space<hbm>> -> memref<80x128xi32, #tpu.memory_space<hbm>>
      tpu.enqueue_dma source(%dma_start3A_133 : memref<80x128xi32, #tpu.memory_space<hbm>>) target(%arg9 : memref<80x128xi32, #tpu.memory_space<vmem>>) target_semaphore(%run_scoped3A : memref<!tpu.dma_semaphore, #tpu.memory_space<semaphore_mem>>)
      %dma_wait3A_134 = arith.constant 0 : i32
      %dma_wait3A_135 = arith.constant 0 : i32
      %dma_wait3A_136 = tpu.memref_slice %arg4[%add3A, %dma_wait3A_134, %dma_wait3A_135] : memref<32x80x128xi32, #tpu.memory_space<hbm>> -> memref<1x80x128xi32, #tpu.memory_space<hbm>>
      %dma_wait3A_137 = tpu.memref_squeeze %dma_wait3A_136 : memref<1x80x128xi32, #tpu.memory_space<hbm>> -> memref<80x128xi32, #tpu.memory_space<hbm>>
      %dma_wait3A_138 = arith.constant 0 : i32
      %dma_wait3A_139 = arith.constant 0 : i32
      %dma_wait3A_140 = tpu.memref_slice %arg4[%add3A, %dma_wait3A_138, %dma_wait3A_139] : memref<32x80x128xi32, #tpu.memory_space<hbm>> -> memref<1x80x128xi32, #tpu.memory_space<hbm>>
      %dma_wait3A_141 = tpu.memref_squeeze %dma_wait3A_140 : memref<1x80x128xi32, #tpu.memory_space<hbm>> -> memref<80x128xi32, #tpu.memory_space<hbm>>
      tpu.wait_dma2 semaphore(%run_scoped3A : memref<!tpu.dma_semaphore, #tpu.memory_space<semaphore_mem>>) src(%dma_wait3A_141 : memref<80x128xi32, #tpu.memory_space<hbm>>) dst(%arg9 : memref<80x128xi32, #tpu.memory_space<vmem>>)
      tpu.yield
    }) : () -> ()
    %scan3A = arith.constant 0 : i32
    %scan3A_1 = arith.constant 40 : i32
    %scan3A_2 = arith.addi %scan3A, %scan3A_1 : i32
    %scan3A_3 = arith.constant 1 : i32
    scf.for %scan3A_126 = %scan3A to %scan3A_2 step %scan3A_3  : i32 {
      %mul3A_127 = arith.constant 1 : i32
      %mul3A_128 = arith.muli %scan3A_126, %mul3A_127 : i32
      %add3A_129 = arith.constant 0 : i32
      %add3A_130 = arith.addi %add3A_129, %mul3A_128 : i32
      %mul3A_131 = arith.constant 640 : i32
      %mul3A_132 = arith.muli %arg1, %mul3A_131 : i32
      %mul3A_133 = arith.constant 16 : i32
      %mul3A_134 = arith.muli %add3A_130, %mul3A_133 : i32
      %add3A_135 = arith.addi %mul3A_132, %mul3A_134 : i32
      "tpu.region"() ({
        %run_scoped3A = tpu.sem_alloc : memref<!tpu.dma_semaphore, #tpu.memory_space<semaphore_mem>>
        %dma_start3A_136 = arith.constant 0 : i32
        %dma_start3A_137 = tpu.memref_slice %arg7[%add3A_135, %dma_start3A_136] : memref<10240x64xf32, #tpu.memory_space<vmem_shared>> -> memref<16x64xf32, #tpu.memory_space<vmem_shared>>
        %dma_start3A_138 = arith.constant 0 : i32
        %dma_start3A_139 = tpu.memref_slice %arg7[%add3A_135, %dma_start3A_138] : memref<10240x64xf32, #tpu.memory_space<vmem_shared>> -> memref<16x64xf32, #tpu.memory_space<vmem_shared>>
        tpu.enqueue_dma source(%arg10 : memref<16x64xf32, #tpu.memory_space<vmem>>) target(%dma_start3A_139 : memref<16x64xf32, #tpu.memory_space<vmem_shared>>) target_semaphore(%run_scoped3A : memref<!tpu.dma_semaphore, #tpu.memory_space<semaphore_mem>>)
        %dma_wait3A_140 = arith.constant 0 : i32
        %dma_wait3A_141 = tpu.memref_slice %arg7[%add3A_135, %dma_wait3A_140] : memref<10240x64xf32, #tpu.memory_space<vmem_shared>> -> memref<16x64xf32, #tpu.memory_space<vmem_shared>>
        %dma_wait3A_142 = arith.constant 0 : i32
        %dma_wait3A_143 = tpu.memref_slice %arg7[%add3A_135, %dma_wait3A_142] : memref<10240x64xf32, #tpu.memory_space<vmem_shared>> -> memref<16x64xf32, #tpu.memory_space<vmem_shared>>
        tpu.wait_dma2 semaphore(%run_scoped3A : memref<!tpu.dma_semaphore, #tpu.memory_space<semaphore_mem>>) src(%arg10 : memref<16x64xf32, #tpu.memory_space<vmem>>) dst(%dma_wait3A_143 : memref<16x64xf32, #tpu.memory_space<vmem_shared>>)
        tpu.yield
      }) : () -> ()
    }
    %scan3A_4 = arith.constant 40 : i32
    %barrier3A = arith.constant 0 : index
    tpu.barrier barrier_id(%barrier3A)
    %dma_start3A = arith.constant 0 : i32
    %dma_start3A_5 = arith.constant 0 : i32
    %dma_start3A_6 = tpu.memref_slice %arg8[%dma_start3A, %dma_start3A_5] : memref<80x128xi32, #tpu.memory_space<vmem>> -> memref<1x128xi32, #tpu.memory_space<vmem>>
    %dma_start3A_7 = tpu.memref_squeeze %dma_start3A_6 : memref<1x128xi32, #tpu.memory_space<vmem>> -> memref<128xi32, #tpu.memory_space<vmem>>
    %dma_start3A_8 = arith.constant 0 : i32
    %dma_start3A_9 = arith.constant 0 : i32
    %dma_start3A_10 = tpu.memref_slice %arg2[%dma_start3A_8, %dma_start3A_9] : memref<20480x64xf32, #tpu.memory_space<hbm>> -> memref<20480x64xf32, #tpu.memory_space<hbm>>
    tpu.enqueue_indirect_dma source(%dma_start3A_10 : memref<20480x64xf32, #tpu.memory_space<hbm>>) target(%arg12 : memref<128x64xf32, #tpu.memory_space<vmem>>) offsets(%dma_start3A_7 : memref<128xi32, #tpu.memory_space<vmem>>) semaphore(%arg16 : memref<!tpu.dma_semaphore, #tpu.memory_space<semaphore_mem>>)
    %dma_start3A_11 = arith.constant 1 : i32
    %dma_start3A_12 = arith.constant 0 : i32
    %dma_start3A_13 = tpu.memref_slice %arg8[%dma_start3A_11, %dma_start3A_12] : memref<80x128xi32, #tpu.memory_space<vmem>> -> memref<1x128xi32, #tpu.memory_space<vmem>>
    %dma_start3A_14 = tpu.memref_squeeze %dma_start3A_13 : memref<1x128xi32, #tpu.memory_space<vmem>> -> memref<128xi32, #tpu.memory_space<vmem>>
    %dma_start3A_15 = arith.constant 0 : i32
    %dma_start3A_16 = arith.constant 0 : i32
    %dma_start3A_17 = tpu.memref_slice %arg2[%dma_start3A_15, %dma_start3A_16] : memref<20480x64xf32, #tpu.memory_space<hbm>> -> memref<20480x64xf32, #tpu.memory_space<hbm>>
    tpu.enqueue_indirect_dma source(%dma_start3A_17 : memref<20480x64xf32, #tpu.memory_space<hbm>>) target(%arg13 : memref<128x64xf32, #tpu.memory_space<vmem>>) offsets(%dma_start3A_14 : memref<128xi32, #tpu.memory_space<vmem>>) semaphore(%arg17 : memref<!tpu.dma_semaphore, #tpu.memory_space<semaphore_mem>>)
    %dma_start3A_18 = arith.constant 2 : i32
    %dma_start3A_19 = arith.constant 0 : i32
    %dma_start3A_20 = tpu.memref_slice %arg8[%dma_start3A_18, %dma_start3A_19] : memref<80x128xi32, #tpu.memory_space<vmem>> -> memref<1x128xi32, #tpu.memory_space<vmem>>
    %dma_start3A_21 = tpu.memref_squeeze %dma_start3A_20 : memref<1x128xi32, #tpu.memory_space<vmem>> -> memref<128xi32, #tpu.memory_space<vmem>>
    %dma_start3A_22 = arith.constant 0 : i32
    %dma_start3A_23 = arith.constant 0 : i32
    %dma_start3A_24 = tpu.memref_slice %arg2[%dma_start3A_22, %dma_start3A_23] : memref<20480x64xf32, #tpu.memory_space<hbm>> -> memref<20480x64xf32, #tpu.memory_space<hbm>>
    tpu.enqueue_indirect_dma source(%dma_start3A_24 : memref<20480x64xf32, #tpu.memory_space<hbm>>) target(%arg14 : memref<128x64xf32, #tpu.memory_space<vmem>>) offsets(%dma_start3A_21 : memref<128xi32, #tpu.memory_space<vmem>>) semaphore(%arg18 : memref<!tpu.dma_semaphore, #tpu.memory_space<semaphore_mem>>)
    %dma_start3A_25 = arith.constant 3 : i32
    %dma_start3A_26 = arith.constant 0 : i32
    %dma_start3A_27 = tpu.memref_slice %arg8[%dma_start3A_25, %dma_start3A_26] : memref<80x128xi32, #tpu.memory_space<vmem>> -> memref<1x128xi32, #tpu.memory_space<vmem>>
    %dma_start3A_28 = tpu.memref_squeeze %dma_start3A_27 : memref<1x128xi32, #tpu.memory_space<vmem>> -> memref<128xi32, #tpu.memory_space<vmem>>
    %dma_start3A_29 = arith.constant 0 : i32
    %dma_start3A_30 = arith.constant 0 : i32
    %dma_start3A_31 = tpu.memref_slice %arg2[%dma_start3A_29, %dma_start3A_30] : memref<20480x64xf32, #tpu.memory_space<hbm>> -> memref<20480x64xf32, #tpu.memory_space<hbm>>
    tpu.enqueue_indirect_dma source(%dma_start3A_31 : memref<20480x64xf32, #tpu.memory_space<hbm>>) target(%arg15 : memref<128x64xf32, #tpu.memory_space<vmem>>) offsets(%dma_start3A_28 : memref<128xi32, #tpu.memory_space<vmem>>) semaphore(%arg19 : memref<!tpu.dma_semaphore, #tpu.memory_space<semaphore_mem>>)
    %scan3A_32 = arith.constant 0 : i32
    %scan3A_33 = arith.constant 19 : i32
    %scan3A_34 = arith.addi %scan3A_32, %scan3A_33 : i32
    %scan3A_35 = arith.constant 1 : i32
    scf.for %scan3A_126 = %scan3A_32 to %scan3A_34 step %scan3A_35  : i32 {
      %mul3A_127 = arith.constant 1 : i32
      %mul3A_128 = arith.muli %scan3A_126, %mul3A_127 : i32
      %add3A_129 = arith.constant 0 : i32
      %add3A_130 = arith.addi %add3A_129, %mul3A_128 : i32
      %mul3A_131 = arith.constant 4 : i32
      %mul3A_132 = arith.muli %add3A_130, %mul3A_131 : i32
      %dma_wait3A_133 = arith.constant 0 : i32
      %dma_wait3A_134 = arith.constant 0 : i32
      %dma_wait3A_135 = tpu.memref_slice %arg8[%dma_wait3A_133, %dma_wait3A_134] : memref<80x128xi32, #tpu.memory_space<vmem>> -> memref<1x128xi32, #tpu.memory_space<vmem>>
      %dma_wait3A_136 = tpu.memref_squeeze %dma_wait3A_135 : memref<1x128xi32, #tpu.memory_space<vmem>> -> memref<128xi32, #tpu.memory_space<vmem>>
      %dma_wait3A_137 = arith.constant 0 : i32
      %dma_wait3A_138 = arith.constant 0 : i32
      %dma_wait3A_139 = tpu.memref_slice %arg2[%dma_wait3A_137, %dma_wait3A_138] : memref<20480x64xf32, #tpu.memory_space<hbm>> -> memref<20480x64xf32, #tpu.memory_space<hbm>>
      tpu.wait_indirect_dma semaphore(%arg16 : memref<!tpu.dma_semaphore, #tpu.memory_space<semaphore_mem>>) src(%dma_wait3A_139 : memref<20480x64xf32, #tpu.memory_space<hbm>>) dst(%arg12 : memref<128x64xf32, #tpu.memory_space<vmem>>)
      %add3A_140 = arith.constant 0 : i32
      %add3A_141 = arith.addi %mul3A_132, %add3A_140 : i32
      %dma_start3A_142 = arith.constant 0 : i32
      %dma_start3A_143 = tpu.memref_slice %arg9[%add3A_141, %dma_start3A_142] : memref<80x128xi32, #tpu.memory_space<vmem>> -> memref<1x128xi32, #tpu.memory_space<vmem>>
      %dma_start3A_144 = tpu.memref_squeeze %dma_start3A_143 : memref<1x128xi32, #tpu.memory_space<vmem>> -> memref<128xi32, #tpu.memory_space<vmem>>
      %dma_start3A_145 = arith.constant 0 : i32
      %dma_start3A_146 = arith.constant 0 : i32
      %dma_start3A_147 = tpu.memref_slice %arg7[%dma_start3A_145, %dma_start3A_146] : memref<10240x64xf32, #tpu.memory_space<vmem_shared>> -> memref<10240x64xf32, #tpu.memory_space<vmem_shared>>
      tpu.enqueue_indirect_dma source(%arg12 : memref<128x64xf32, #tpu.memory_space<vmem>>) target(%dma_start3A_147 : memref<10240x64xf32, #tpu.memory_space<vmem_shared>>) offsets(%dma_start3A_144 : memref<128xi32, #tpu.memory_space<vmem>>) semaphore(%arg20 : memref<!tpu.dma_semaphore, #tpu.memory_space<semaphore_mem>>) {add = true}
      %dma_wait3A_148 = arith.constant 0 : i32
      %dma_wait3A_149 = arith.constant 0 : i32
      %dma_wait3A_150 = tpu.memref_slice %arg8[%dma_wait3A_148, %dma_wait3A_149] : memref<80x128xi32, #tpu.memory_space<vmem>> -> memref<1x128xi32, #tpu.memory_space<vmem>>
      %dma_wait3A_151 = tpu.memref_squeeze %dma_wait3A_150 : memref<1x128xi32, #tpu.memory_space<vmem>> -> memref<128xi32, #tpu.memory_space<vmem>>
      %dma_wait3A_152 = arith.constant 0 : i32
      %dma_wait3A_153 = arith.constant 0 : i32
      %dma_wait3A_154 = tpu.memref_slice %arg2[%dma_wait3A_152, %dma_wait3A_153] : memref<20480x64xf32, #tpu.memory_space<hbm>> -> memref<20480x64xf32, #tpu.memory_space<hbm>>
      tpu.wait_indirect_dma semaphore(%arg17 : memref<!tpu.dma_semaphore, #tpu.memory_space<semaphore_mem>>) src(%dma_wait3A_154 : memref<20480x64xf32, #tpu.memory_space<hbm>>) dst(%arg13 : memref<128x64xf32, #tpu.memory_space<vmem>>)
      %add3A_155 = arith.constant 1 : i32
      %add3A_156 = arith.addi %mul3A_132, %add3A_155 : i32
      %dma_start3A_157 = arith.constant 0 : i32
      %dma_start3A_158 = tpu.memref_slice %arg9[%add3A_156, %dma_start3A_157] : memref<80x128xi32, #tpu.memory_space<vmem>> -> memref<1x128xi32, #tpu.memory_space<vmem>>
      %dma_start3A_159 = tpu.memref_squeeze %dma_start3A_158 : memref<1x128xi32, #tpu.memory_space<vmem>> -> memref<128xi32, #tpu.memory_space<vmem>>
      %dma_start3A_160 = arith.constant 0 : i32
      %dma_start3A_161 = arith.constant 0 : i32
      %dma_start3A_162 = tpu.memref_slice %arg7[%dma_start3A_160, %dma_start3A_161] : memref<10240x64xf32, #tpu.memory_space<vmem_shared>> -> memref<10240x64xf32, #tpu.memory_space<vmem_shared>>
      tpu.enqueue_indirect_dma source(%arg13 : memref<128x64xf32, #tpu.memory_space<vmem>>) target(%dma_start3A_162 : memref<10240x64xf32, #tpu.memory_space<vmem_shared>>) offsets(%dma_start3A_159 : memref<128xi32, #tpu.memory_space<vmem>>) semaphore(%arg21 : memref<!tpu.dma_semaphore, #tpu.memory_space<semaphore_mem>>) {add = true}
      %dma_wait3A_163 = arith.constant 0 : i32
      %dma_wait3A_164 = arith.constant 0 : i32
      %dma_wait3A_165 = tpu.memref_slice %arg8[%dma_wait3A_163, %dma_wait3A_164] : memref<80x128xi32, #tpu.memory_space<vmem>> -> memref<1x128xi32, #tpu.memory_space<vmem>>
      %dma_wait3A_166 = tpu.memref_squeeze %dma_wait3A_165 : memref<1x128xi32, #tpu.memory_space<vmem>> -> memref<128xi32, #tpu.memory_space<vmem>>
      %dma_wait3A_167 = arith.constant 0 : i32
      %dma_wait3A_168 = arith.constant 0 : i32
      %dma_wait3A_169 = tpu.memref_slice %arg2[%dma_wait3A_167, %dma_wait3A_168] : memref<20480x64xf32, #tpu.memory_space<hbm>> -> memref<20480x64xf32, #tpu.memory_space<hbm>>
      tpu.wait_indirect_dma semaphore(%arg18 : memref<!tpu.dma_semaphore, #tpu.memory_space<semaphore_mem>>) src(%dma_wait3A_169 : memref<20480x64xf32, #tpu.memory_space<hbm>>) dst(%arg14 : memref<128x64xf32, #tpu.memory_space<vmem>>)
      %add3A_170 = arith.constant 2 : i32
      %add3A_171 = arith.addi %mul3A_132, %add3A_170 : i32
      %dma_start3A_172 = arith.constant 0 : i32
      %dma_start3A_173 = tpu.memref_slice %arg9[%add3A_171, %dma_start3A_172] : memref<80x128xi32, #tpu.memory_space<vmem>> -> memref<1x128xi32, #tpu.memory_space<vmem>>
      %dma_start3A_174 = tpu.memref_squeeze %dma_start3A_173 : memref<1x128xi32, #tpu.memory_space<vmem>> -> memref<128xi32, #tpu.memory_space<vmem>>
      %dma_start3A_175 = arith.constant 0 : i32
      %dma_start3A_176 = arith.constant 0 : i32
      %dma_start3A_177 = tpu.memref_slice %arg7[%dma_start3A_175, %dma_start3A_176] : memref<10240x64xf32, #tpu.memory_space<vmem_shared>> -> memref<10240x64xf32, #tpu.memory_space<vmem_shared>>
      tpu.enqueue_indirect_dma source(%arg14 : memref<128x64xf32, #tpu.memory_space<vmem>>) target(%dma_start3A_177 : memref<10240x64xf32, #tpu.memory_space<vmem_shared>>) offsets(%dma_start3A_174 : memref<128xi32, #tpu.memory_space<vmem>>) semaphore(%arg22 : memref<!tpu.dma_semaphore, #tpu.memory_space<semaphore_mem>>) {add = true}
      %dma_wait3A_178 = arith.constant 0 : i32
      %dma_wait3A_179 = arith.constant 0 : i32
      %dma_wait3A_180 = tpu.memref_slice %arg8[%dma_wait3A_178, %dma_wait3A_179] : memref<80x128xi32, #tpu.memory_space<vmem>> -> memref<1x128xi32, #tpu.memory_space<vmem>>
      %dma_wait3A_181 = tpu.memref_squeeze %dma_wait3A_180 : memref<1x128xi32, #tpu.memory_space<vmem>> -> memref<128xi32, #tpu.memory_space<vmem>>
      %dma_wait3A_182 = arith.constant 0 : i32
      %dma_wait3A_183 = arith.constant 0 : i32
      %dma_wait3A_184 = tpu.memref_slice %arg2[%dma_wait3A_182, %dma_wait3A_183] : memref<20480x64xf32, #tpu.memory_space<hbm>> -> memref<20480x64xf32, #tpu.memory_space<hbm>>
      tpu.wait_indirect_dma semaphore(%arg19 : memref<!tpu.dma_semaphore, #tpu.memory_space<semaphore_mem>>) src(%dma_wait3A_184 : memref<20480x64xf32, #tpu.memory_space<hbm>>) dst(%arg15 : memref<128x64xf32, #tpu.memory_space<vmem>>)
      %add3A_185 = arith.constant 3 : i32
      %add3A_186 = arith.addi %mul3A_132, %add3A_185 : i32
      %dma_start3A_187 = arith.constant 0 : i32
      %dma_start3A_188 = tpu.memref_slice %arg9[%add3A_186, %dma_start3A_187] : memref<80x128xi32, #tpu.memory_space<vmem>> -> memref<1x128xi32, #tpu.memory_space<vmem>>
      %dma_start3A_189 = tpu.memref_squeeze %dma_start3A_188 : memref<1x128xi32, #tpu.memory_space<vmem>> -> memref<128xi32, #tpu.memory_space<vmem>>
      %dma_start3A_190 = arith.constant 0 : i32
      %dma_start3A_191 = arith.constant 0 : i32
      %dma_start3A_192 = tpu.memref_slice %arg7[%dma_start3A_190, %dma_start3A_191] : memref<10240x64xf32, #tpu.memory_space<vmem_shared>> -> memref<10240x64xf32, #tpu.memory_space<vmem_shared>>
      tpu.enqueue_indirect_dma source(%arg15 : memref<128x64xf32, #tpu.memory_space<vmem>>) target(%dma_start3A_192 : memref<10240x64xf32, #tpu.memory_space<vmem_shared>>) offsets(%dma_start3A_189 : memref<128xi32, #tpu.memory_space<vmem>>) semaphore(%arg23 : memref<!tpu.dma_semaphore, #tpu.memory_space<semaphore_mem>>) {add = true}
      %dma_wait3A_193 = arith.constant 0 : i32
      %dma_wait3A_194 = arith.constant 0 : i32
      %dma_wait3A_195 = tpu.memref_slice %arg9[%dma_wait3A_193, %dma_wait3A_194] : memref<80x128xi32, #tpu.memory_space<vmem>> -> memref<1x128xi32, #tpu.memory_space<vmem>>
      %dma_wait3A_196 = tpu.memref_squeeze %dma_wait3A_195 : memref<1x128xi32, #tpu.memory_space<vmem>> -> memref<128xi32, #tpu.memory_space<vmem>>
      %dma_wait3A_197 = arith.constant 0 : i32
      %dma_wait3A_198 = arith.constant 0 : i32
      %dma_wait3A_199 = tpu.memref_slice %arg7[%dma_wait3A_197, %dma_wait3A_198] : memref<10240x64xf32, #tpu.memory_space<vmem_shared>> -> memref<10240x64xf32, #tpu.memory_space<vmem_shared>>
      tpu.wait_indirect_dma semaphore(%arg20 : memref<!tpu.dma_semaphore, #tpu.memory_space<semaphore_mem>>) src(%arg12 : memref<128x64xf32, #tpu.memory_space<vmem>>) dst(%dma_wait3A_199 : memref<10240x64xf32, #tpu.memory_space<vmem_shared>>)
      %add3A_200 = arith.constant 4 : i32
      %add3A_201 = arith.addi %mul3A_132, %add3A_200 : i32
      %add3A_202 = arith.constant 0 : i32
      %add3A_203 = arith.addi %add3A_201, %add3A_202 : i32
      %dma_start3A_204 = arith.constant 0 : i32
      %dma_start3A_205 = tpu.memref_slice %arg8[%add3A_203, %dma_start3A_204] : memref<80x128xi32, #tpu.memory_space<vmem>> -> memref<1x128xi32, #tpu.memory_space<vmem>>
      %dma_start3A_206 = tpu.memref_squeeze %dma_start3A_205 : memref<1x128xi32, #tpu.memory_space<vmem>> -> memref<128xi32, #tpu.memory_space<vmem>>
      %dma_start3A_207 = arith.constant 0 : i32
      %dma_start3A_208 = arith.constant 0 : i32
      %dma_start3A_209 = tpu.memref_slice %arg2[%dma_start3A_207, %dma_start3A_208] : memref<20480x64xf32, #tpu.memory_space<hbm>> -> memref<20480x64xf32, #tpu.memory_space<hbm>>
      tpu.enqueue_indirect_dma source(%dma_start3A_209 : memref<20480x64xf32, #tpu.memory_space<hbm>>) target(%arg12 : memref<128x64xf32, #tpu.memory_space<vmem>>) offsets(%dma_start3A_206 : memref<128xi32, #tpu.memory_space<vmem>>) semaphore(%arg16 : memref<!tpu.dma_semaphore, #tpu.memory_space<semaphore_mem>>)
      %dma_wait3A_210 = arith.constant 0 : i32
      %dma_wait3A_211 = arith.constant 0 : i32
      %dma_wait3A_212 = tpu.memref_slice %arg9[%dma_wait3A_210, %dma_wait3A_211] : memref<80x128xi32, #tpu.memory_space<vmem>> -> memref<1x128xi32, #tpu.memory_space<vmem>>
      %dma_wait3A_213 = tpu.memref_squeeze %dma_wait3A_212 : memref<1x128xi32, #tpu.memory_space<vmem>> -> memref<128xi32, #tpu.memory_space<vmem>>
      %dma_wait3A_214 = arith.constant 0 : i32
      %dma_wait3A_215 = arith.constant 0 : i32
      %dma_wait3A_216 = tpu.memref_slice %arg7[%dma_wait3A_214, %dma_wait3A_215] : memref<10240x64xf32, #tpu.memory_space<vmem_shared>> -> memref<10240x64xf32, #tpu.memory_space<vmem_shared>>
      tpu.wait_indirect_dma semaphore(%arg21 : memref<!tpu.dma_semaphore, #tpu.memory_space<semaphore_mem>>) src(%arg13 : memref<128x64xf32, #tpu.memory_space<vmem>>) dst(%dma_wait3A_216 : memref<10240x64xf32, #tpu.memory_space<vmem_shared>>)
      %add3A_217 = arith.constant 4 : i32
      %add3A_218 = arith.addi %mul3A_132, %add3A_217 : i32
      %add3A_219 = arith.constant 1 : i32
      %add3A_220 = arith.addi %add3A_218, %add3A_219 : i32
      %dma_start3A_221 = arith.constant 0 : i32
      %dma_start3A_222 = tpu.memref_slice %arg8[%add3A_220, %dma_start3A_221] : memref<80x128xi32, #tpu.memory_space<vmem>> -> memref<1x128xi32, #tpu.memory_space<vmem>>
      %dma_start3A_223 = tpu.memref_squeeze %dma_start3A_222 : memref<1x128xi32, #tpu.memory_space<vmem>> -> memref<128xi32, #tpu.memory_space<vmem>>
      %dma_start3A_224 = arith.constant 0 : i32
      %dma_start3A_225 = arith.constant 0 : i32
      %dma_start3A_226 = tpu.memref_slice %arg2[%dma_start3A_224, %dma_start3A_225] : memref<20480x64xf32, #tpu.memory_space<hbm>> -> memref<20480x64xf32, #tpu.memory_space<hbm>>
      tpu.enqueue_indirect_dma source(%dma_start3A_226 : memref<20480x64xf32, #tpu.memory_space<hbm>>) target(%arg13 : memref<128x64xf32, #tpu.memory_space<vmem>>) offsets(%dma_start3A_223 : memref<128xi32, #tpu.memory_space<vmem>>) semaphore(%arg17 : memref<!tpu.dma_semaphore, #tpu.memory_space<semaphore_mem>>)
      %dma_wait3A_227 = arith.constant 0 : i32
      %dma_wait3A_228 = arith.constant 0 : i32
      %dma_wait3A_229 = tpu.memref_slice %arg9[%dma_wait3A_227, %dma_wait3A_228] : memref<80x128xi32, #tpu.memory_space<vmem>> -> memref<1x128xi32, #tpu.memory_space<vmem>>
      %dma_wait3A_230 = tpu.memref_squeeze %dma_wait3A_229 : memref<1x128xi32, #tpu.memory_space<vmem>> -> memref<128xi32, #tpu.memory_space<vmem>>
      %dma_wait3A_231 = arith.constant 0 : i32
      %dma_wait3A_232 = arith.constant 0 : i32
      %dma_wait3A_233 = tpu.memref_slice %arg7[%dma_wait3A_231, %dma_wait3A_232] : memref<10240x64xf32, #tpu.memory_space<vmem_shared>> -> memref<10240x64xf32, #tpu.memory_space<vmem_shared>>
      tpu.wait_indirect_dma semaphore(%arg22 : memref<!tpu.dma_semaphore, #tpu.memory_space<semaphore_mem>>) src(%arg14 : memref<128x64xf32, #tpu.memory_space<vmem>>) dst(%dma_wait3A_233 : memref<10240x64xf32, #tpu.memory_space<vmem_shared>>)
      %add3A_234 = arith.constant 4 : i32
      %add3A_235 = arith.addi %mul3A_132, %add3A_234 : i32
      %add3A_236 = arith.constant 2 : i32
      %add3A_237 = arith.addi %add3A_235, %add3A_236 : i32
      %dma_start3A_238 = arith.constant 0 : i32
      %dma_start3A_239 = tpu.memref_slice %arg8[%add3A_237, %dma_start3A_238] : memref<80x128xi32, #tpu.memory_space<vmem>> -> memref<1x128xi32, #tpu.memory_space<vmem>>
      %dma_start3A_240 = tpu.memref_squeeze %dma_start3A_239 : memref<1x128xi32, #tpu.memory_space<vmem>> -> memref<128xi32, #tpu.memory_space<vmem>>
      %dma_start3A_241 = arith.constant 0 : i32
      %dma_start3A_242 = arith.constant 0 : i32
      %dma_start3A_243 = tpu.memref_slice %arg2[%dma_start3A_241, %dma_start3A_242] : memref<20480x64xf32, #tpu.memory_space<hbm>> -> memref<20480x64xf32, #tpu.memory_space<hbm>>
      tpu.enqueue_indirect_dma source(%dma_start3A_243 : memref<20480x64xf32, #tpu.memory_space<hbm>>) target(%arg14 : memref<128x64xf32, #tpu.memory_space<vmem>>) offsets(%dma_start3A_240 : memref<128xi32, #tpu.memory_space<vmem>>) semaphore(%arg18 : memref<!tpu.dma_semaphore, #tpu.memory_space<semaphore_mem>>)
      %dma_wait3A_244 = arith.constant 0 : i32
      %dma_wait3A_245 = arith.constant 0 : i32
      %dma_wait3A_246 = tpu.memref_slice %arg9[%dma_wait3A_244, %dma_wait3A_245] : memref<80x128xi32, #tpu.memory_space<vmem>> -> memref<1x128xi32, #tpu.memory_space<vmem>>
      %dma_wait3A_247 = tpu.memref_squeeze %dma_wait3A_246 : memref<1x128xi32, #tpu.memory_space<vmem>> -> memref<128xi32, #tpu.memory_space<vmem>>
      %dma_wait3A_248 = arith.constant 0 : i32
      %dma_wait3A_249 = arith.constant 0 : i32
      %dma_wait3A_250 = tpu.memref_slice %arg7[%dma_wait3A_248, %dma_wait3A_249] : memref<10240x64xf32, #tpu.memory_space<vmem_shared>> -> memref<10240x64xf32, #tpu.memory_space<vmem_shared>>
      tpu.wait_indirect_dma semaphore(%arg23 : memref<!tpu.dma_semaphore, #tpu.memory_space<semaphore_mem>>) src(%arg15 : memref<128x64xf32, #tpu.memory_space<vmem>>) dst(%dma_wait3A_250 : memref<10240x64xf32, #tpu.memory_space<vmem_shared>>)
      %add3A_251 = arith.constant 4 : i32
      %add3A_252 = arith.addi %mul3A_132, %add3A_251 : i32
      %add3A_253 = arith.constant 3 : i32
      %add3A_254 = arith.addi %add3A_252, %add3A_253 : i32
      %dma_start3A_255 = arith.constant 0 : i32
      %dma_start3A_256 = tpu.memref_slice %arg8[%add3A_254, %dma_start3A_255] : memref<80x128xi32, #tpu.memory_space<vmem>> -> memref<1x128xi32, #tpu.memory_space<vmem>>
      %dma_start3A_257 = tpu.memref_squeeze %dma_start3A_256 : memref<1x128xi32, #tpu.memory_space<vmem>> -> memref<128xi32, #tpu.memory_space<vmem>>
      %dma_start3A_258 = arith.constant 0 : i32
      %dma_start3A_259 = arith.constant 0 : i32
      %dma_start3A_260 = tpu.memref_slice %arg2[%dma_start3A_258, %dma_start3A_259] : memref<20480x64xf32, #tpu.memory_space<hbm>> -> memref<20480x64xf32, #tpu.memory_space<hbm>>
      tpu.enqueue_indirect_dma source(%dma_start3A_260 : memref<20480x64xf32, #tpu.memory_space<hbm>>) target(%arg15 : memref<128x64xf32, #tpu.memory_space<vmem>>) offsets(%dma_start3A_257 : memref<128xi32, #tpu.memory_space<vmem>>) semaphore(%arg19 : memref<!tpu.dma_semaphore, #tpu.memory_space<semaphore_mem>>)
    }
    %scan3A_36 = arith.constant 19 : i32
    %dma_wait3A = arith.constant 0 : i32
    %dma_wait3A_37 = arith.constant 0 : i32
    %dma_wait3A_38 = tpu.memref_slice %arg8[%dma_wait3A, %dma_wait3A_37] : memref<80x128xi32, #tpu.memory_space<vmem>> -> memref<1x128xi32, #tpu.memory_space<vmem>>
    %dma_wait3A_39 = tpu.memref_squeeze %dma_wait3A_38 : memref<1x128xi32, #tpu.memory_space<vmem>> -> memref<128xi32, #tpu.memory_space<vmem>>
    %dma_wait3A_40 = arith.constant 0 : i32
    %dma_wait3A_41 = arith.constant 0 : i32
    %dma_wait3A_42 = tpu.memref_slice %arg2[%dma_wait3A_40, %dma_wait3A_41] : memref<20480x64xf32, #tpu.memory_space<hbm>> -> memref<20480x64xf32, #tpu.memory_space<hbm>>
    tpu.wait_indirect_dma semaphore(%arg16 : memref<!tpu.dma_semaphore, #tpu.memory_space<semaphore_mem>>) src(%dma_wait3A_42 : memref<20480x64xf32, #tpu.memory_space<hbm>>) dst(%arg12 : memref<128x64xf32, #tpu.memory_space<vmem>>)
    %dma_start3A_43 = arith.constant 76 : i32
    %dma_start3A_44 = arith.constant 0 : i32
    %dma_start3A_45 = tpu.memref_slice %arg9[%dma_start3A_43, %dma_start3A_44] : memref<80x128xi32, #tpu.memory_space<vmem>> -> memref<1x128xi32, #tpu.memory_space<vmem>>
    %dma_start3A_46 = tpu.memref_squeeze %dma_start3A_45 : memref<1x128xi32, #tpu.memory_space<vmem>> -> memref<128xi32, #tpu.memory_space<vmem>>
    %dma_start3A_47 = arith.constant 0 : i32
    %dma_start3A_48 = arith.constant 0 : i32
    %dma_start3A_49 = tpu.memref_slice %arg7[%dma_start3A_47, %dma_start3A_48] : memref<10240x64xf32, #tpu.memory_space<vmem_shared>> -> memref<10240x64xf32, #tpu.memory_space<vmem_shared>>
    tpu.enqueue_indirect_dma source(%arg12 : memref<128x64xf32, #tpu.memory_space<vmem>>) target(%dma_start3A_49 : memref<10240x64xf32, #tpu.memory_space<vmem_shared>>) offsets(%dma_start3A_46 : memref<128xi32, #tpu.memory_space<vmem>>) semaphore(%arg20 : memref<!tpu.dma_semaphore, #tpu.memory_space<semaphore_mem>>) {add = true}
    %dma_wait3A_50 = arith.constant 0 : i32
    %dma_wait3A_51 = arith.constant 0 : i32
    %dma_wait3A_52 = tpu.memref_slice %arg8[%dma_wait3A_50, %dma_wait3A_51] : memref<80x128xi32, #tpu.memory_space<vmem>> -> memref<1x128xi32, #tpu.memory_space<vmem>>
    %dma_wait3A_53 = tpu.memref_squeeze %dma_wait3A_52 : memref<1x128xi32, #tpu.memory_space<vmem>> -> memref<128xi32, #tpu.memory_space<vmem>>
    %dma_wait3A_54 = arith.constant 0 : i32
    %dma_wait3A_55 = arith.constant 0 : i32
    %dma_wait3A_56 = tpu.memref_slice %arg2[%dma_wait3A_54, %dma_wait3A_55] : memref<20480x64xf32, #tpu.memory_space<hbm>> -> memref<20480x64xf32, #tpu.memory_space<hbm>>
    tpu.wait_indirect_dma semaphore(%arg17 : memref<!tpu.dma_semaphore, #tpu.memory_space<semaphore_mem>>) src(%dma_wait3A_56 : memref<20480x64xf32, #tpu.memory_space<hbm>>) dst(%arg13 : memref<128x64xf32, #tpu.memory_space<vmem>>)
    %dma_start3A_57 = arith.constant 77 : i32
    %dma_start3A_58 = arith.constant 0 : i32
    %dma_start3A_59 = tpu.memref_slice %arg9[%dma_start3A_57, %dma_start3A_58] : memref<80x128xi32, #tpu.memory_space<vmem>> -> memref<1x128xi32, #tpu.memory_space<vmem>>
    %dma_start3A_60 = tpu.memref_squeeze %dma_start3A_59 : memref<1x128xi32, #tpu.memory_space<vmem>> -> memref<128xi32, #tpu.memory_space<vmem>>
    %dma_start3A_61 = arith.constant 0 : i32
    %dma_start3A_62 = arith.constant 0 : i32
    %dma_start3A_63 = tpu.memref_slice %arg7[%dma_start3A_61, %dma_start3A_62] : memref<10240x64xf32, #tpu.memory_space<vmem_shared>> -> memref<10240x64xf32, #tpu.memory_space<vmem_shared>>
    tpu.enqueue_indirect_dma source(%arg13 : memref<128x64xf32, #tpu.memory_space<vmem>>) target(%dma_start3A_63 : memref<10240x64xf32, #tpu.memory_space<vmem_shared>>) offsets(%dma_start3A_60 : memref<128xi32, #tpu.memory_space<vmem>>) semaphore(%arg21 : memref<!tpu.dma_semaphore, #tpu.memory_space<semaphore_mem>>) {add = true}
    %dma_wait3A_64 = arith.constant 0 : i32
    %dma_wait3A_65 = arith.constant 0 : i32
    %dma_wait3A_66 = tpu.memref_slice %arg8[%dma_wait3A_64, %dma_wait3A_65] : memref<80x128xi32, #tpu.memory_space<vmem>> -> memref<1x128xi32, #tpu.memory_space<vmem>>
    %dma_wait3A_67 = tpu.memref_squeeze %dma_wait3A_66 : memref<1x128xi32, #tpu.memory_space<vmem>> -> memref<128xi32, #tpu.memory_space<vmem>>
    %dma_wait3A_68 = arith.constant 0 : i32
    %dma_wait3A_69 = arith.constant 0 : i32
    %dma_wait3A_70 = tpu.memref_slice %arg2[%dma_wait3A_68, %dma_wait3A_69] : memref<20480x64xf32, #tpu.memory_space<hbm>> -> memref<20480x64xf32, #tpu.memory_space<hbm>>
    tpu.wait_indirect_dma semaphore(%arg18 : memref<!tpu.dma_semaphore, #tpu.memory_space<semaphore_mem>>) src(%dma_wait3A_70 : memref<20480x64xf32, #tpu.memory_space<hbm>>) dst(%arg14 : memref<128x64xf32, #tpu.memory_space<vmem>>)
    %dma_start3A_71 = arith.constant 78 : i32
    %dma_start3A_72 = arith.constant 0 : i32
    %dma_start3A_73 = tpu.memref_slice %arg9[%dma_start3A_71, %dma_start3A_72] : memref<80x128xi32, #tpu.memory_space<vmem>> -> memref<1x128xi32, #tpu.memory_space<vmem>>
    %dma_start3A_74 = tpu.memref_squeeze %dma_start3A_73 : memref<1x128xi32, #tpu.memory_space<vmem>> -> memref<128xi32, #tpu.memory_space<vmem>>
    %dma_start3A_75 = arith.constant 0 : i32
    %dma_start3A_76 = arith.constant 0 : i32
    %dma_start3A_77 = tpu.memref_slice %arg7[%dma_start3A_75, %dma_start3A_76] : memref<10240x64xf32, #tpu.memory_space<vmem_shared>> -> memref<10240x64xf32, #tpu.memory_space<vmem_shared>>
    tpu.enqueue_indirect_dma source(%arg14 : memref<128x64xf32, #tpu.memory_space<vmem>>) target(%dma_start3A_77 : memref<10240x64xf32, #tpu.memory_space<vmem_shared>>) offsets(%dma_start3A_74 : memref<128xi32, #tpu.memory_space<vmem>>) semaphore(%arg22 : memref<!tpu.dma_semaphore, #tpu.memory_space<semaphore_mem>>) {add = true}
    %dma_wait3A_78 = arith.constant 0 : i32
    %dma_wait3A_79 = arith.constant 0 : i32
    %dma_wait3A_80 = tpu.memref_slice %arg8[%dma_wait3A_78, %dma_wait3A_79] : memref<80x128xi32, #tpu.memory_space<vmem>> -> memref<1x128xi32, #tpu.memory_space<vmem>>
    %dma_wait3A_81 = tpu.memref_squeeze %dma_wait3A_80 : memref<1x128xi32, #tpu.memory_space<vmem>> -> memref<128xi32, #tpu.memory_space<vmem>>
    %dma_wait3A_82 = arith.constant 0 : i32
    %dma_wait3A_83 = arith.constant 0 : i32
    %dma_wait3A_84 = tpu.memref_slice %arg2[%dma_wait3A_82, %dma_wait3A_83] : memref<20480x64xf32, #tpu.memory_space<hbm>> -> memref<20480x64xf32, #tpu.memory_space<hbm>>
    tpu.wait_indirect_dma semaphore(%arg19 : memref<!tpu.dma_semaphore, #tpu.memory_space<semaphore_mem>>) src(%dma_wait3A_84 : memref<20480x64xf32, #tpu.memory_space<hbm>>) dst(%arg15 : memref<128x64xf32, #tpu.memory_space<vmem>>)
    %dma_start3A_85 = arith.constant 79 : i32
    %dma_start3A_86 = arith.constant 0 : i32
    %dma_start3A_87 = tpu.memref_slice %arg9[%dma_start3A_85, %dma_start3A_86] : memref<80x128xi32, #tpu.memory_space<vmem>> -> memref<1x128xi32, #tpu.memory_space<vmem>>
    %dma_start3A_88 = tpu.memref_squeeze %dma_start3A_87 : memref<1x128xi32, #tpu.memory_space<vmem>> -> memref<128xi32, #tpu.memory_space<vmem>>
    %dma_start3A_89 = arith.constant 0 : i32
    %dma_start3A_90 = arith.constant 0 : i32
    %dma_start3A_91 = tpu.memref_slice %arg7[%dma_start3A_89, %dma_start3A_90] : memref<10240x64xf32, #tpu.memory_space<vmem_shared>> -> memref<10240x64xf32, #tpu.memory_space<vmem_shared>>
    tpu.enqueue_indirect_dma source(%arg15 : memref<128x64xf32, #tpu.memory_space<vmem>>) target(%dma_start3A_91 : memref<10240x64xf32, #tpu.memory_space<vmem_shared>>) offsets(%dma_start3A_88 : memref<128xi32, #tpu.memory_space<vmem>>) semaphore(%arg23 : memref<!tpu.dma_semaphore, #tpu.memory_space<semaphore_mem>>) {add = true}
    %dma_wait3A_92 = arith.constant 0 : i32
    %dma_wait3A_93 = arith.constant 0 : i32
    %dma_wait3A_94 = tpu.memref_slice %arg9[%dma_wait3A_92, %dma_wait3A_93] : memref<80x128xi32, #tpu.memory_space<vmem>> -> memref<1x128xi32, #tpu.memory_space<vmem>>
    %dma_wait3A_95 = tpu.memref_squeeze %dma_wait3A_94 : memref<1x128xi32, #tpu.memory_space<vmem>> -> memref<128xi32, #tpu.memory_space<vmem>>
    %dma_wait3A_96 = arith.constant 0 : i32
    %dma_wait3A_97 = arith.constant 0 : i32
    %dma_wait3A_98 = tpu.memref_slice %arg7[%dma_wait3A_96, %dma_wait3A_97] : memref<10240x64xf32, #tpu.memory_space<vmem_shared>> -> memref<10240x64xf32, #tpu.memory_space<vmem_shared>>
    tpu.wait_indirect_dma semaphore(%arg20 : memref<!tpu.dma_semaphore, #tpu.memory_space<semaphore_mem>>) src(%arg12 : memref<128x64xf32, #tpu.memory_space<vmem>>) dst(%dma_wait3A_98 : memref<10240x64xf32, #tpu.memory_space<vmem_shared>>)
    %dma_wait3A_99 = arith.constant 0 : i32
    %dma_wait3A_100 = arith.constant 0 : i32
    %dma_wait3A_101 = tpu.memref_slice %arg9[%dma_wait3A_99, %dma_wait3A_100] : memref<80x128xi32, #tpu.memory_space<vmem>> -> memref<1x128xi32, #tpu.memory_space<vmem>>
    %dma_wait3A_102 = tpu.memref_squeeze %dma_wait3A_101 : memref<1x128xi32, #tpu.memory_space<vmem>> -> memref<128xi32, #tpu.memory_space<vmem>>
    %dma_wait3A_103 = arith.constant 0 : i32
    %dma_wait3A_104 = arith.constant 0 : i32
    %dma_wait3A_105 = tpu.memref_slice %arg7[%dma_wait3A_103, %dma_wait3A_104] : memref<10240x64xf32, #tpu.memory_space<vmem_shared>> -> memref<10240x64xf32, #tpu.memory_space<vmem_shared>>
    tpu.wait_indirect_dma semaphore(%arg21 : memref<!tpu.dma_semaphore, #tpu.memory_space<semaphore_mem>>) src(%arg13 : memref<128x64xf32, #tpu.memory_space<vmem>>) dst(%dma_wait3A_105 : memref<10240x64xf32, #tpu.memory_space<vmem_shared>>)
    %dma_wait3A_106 = arith.constant 0 : i32
    %dma_wait3A_107 = arith.constant 0 : i32
    %dma_wait3A_108 = tpu.memref_slice %arg9[%dma_wait3A_106, %dma_wait3A_107] : memref<80x128xi32, #tpu.memory_space<vmem>> -> memref<1x128xi32, #tpu.memory_space<vmem>>
    %dma_wait3A_109 = tpu.memref_squeeze %dma_wait3A_108 : memref<1x128xi32, #tpu.memory_space<vmem>> -> memref<128xi32, #tpu.memory_space<vmem>>
    %dma_wait3A_110 = arith.constant 0 : i32
    %dma_wait3A_111 = arith.constant 0 : i32
    %dma_wait3A_112 = tpu.memref_slice %arg7[%dma_wait3A_110, %dma_wait3A_111] : memref<10240x64xf32, #tpu.memory_space<vmem_shared>> -> memref<10240x64xf32, #tpu.memory_space<vmem_shared>>
    tpu.wait_indirect_dma semaphore(%arg22 : memref<!tpu.dma_semaphore, #tpu.memory_space<semaphore_mem>>) src(%arg14 : memref<128x64xf32, #tpu.memory_space<vmem>>) dst(%dma_wait3A_112 : memref<10240x64xf32, #tpu.memory_space<vmem_shared>>)
    %dma_wait3A_113 = arith.constant 0 : i32
    %dma_wait3A_114 = arith.constant 0 : i32
    %dma_wait3A_115 = tpu.memref_slice %arg9[%dma_wait3A_113, %dma_wait3A_114] : memref<80x128xi32, #tpu.memory_space<vmem>> -> memref<1x128xi32, #tpu.memory_space<vmem>>
    %dma_wait3A_116 = tpu.memref_squeeze %dma_wait3A_115 : memref<1x128xi32, #tpu.memory_space<vmem>> -> memref<128xi32, #tpu.memory_space<vmem>>
    %dma_wait3A_117 = arith.constant 0 : i32
    %dma_wait3A_118 = arith.constant 0 : i32
    %dma_wait3A_119 = tpu.memref_slice %arg7[%dma_wait3A_117, %dma_wait3A_118] : memref<10240x64xf32, #tpu.memory_space<vmem_shared>> -> memref<10240x64xf32, #tpu.memory_space<vmem_shared>>
    tpu.wait_indirect_dma semaphore(%arg23 : memref<!tpu.dma_semaphore, #tpu.memory_space<semaphore_mem>>) src(%arg15 : memref<128x64xf32, #tpu.memory_space<vmem>>) dst(%dma_wait3A_119 : memref<10240x64xf32, #tpu.memory_space<vmem_shared>>)
    %barrier3A_120 = arith.constant 0 : index
    tpu.barrier barrier_id(%barrier3A_120)
    %scan3A_121 = arith.constant 0 : i32
    %scan3A_122 = arith.constant 4 : i32
    %scan3A_123 = arith.addi %scan3A_121, %scan3A_122 : i32
    %scan3A_124 = arith.constant 1 : i32
    scf.for %scan3A_126 = %scan3A_121 to %scan3A_123 step %scan3A_124  : i32 {
      %mul3A_127 = arith.constant 1 : i32
      %mul3A_128 = arith.muli %scan3A_126, %mul3A_127 : i32
      %add3A_129 = arith.constant 0 : i32
      %add3A_130 = arith.addi %add3A_129, %mul3A_128 : i32
      %mul3A_131 = arith.constant 640 : i32
      %mul3A_132 = arith.muli %arg1, %mul3A_131 : i32
      %mul3A_133 = arith.constant 160 : i32
      %mul3A_134 = arith.muli %add3A_130, %mul3A_133 : i32
      %add3A_135 = arith.addi %mul3A_132, %mul3A_134 : i32
      "tpu.region"() ({
        %run_scoped3A = tpu.sem_alloc : memref<!tpu.dma_semaphore, #tpu.memory_space<semaphore_mem>>
        %dma_start3A_136 = arith.constant 0 : i32
        %dma_start3A_137 = tpu.memref_slice %arg7[%add3A_135, %dma_start3A_136] : memref<10240x64xf32, #tpu.memory_space<vmem_shared>> -> memref<160x64xf32, #tpu.memory_space<vmem_shared>>
        %dma_start3A_138 = arith.constant 0 : i32
        %dma_start3A_139 = tpu.memref_slice %arg7[%add3A_135, %dma_start3A_138] : memref<10240x64xf32, #tpu.memory_space<vmem_shared>> -> memref<160x64xf32, #tpu.memory_space<vmem_shared>>
        tpu.enqueue_dma source(%dma_start3A_139 : memref<160x64xf32, #tpu.memory_space<vmem_shared>>) target(%arg11 : memref<160x64xf32, #tpu.memory_space<vmem>>) target_semaphore(%run_scoped3A : memref<!tpu.dma_semaphore, #tpu.memory_space<semaphore_mem>>)
        %dma_wait3A_140 = arith.constant 0 : i32
        %dma_wait3A_141 = tpu.memref_slice %arg7[%add3A_135, %dma_wait3A_140] : memref<10240x64xf32, #tpu.memory_space<vmem_shared>> -> memref<160x64xf32, #tpu.memory_space<vmem_shared>>
        %dma_wait3A_142 = arith.constant 0 : i32
        %dma_wait3A_143 = tpu.memref_slice %arg7[%add3A_135, %dma_wait3A_142] : memref<10240x64xf32, #tpu.memory_space<vmem_shared>> -> memref<160x64xf32, #tpu.memory_space<vmem_shared>>
        tpu.wait_dma2 semaphore(%run_scoped3A : memref<!tpu.dma_semaphore, #tpu.memory_space<semaphore_mem>>) src(%dma_wait3A_143 : memref<160x64xf32, #tpu.memory_space<vmem_shared>>) dst(%arg11 : memref<160x64xf32, #tpu.memory_space<vmem>>)
        tpu.yield
      }) : () -> ()
      "tpu.region"() ({
        %run_scoped3A = tpu.sem_alloc : memref<!tpu.dma_semaphore, #tpu.memory_space<semaphore_mem>>
        %dma_start3A_136 = arith.constant 0 : i32
        %dma_start3A_137 = tpu.memref_slice %arg6[%arg0, %add3A_135, %dma_start3A_136] : memref<2x10240x128xf32, #tpu.memory_space<hbm>> -> memref<1x160x64xf32, #tpu.memory_space<hbm>>
        %dma_start3A_138 = tpu.memref_squeeze %dma_start3A_137 : memref<1x160x64xf32, #tpu.memory_space<hbm>> -> memref<160x64xf32, #tpu.memory_space<hbm>>
        %dma_start3A_139 = arith.constant 0 : i32
        %dma_start3A_140 = tpu.memref_slice %arg6[%arg0, %add3A_135, %dma_start3A_139] : memref<2x10240x128xf32, #tpu.memory_space<hbm>> -> memref<1x160x64xf32, #tpu.memory_space<hbm>>
        %dma_start3A_141 = tpu.memref_squeeze %dma_start3A_140 : memref<1x160x64xf32, #tpu.memory_space<hbm>> -> memref<160x64xf32, #tpu.memory_space<hbm>>
        tpu.enqueue_dma source(%arg11 : memref<160x64xf32, #tpu.memory_space<vmem>>) target(%dma_start3A_141 : memref<160x64xf32, #tpu.memory_space<hbm>>) target_semaphore(%run_scoped3A : memref<!tpu.dma_semaphore, #tpu.memory_space<semaphore_mem>>)
        %dma_wait3A_142 = arith.constant 0 : i32
        %dma_wait3A_143 = tpu.memref_slice %arg6[%arg0, %add3A_135, %dma_wait3A_142] : memref<2x10240x128xf32, #tpu.memory_space<hbm>> -> memref<1x160x64xf32, #tpu.memory_space<hbm>>
        %dma_wait3A_144 = tpu.memref_squeeze %dma_wait3A_143 : memref<1x160x64xf32, #tpu.memory_space<hbm>> -> memref<160x64xf32, #tpu.memory_space<hbm>>
        %dma_wait3A_145 = arith.constant 0 : i32
        %dma_wait3A_146 = tpu.memref_slice %arg6[%arg0, %add3A_135, %dma_wait3A_145] : memref<2x10240x128xf32, #tpu.memory_space<hbm>> -> memref<1x160x64xf32, #tpu.memory_space<hbm>>
        %dma_wait3A_147 = tpu.memref_squeeze %dma_wait3A_146 : memref<1x160x64xf32, #tpu.memory_space<hbm>> -> memref<160x64xf32, #tpu.memory_space<hbm>>
        tpu.wait_dma2 semaphore(%run_scoped3A : memref<!tpu.dma_semaphore, #tpu.memory_space<semaphore_mem>>) src(%arg11 : memref<160x64xf32, #tpu.memory_space<vmem>>) dst(%dma_wait3A_147 : memref<160x64xf32, #tpu.memory_space<hbm>>)
        tpu.yield
      }) : () -> ()
    }
    %scan3A_125 = arith.constant 4 : i32
    return
  }
}

#map = affine_map<(d0, d1) -> (0, 0, 0)>
#map1 = affine_map<(d0, d1) -> (0, 0)>
module attributes {stable_mosaic.version = 14 : i64} {
  func.func @sc_hist(%arg0: i32, %arg1: i32, %arg2: memref<32x80x128xi32, #tpu.memory_space<hbm>>, %arg3: memref<128x16xf32, #tpu.memory_space<hbm>>, %arg4: memref<16x16xf32, #tpu.memory_space<hbm>>, %arg5: memref<2x10240x128xf32, #tpu.memory_space<hbm>>, %arg6: memref<10240x16xf32, #tpu.memory_space<vmem_shared>>, %arg7: memref<80x128xi32, #tpu.memory_space<vmem>>, %arg8: memref<128x16xf32, #tpu.memory_space<vmem>>, %arg9: memref<16x16xf32, #tpu.memory_space<vmem>>, %arg10: memref<160x16xf32, #tpu.memory_space<vmem>>, %arg11: memref<!tpu.dma_semaphore, #tpu.memory_space<semaphore_mem>>) attributes {dimension_semantics = [#tpu.dimension_semantics<core_parallel>, #tpu.dimension_semantics<subcore_parallel>], iteration_bounds = array<i64: 2, 16>, scalar_prefetch = 0 : i64, scratch_operands = 6 : i64, tpu.core_type = #tpu.core_type<sc_vector_subcore>, window_params = [{transform_indices = #map}, {transform_indices = #map1}, {transform_indices = #map1}, {transform_indices = #map}]} {
    %mul3A = arith.constant 16 : i32
    %mul3A_0 = arith.muli %arg0, %mul3A : i32
    %add3A = arith.addi %mul3A_0, %arg1 : i32
    "tpu.region"() ({
      %run_scoped3A = tpu.sem_alloc : memref<!tpu.dma_semaphore, #tpu.memory_space<semaphore_mem>>
      tpu.enqueue_dma source(%arg3 : memref<128x16xf32, #tpu.memory_space<hbm>>) target(%arg8 : memref<128x16xf32, #tpu.memory_space<vmem>>) target_semaphore(%run_scoped3A : memref<!tpu.dma_semaphore, #tpu.memory_space<semaphore_mem>>)
      tpu.wait_dma2 semaphore(%run_scoped3A : memref<!tpu.dma_semaphore, #tpu.memory_space<semaphore_mem>>) src(%arg3 : memref<128x16xf32, #tpu.memory_space<hbm>>) dst(%arg8 : memref<128x16xf32, #tpu.memory_space<vmem>>)
      tpu.yield
    }) : () -> ()
    "tpu.region"() ({
      %run_scoped3A = tpu.sem_alloc : memref<!tpu.dma_semaphore, #tpu.memory_space<semaphore_mem>>
      tpu.enqueue_dma source(%arg4 : memref<16x16xf32, #tpu.memory_space<hbm>>) target(%arg9 : memref<16x16xf32, #tpu.memory_space<vmem>>) target_semaphore(%run_scoped3A : memref<!tpu.dma_semaphore, #tpu.memory_space<semaphore_mem>>)
      tpu.wait_dma2 semaphore(%run_scoped3A : memref<!tpu.dma_semaphore, #tpu.memory_space<semaphore_mem>>) src(%arg4 : memref<16x16xf32, #tpu.memory_space<hbm>>) dst(%arg9 : memref<16x16xf32, #tpu.memory_space<vmem>>)
      tpu.yield
    }) : () -> ()
    "tpu.region"() ({
      %run_scoped3A = tpu.sem_alloc : memref<!tpu.dma_semaphore, #tpu.memory_space<semaphore_mem>>
      %dma_start3A = arith.constant 0 : i32
      %dma_start3A_16 = arith.constant 0 : i32
      %dma_start3A_17 = tpu.memref_slice %arg2[%add3A, %dma_start3A, %dma_start3A_16] : memref<32x80x128xi32, #tpu.memory_space<hbm>> -> memref<1x80x128xi32, #tpu.memory_space<hbm>>
      %dma_start3A_18 = tpu.memref_squeeze %dma_start3A_17 : memref<1x80x128xi32, #tpu.memory_space<hbm>> -> memref<80x128xi32, #tpu.memory_space<hbm>>
      %dma_start3A_19 = arith.constant 0 : i32
      %dma_start3A_20 = arith.constant 0 : i32
      %dma_start3A_21 = tpu.memref_slice %arg2[%add3A, %dma_start3A_19, %dma_start3A_20] : memref<32x80x128xi32, #tpu.memory_space<hbm>> -> memref<1x80x128xi32, #tpu.memory_space<hbm>>
      %dma_start3A_22 = tpu.memref_squeeze %dma_start3A_21 : memref<1x80x128xi32, #tpu.memory_space<hbm>> -> memref<80x128xi32, #tpu.memory_space<hbm>>
      tpu.enqueue_dma source(%dma_start3A_22 : memref<80x128xi32, #tpu.memory_space<hbm>>) target(%arg7 : memref<80x128xi32, #tpu.memory_space<vmem>>) target_semaphore(%run_scoped3A : memref<!tpu.dma_semaphore, #tpu.memory_space<semaphore_mem>>)
      %dma_wait3A = arith.constant 0 : i32
      %dma_wait3A_23 = arith.constant 0 : i32
      %dma_wait3A_24 = tpu.memref_slice %arg2[%add3A, %dma_wait3A, %dma_wait3A_23] : memref<32x80x128xi32, #tpu.memory_space<hbm>> -> memref<1x80x128xi32, #tpu.memory_space<hbm>>
      %dma_wait3A_25 = tpu.memref_squeeze %dma_wait3A_24 : memref<1x80x128xi32, #tpu.memory_space<hbm>> -> memref<80x128xi32, #tpu.memory_space<hbm>>
      %dma_wait3A_26 = arith.constant 0 : i32
      %dma_wait3A_27 = arith.constant 0 : i32
      %dma_wait3A_28 = tpu.memref_slice %arg2[%add3A, %dma_wait3A_26, %dma_wait3A_27] : memref<32x80x128xi32, #tpu.memory_space<hbm>> -> memref<1x80x128xi32, #tpu.memory_space<hbm>>
      %dma_wait3A_29 = tpu.memref_squeeze %dma_wait3A_28 : memref<1x80x128xi32, #tpu.memory_space<hbm>> -> memref<80x128xi32, #tpu.memory_space<hbm>>
      tpu.wait_dma2 semaphore(%run_scoped3A : memref<!tpu.dma_semaphore, #tpu.memory_space<semaphore_mem>>) src(%dma_wait3A_29 : memref<80x128xi32, #tpu.memory_space<hbm>>) dst(%arg7 : memref<80x128xi32, #tpu.memory_space<vmem>>)
      tpu.yield
    }) : () -> ()
    %scan3A = arith.constant 0 : i32
    %scan3A_1 = arith.constant 40 : i32
    %scan3A_2 = arith.addi %scan3A, %scan3A_1 : i32
    %scan3A_3 = arith.constant 1 : i32
    scf.for %scan3A_16 = %scan3A to %scan3A_2 step %scan3A_3  : i32 {
      %mul3A_17 = arith.constant 1 : i32
      %mul3A_18 = arith.muli %scan3A_16, %mul3A_17 : i32
      %add3A_19 = arith.constant 0 : i32
      %add3A_20 = arith.addi %add3A_19, %mul3A_18 : i32
      %mul3A_21 = arith.constant 640 : i32
      %mul3A_22 = arith.muli %arg1, %mul3A_21 : i32
      %mul3A_23 = arith.constant 16 : i32
      %mul3A_24 = arith.muli %add3A_20, %mul3A_23 : i32
      %add3A_25 = arith.addi %mul3A_22, %mul3A_24 : i32
      "tpu.region"() ({
        %run_scoped3A = tpu.sem_alloc : memref<!tpu.dma_semaphore, #tpu.memory_space<semaphore_mem>>
        %dma_start3A = arith.constant 0 : i32
        %dma_start3A_26 = tpu.memref_slice %arg6[%add3A_25, %dma_start3A] : memref<10240x16xf32, #tpu.memory_space<vmem_shared>> -> memref<16x16xf32, #tpu.memory_space<vmem_shared>>
        %dma_start3A_27 = arith.constant 0 : i32
        %dma_start3A_28 = tpu.memref_slice %arg6[%add3A_25, %dma_start3A_27] : memref<10240x16xf32, #tpu.memory_space<vmem_shared>> -> memref<16x16xf32, #tpu.memory_space<vmem_shared>>
        tpu.enqueue_dma source(%arg9 : memref<16x16xf32, #tpu.memory_space<vmem>>) target(%dma_start3A_28 : memref<16x16xf32, #tpu.memory_space<vmem_shared>>) target_semaphore(%run_scoped3A : memref<!tpu.dma_semaphore, #tpu.memory_space<semaphore_mem>>)
        %dma_wait3A = arith.constant 0 : i32
        %dma_wait3A_29 = tpu.memref_slice %arg6[%add3A_25, %dma_wait3A] : memref<10240x16xf32, #tpu.memory_space<vmem_shared>> -> memref<16x16xf32, #tpu.memory_space<vmem_shared>>
        %dma_wait3A_30 = arith.constant 0 : i32
        %dma_wait3A_31 = tpu.memref_slice %arg6[%add3A_25, %dma_wait3A_30] : memref<10240x16xf32, #tpu.memory_space<vmem_shared>> -> memref<16x16xf32, #tpu.memory_space<vmem_shared>>
        tpu.wait_dma2 semaphore(%run_scoped3A : memref<!tpu.dma_semaphore, #tpu.memory_space<semaphore_mem>>) src(%arg9 : memref<16x16xf32, #tpu.memory_space<vmem>>) dst(%dma_wait3A_31 : memref<16x16xf32, #tpu.memory_space<vmem_shared>>)
        tpu.yield
      }) : () -> ()
    }
    %scan3A_4 = arith.constant 40 : i32
    %barrier3A = arith.constant 0 : index
    tpu.barrier barrier_id(%barrier3A)
    %scan3A_5 = arith.constant 0 : i32
    %scan3A_6 = arith.constant 10 : i32
    %scan3A_7 = arith.addi %scan3A_5, %scan3A_6 : i32
    %scan3A_8 = arith.constant 1 : i32
    scf.for %scan3A_16 = %scan3A_5 to %scan3A_7 step %scan3A_8  : i32 {
      %mul3A_17 = arith.constant 1 : i32
      %mul3A_18 = arith.muli %scan3A_16, %mul3A_17 : i32
      %add3A_19 = arith.constant 0 : i32
      %add3A_20 = arith.addi %add3A_19, %mul3A_18 : i32
      %mul3A_21 = arith.constant 8 : i32
      %mul3A_22 = arith.muli %add3A_20, %mul3A_21 : i32
      %add3A_23 = arith.constant 0 : i32
      %add3A_24 = arith.addi %mul3A_22, %add3A_23 : i32
      %dma_start3A = arith.constant 0 : i32
      %dma_start3A_25 = tpu.memref_slice %arg7[%add3A_24, %dma_start3A] : memref<80x128xi32, #tpu.memory_space<vmem>> -> memref<1x128xi32, #tpu.memory_space<vmem>>
      %dma_start3A_26 = tpu.memref_squeeze %dma_start3A_25 : memref<1x128xi32, #tpu.memory_space<vmem>> -> memref<128xi32, #tpu.memory_space<vmem>>
      %dma_start3A_27 = arith.constant 0 : i32
      %dma_start3A_28 = arith.constant 0 : i32
      %dma_start3A_29 = tpu.memref_slice %arg6[%dma_start3A_27, %dma_start3A_28] : memref<10240x16xf32, #tpu.memory_space<vmem_shared>> -> memref<10240x16xf32, #tpu.memory_space<vmem_shared>>
      tpu.enqueue_indirect_dma source(%arg8 : memref<128x16xf32, #tpu.memory_space<vmem>>) target(%dma_start3A_29 : memref<10240x16xf32, #tpu.memory_space<vmem_shared>>) offsets(%dma_start3A_26 : memref<128xi32, #tpu.memory_space<vmem>>) semaphore(%arg11 : memref<!tpu.dma_semaphore, #tpu.memory_space<semaphore_mem>>) {add = true}
      %mul3A_30 = arith.constant 8 : i32
      %mul3A_31 = arith.muli %add3A_20, %mul3A_30 : i32
      %add3A_32 = arith.constant 1 : i32
      %add3A_33 = arith.addi %mul3A_31, %add3A_32 : i32
      %dma_start3A_34 = arith.constant 0 : i32
      %dma_start3A_35 = tpu.memref_slice %arg7[%add3A_33, %dma_start3A_34] : memref<80x128xi32, #tpu.memory_space<vmem>> -> memref<1x128xi32, #tpu.memory_space<vmem>>
      %dma_start3A_36 = tpu.memref_squeeze %dma_start3A_35 : memref<1x128xi32, #tpu.memory_space<vmem>> -> memref<128xi32, #tpu.memory_space<vmem>>
      %dma_start3A_37 = arith.constant 0 : i32
      %dma_start3A_38 = arith.constant 0 : i32
      %dma_start3A_39 = tpu.memref_slice %arg6[%dma_start3A_37, %dma_start3A_38] : memref<10240x16xf32, #tpu.memory_space<vmem_shared>> -> memref<10240x16xf32, #tpu.memory_space<vmem_shared>>
      tpu.enqueue_indirect_dma source(%arg8 : memref<128x16xf32, #tpu.memory_space<vmem>>) target(%dma_start3A_39 : memref<10240x16xf32, #tpu.memory_space<vmem_shared>>) offsets(%dma_start3A_36 : memref<128xi32, #tpu.memory_space<vmem>>) semaphore(%arg11 : memref<!tpu.dma_semaphore, #tpu.memory_space<semaphore_mem>>) {add = true}
      %mul3A_40 = arith.constant 8 : i32
      %mul3A_41 = arith.muli %add3A_20, %mul3A_40 : i32
      %add3A_42 = arith.constant 2 : i32
      %add3A_43 = arith.addi %mul3A_41, %add3A_42 : i32
      %dma_start3A_44 = arith.constant 0 : i32
      %dma_start3A_45 = tpu.memref_slice %arg7[%add3A_43, %dma_start3A_44] : memref<80x128xi32, #tpu.memory_space<vmem>> -> memref<1x128xi32, #tpu.memory_space<vmem>>
      %dma_start3A_46 = tpu.memref_squeeze %dma_start3A_45 : memref<1x128xi32, #tpu.memory_space<vmem>> -> memref<128xi32, #tpu.memory_space<vmem>>
      %dma_start3A_47 = arith.constant 0 : i32
      %dma_start3A_48 = arith.constant 0 : i32
      %dma_start3A_49 = tpu.memref_slice %arg6[%dma_start3A_47, %dma_start3A_48] : memref<10240x16xf32, #tpu.memory_space<vmem_shared>> -> memref<10240x16xf32, #tpu.memory_space<vmem_shared>>
      tpu.enqueue_indirect_dma source(%arg8 : memref<128x16xf32, #tpu.memory_space<vmem>>) target(%dma_start3A_49 : memref<10240x16xf32, #tpu.memory_space<vmem_shared>>) offsets(%dma_start3A_46 : memref<128xi32, #tpu.memory_space<vmem>>) semaphore(%arg11 : memref<!tpu.dma_semaphore, #tpu.memory_space<semaphore_mem>>) {add = true}
      %mul3A_50 = arith.constant 8 : i32
      %mul3A_51 = arith.muli %add3A_20, %mul3A_50 : i32
      %add3A_52 = arith.constant 3 : i32
      %add3A_53 = arith.addi %mul3A_51, %add3A_52 : i32
      %dma_start3A_54 = arith.constant 0 : i32
      %dma_start3A_55 = tpu.memref_slice %arg7[%add3A_53, %dma_start3A_54] : memref<80x128xi32, #tpu.memory_space<vmem>> -> memref<1x128xi32, #tpu.memory_space<vmem>>
      %dma_start3A_56 = tpu.memref_squeeze %dma_start3A_55 : memref<1x128xi32, #tpu.memory_space<vmem>> -> memref<128xi32, #tpu.memory_space<vmem>>
      %dma_start3A_57 = arith.constant 0 : i32
      %dma_start3A_58 = arith.constant 0 : i32
      %dma_start3A_59 = tpu.memref_slice %arg6[%dma_start3A_57, %dma_start3A_58] : memref<10240x16xf32, #tpu.memory_space<vmem_shared>> -> memref<10240x16xf32, #tpu.memory_space<vmem_shared>>
      tpu.enqueue_indirect_dma source(%arg8 : memref<128x16xf32, #tpu.memory_space<vmem>>) target(%dma_start3A_59 : memref<10240x16xf32, #tpu.memory_space<vmem_shared>>) offsets(%dma_start3A_56 : memref<128xi32, #tpu.memory_space<vmem>>) semaphore(%arg11 : memref<!tpu.dma_semaphore, #tpu.memory_space<semaphore_mem>>) {add = true}
      %mul3A_60 = arith.constant 8 : i32
      %mul3A_61 = arith.muli %add3A_20, %mul3A_60 : i32
      %add3A_62 = arith.constant 4 : i32
      %add3A_63 = arith.addi %mul3A_61, %add3A_62 : i32
      %dma_start3A_64 = arith.constant 0 : i32
      %dma_start3A_65 = tpu.memref_slice %arg7[%add3A_63, %dma_start3A_64] : memref<80x128xi32, #tpu.memory_space<vmem>> -> memref<1x128xi32, #tpu.memory_space<vmem>>
      %dma_start3A_66 = tpu.memref_squeeze %dma_start3A_65 : memref<1x128xi32, #tpu.memory_space<vmem>> -> memref<128xi32, #tpu.memory_space<vmem>>
      %dma_start3A_67 = arith.constant 0 : i32
      %dma_start3A_68 = arith.constant 0 : i32
      %dma_start3A_69 = tpu.memref_slice %arg6[%dma_start3A_67, %dma_start3A_68] : memref<10240x16xf32, #tpu.memory_space<vmem_shared>> -> memref<10240x16xf32, #tpu.memory_space<vmem_shared>>
      tpu.enqueue_indirect_dma source(%arg8 : memref<128x16xf32, #tpu.memory_space<vmem>>) target(%dma_start3A_69 : memref<10240x16xf32, #tpu.memory_space<vmem_shared>>) offsets(%dma_start3A_66 : memref<128xi32, #tpu.memory_space<vmem>>) semaphore(%arg11 : memref<!tpu.dma_semaphore, #tpu.memory_space<semaphore_mem>>) {add = true}
      %mul3A_70 = arith.constant 8 : i32
      %mul3A_71 = arith.muli %add3A_20, %mul3A_70 : i32
      %add3A_72 = arith.constant 5 : i32
      %add3A_73 = arith.addi %mul3A_71, %add3A_72 : i32
      %dma_start3A_74 = arith.constant 0 : i32
      %dma_start3A_75 = tpu.memref_slice %arg7[%add3A_73, %dma_start3A_74] : memref<80x128xi32, #tpu.memory_space<vmem>> -> memref<1x128xi32, #tpu.memory_space<vmem>>
      %dma_start3A_76 = tpu.memref_squeeze %dma_start3A_75 : memref<1x128xi32, #tpu.memory_space<vmem>> -> memref<128xi32, #tpu.memory_space<vmem>>
      %dma_start3A_77 = arith.constant 0 : i32
      %dma_start3A_78 = arith.constant 0 : i32
      %dma_start3A_79 = tpu.memref_slice %arg6[%dma_start3A_77, %dma_start3A_78] : memref<10240x16xf32, #tpu.memory_space<vmem_shared>> -> memref<10240x16xf32, #tpu.memory_space<vmem_shared>>
      tpu.enqueue_indirect_dma source(%arg8 : memref<128x16xf32, #tpu.memory_space<vmem>>) target(%dma_start3A_79 : memref<10240x16xf32, #tpu.memory_space<vmem_shared>>) offsets(%dma_start3A_76 : memref<128xi32, #tpu.memory_space<vmem>>) semaphore(%arg11 : memref<!tpu.dma_semaphore, #tpu.memory_space<semaphore_mem>>) {add = true}
      %mul3A_80 = arith.constant 8 : i32
      %mul3A_81 = arith.muli %add3A_20, %mul3A_80 : i32
      %add3A_82 = arith.constant 6 : i32
      %add3A_83 = arith.addi %mul3A_81, %add3A_82 : i32
      %dma_start3A_84 = arith.constant 0 : i32
      %dma_start3A_85 = tpu.memref_slice %arg7[%add3A_83, %dma_start3A_84] : memref<80x128xi32, #tpu.memory_space<vmem>> -> memref<1x128xi32, #tpu.memory_space<vmem>>
      %dma_start3A_86 = tpu.memref_squeeze %dma_start3A_85 : memref<1x128xi32, #tpu.memory_space<vmem>> -> memref<128xi32, #tpu.memory_space<vmem>>
      %dma_start3A_87 = arith.constant 0 : i32
      %dma_start3A_88 = arith.constant 0 : i32
      %dma_start3A_89 = tpu.memref_slice %arg6[%dma_start3A_87, %dma_start3A_88] : memref<10240x16xf32, #tpu.memory_space<vmem_shared>> -> memref<10240x16xf32, #tpu.memory_space<vmem_shared>>
      tpu.enqueue_indirect_dma source(%arg8 : memref<128x16xf32, #tpu.memory_space<vmem>>) target(%dma_start3A_89 : memref<10240x16xf32, #tpu.memory_space<vmem_shared>>) offsets(%dma_start3A_86 : memref<128xi32, #tpu.memory_space<vmem>>) semaphore(%arg11 : memref<!tpu.dma_semaphore, #tpu.memory_space<semaphore_mem>>) {add = true}
      %mul3A_90 = arith.constant 8 : i32
      %mul3A_91 = arith.muli %add3A_20, %mul3A_90 : i32
      %add3A_92 = arith.constant 7 : i32
      %add3A_93 = arith.addi %mul3A_91, %add3A_92 : i32
      %dma_start3A_94 = arith.constant 0 : i32
      %dma_start3A_95 = tpu.memref_slice %arg7[%add3A_93, %dma_start3A_94] : memref<80x128xi32, #tpu.memory_space<vmem>> -> memref<1x128xi32, #tpu.memory_space<vmem>>
      %dma_start3A_96 = tpu.memref_squeeze %dma_start3A_95 : memref<1x128xi32, #tpu.memory_space<vmem>> -> memref<128xi32, #tpu.memory_space<vmem>>
      %dma_start3A_97 = arith.constant 0 : i32
      %dma_start3A_98 = arith.constant 0 : i32
      %dma_start3A_99 = tpu.memref_slice %arg6[%dma_start3A_97, %dma_start3A_98] : memref<10240x16xf32, #tpu.memory_space<vmem_shared>> -> memref<10240x16xf32, #tpu.memory_space<vmem_shared>>
      tpu.enqueue_indirect_dma source(%arg8 : memref<128x16xf32, #tpu.memory_space<vmem>>) target(%dma_start3A_99 : memref<10240x16xf32, #tpu.memory_space<vmem_shared>>) offsets(%dma_start3A_96 : memref<128xi32, #tpu.memory_space<vmem>>) semaphore(%arg11 : memref<!tpu.dma_semaphore, #tpu.memory_space<semaphore_mem>>) {add = true}
      %dma_wait3A = arith.constant 0 : i32
      %dma_wait3A_100 = arith.constant 0 : i32
      %dma_wait3A_101 = tpu.memref_slice %arg7[%dma_wait3A, %dma_wait3A_100] : memref<80x128xi32, #tpu.memory_space<vmem>> -> memref<1x128xi32, #tpu.memory_space<vmem>>
      %dma_wait3A_102 = tpu.memref_squeeze %dma_wait3A_101 : memref<1x128xi32, #tpu.memory_space<vmem>> -> memref<128xi32, #tpu.memory_space<vmem>>
      %dma_wait3A_103 = arith.constant 0 : i32
      %dma_wait3A_104 = arith.constant 0 : i32
      %dma_wait3A_105 = tpu.memref_slice %arg6[%dma_wait3A_103, %dma_wait3A_104] : memref<10240x16xf32, #tpu.memory_space<vmem_shared>> -> memref<10240x16xf32, #tpu.memory_space<vmem_shared>>
      tpu.wait_indirect_dma semaphore(%arg11 : memref<!tpu.dma_semaphore, #tpu.memory_space<semaphore_mem>>) src(%arg8 : memref<128x16xf32, #tpu.memory_space<vmem>>) dst(%dma_wait3A_105 : memref<10240x16xf32, #tpu.memory_space<vmem_shared>>)
      %dma_wait3A_106 = arith.constant 0 : i32
      %dma_wait3A_107 = arith.constant 0 : i32
      %dma_wait3A_108 = tpu.memref_slice %arg7[%dma_wait3A_106, %dma_wait3A_107] : memref<80x128xi32, #tpu.memory_space<vmem>> -> memref<1x128xi32, #tpu.memory_space<vmem>>
      %dma_wait3A_109 = tpu.memref_squeeze %dma_wait3A_108 : memref<1x128xi32, #tpu.memory_space<vmem>> -> memref<128xi32, #tpu.memory_space<vmem>>
      %dma_wait3A_110 = arith.constant 0 : i32
      %dma_wait3A_111 = arith.constant 0 : i32
      %dma_wait3A_112 = tpu.memref_slice %arg6[%dma_wait3A_110, %dma_wait3A_111] : memref<10240x16xf32, #tpu.memory_space<vmem_shared>> -> memref<10240x16xf32, #tpu.memory_space<vmem_shared>>
      tpu.wait_indirect_dma semaphore(%arg11 : memref<!tpu.dma_semaphore, #tpu.memory_space<semaphore_mem>>) src(%arg8 : memref<128x16xf32, #tpu.memory_space<vmem>>) dst(%dma_wait3A_112 : memref<10240x16xf32, #tpu.memory_space<vmem_shared>>)
      %dma_wait3A_113 = arith.constant 0 : i32
      %dma_wait3A_114 = arith.constant 0 : i32
      %dma_wait3A_115 = tpu.memref_slice %arg7[%dma_wait3A_113, %dma_wait3A_114] : memref<80x128xi32, #tpu.memory_space<vmem>> -> memref<1x128xi32, #tpu.memory_space<vmem>>
      %dma_wait3A_116 = tpu.memref_squeeze %dma_wait3A_115 : memref<1x128xi32, #tpu.memory_space<vmem>> -> memref<128xi32, #tpu.memory_space<vmem>>
      %dma_wait3A_117 = arith.constant 0 : i32
      %dma_wait3A_118 = arith.constant 0 : i32
      %dma_wait3A_119 = tpu.memref_slice %arg6[%dma_wait3A_117, %dma_wait3A_118] : memref<10240x16xf32, #tpu.memory_space<vmem_shared>> -> memref<10240x16xf32, #tpu.memory_space<vmem_shared>>
      tpu.wait_indirect_dma semaphore(%arg11 : memref<!tpu.dma_semaphore, #tpu.memory_space<semaphore_mem>>) src(%arg8 : memref<128x16xf32, #tpu.memory_space<vmem>>) dst(%dma_wait3A_119 : memref<10240x16xf32, #tpu.memory_space<vmem_shared>>)
      %dma_wait3A_120 = arith.constant 0 : i32
      %dma_wait3A_121 = arith.constant 0 : i32
      %dma_wait3A_122 = tpu.memref_slice %arg7[%dma_wait3A_120, %dma_wait3A_121] : memref<80x128xi32, #tpu.memory_space<vmem>> -> memref<1x128xi32, #tpu.memory_space<vmem>>
      %dma_wait3A_123 = tpu.memref_squeeze %dma_wait3A_122 : memref<1x128xi32, #tpu.memory_space<vmem>> -> memref<128xi32, #tpu.memory_space<vmem>>
      %dma_wait3A_124 = arith.constant 0 : i32
      %dma_wait3A_125 = arith.constant 0 : i32
      %dma_wait3A_126 = tpu.memref_slice %arg6[%dma_wait3A_124, %dma_wait3A_125] : memref<10240x16xf32, #tpu.memory_space<vmem_shared>> -> memref<10240x16xf32, #tpu.memory_space<vmem_shared>>
      tpu.wait_indirect_dma semaphore(%arg11 : memref<!tpu.dma_semaphore, #tpu.memory_space<semaphore_mem>>) src(%arg8 : memref<128x16xf32, #tpu.memory_space<vmem>>) dst(%dma_wait3A_126 : memref<10240x16xf32, #tpu.memory_space<vmem_shared>>)
      %dma_wait3A_127 = arith.constant 0 : i32
      %dma_wait3A_128 = arith.constant 0 : i32
      %dma_wait3A_129 = tpu.memref_slice %arg7[%dma_wait3A_127, %dma_wait3A_128] : memref<80x128xi32, #tpu.memory_space<vmem>> -> memref<1x128xi32, #tpu.memory_space<vmem>>
      %dma_wait3A_130 = tpu.memref_squeeze %dma_wait3A_129 : memref<1x128xi32, #tpu.memory_space<vmem>> -> memref<128xi32, #tpu.memory_space<vmem>>
      %dma_wait3A_131 = arith.constant 0 : i32
      %dma_wait3A_132 = arith.constant 0 : i32
      %dma_wait3A_133 = tpu.memref_slice %arg6[%dma_wait3A_131, %dma_wait3A_132] : memref<10240x16xf32, #tpu.memory_space<vmem_shared>> -> memref<10240x16xf32, #tpu.memory_space<vmem_shared>>
      tpu.wait_indirect_dma semaphore(%arg11 : memref<!tpu.dma_semaphore, #tpu.memory_space<semaphore_mem>>) src(%arg8 : memref<128x16xf32, #tpu.memory_space<vmem>>) dst(%dma_wait3A_133 : memref<10240x16xf32, #tpu.memory_space<vmem_shared>>)
      %dma_wait3A_134 = arith.constant 0 : i32
      %dma_wait3A_135 = arith.constant 0 : i32
      %dma_wait3A_136 = tpu.memref_slice %arg7[%dma_wait3A_134, %dma_wait3A_135] : memref<80x128xi32, #tpu.memory_space<vmem>> -> memref<1x128xi32, #tpu.memory_space<vmem>>
      %dma_wait3A_137 = tpu.memref_squeeze %dma_wait3A_136 : memref<1x128xi32, #tpu.memory_space<vmem>> -> memref<128xi32, #tpu.memory_space<vmem>>
      %dma_wait3A_138 = arith.constant 0 : i32
      %dma_wait3A_139 = arith.constant 0 : i32
      %dma_wait3A_140 = tpu.memref_slice %arg6[%dma_wait3A_138, %dma_wait3A_139] : memref<10240x16xf32, #tpu.memory_space<vmem_shared>> -> memref<10240x16xf32, #tpu.memory_space<vmem_shared>>
      tpu.wait_indirect_dma semaphore(%arg11 : memref<!tpu.dma_semaphore, #tpu.memory_space<semaphore_mem>>) src(%arg8 : memref<128x16xf32, #tpu.memory_space<vmem>>) dst(%dma_wait3A_140 : memref<10240x16xf32, #tpu.memory_space<vmem_shared>>)
      %dma_wait3A_141 = arith.constant 0 : i32
      %dma_wait3A_142 = arith.constant 0 : i32
      %dma_wait3A_143 = tpu.memref_slice %arg7[%dma_wait3A_141, %dma_wait3A_142] : memref<80x128xi32, #tpu.memory_space<vmem>> -> memref<1x128xi32, #tpu.memory_space<vmem>>
      %dma_wait3A_144 = tpu.memref_squeeze %dma_wait3A_143 : memref<1x128xi32, #tpu.memory_space<vmem>> -> memref<128xi32, #tpu.memory_space<vmem>>
      %dma_wait3A_145 = arith.constant 0 : i32
      %dma_wait3A_146 = arith.constant 0 : i32
      %dma_wait3A_147 = tpu.memref_slice %arg6[%dma_wait3A_145, %dma_wait3A_146] : memref<10240x16xf32, #tpu.memory_space<vmem_shared>> -> memref<10240x16xf32, #tpu.memory_space<vmem_shared>>
      tpu.wait_indirect_dma semaphore(%arg11 : memref<!tpu.dma_semaphore, #tpu.memory_space<semaphore_mem>>) src(%arg8 : memref<128x16xf32, #tpu.memory_space<vmem>>) dst(%dma_wait3A_147 : memref<10240x16xf32, #tpu.memory_space<vmem_shared>>)
      %dma_wait3A_148 = arith.constant 0 : i32
      %dma_wait3A_149 = arith.constant 0 : i32
      %dma_wait3A_150 = tpu.memref_slice %arg7[%dma_wait3A_148, %dma_wait3A_149] : memref<80x128xi32, #tpu.memory_space<vmem>> -> memref<1x128xi32, #tpu.memory_space<vmem>>
      %dma_wait3A_151 = tpu.memref_squeeze %dma_wait3A_150 : memref<1x128xi32, #tpu.memory_space<vmem>> -> memref<128xi32, #tpu.memory_space<vmem>>
      %dma_wait3A_152 = arith.constant 0 : i32
      %dma_wait3A_153 = arith.constant 0 : i32
      %dma_wait3A_154 = tpu.memref_slice %arg6[%dma_wait3A_152, %dma_wait3A_153] : memref<10240x16xf32, #tpu.memory_space<vmem_shared>> -> memref<10240x16xf32, #tpu.memory_space<vmem_shared>>
      tpu.wait_indirect_dma semaphore(%arg11 : memref<!tpu.dma_semaphore, #tpu.memory_space<semaphore_mem>>) src(%arg8 : memref<128x16xf32, #tpu.memory_space<vmem>>) dst(%dma_wait3A_154 : memref<10240x16xf32, #tpu.memory_space<vmem_shared>>)
    }
    %scan3A_9 = arith.constant 10 : i32
    %barrier3A_10 = arith.constant 0 : index
    tpu.barrier barrier_id(%barrier3A_10)
    %scan3A_11 = arith.constant 0 : i32
    %scan3A_12 = arith.constant 4 : i32
    %scan3A_13 = arith.addi %scan3A_11, %scan3A_12 : i32
    %scan3A_14 = arith.constant 1 : i32
    scf.for %scan3A_16 = %scan3A_11 to %scan3A_13 step %scan3A_14  : i32 {
      %mul3A_17 = arith.constant 1 : i32
      %mul3A_18 = arith.muli %scan3A_16, %mul3A_17 : i32
      %add3A_19 = arith.constant 0 : i32
      %add3A_20 = arith.addi %add3A_19, %mul3A_18 : i32
      %mul3A_21 = arith.constant 640 : i32
      %mul3A_22 = arith.muli %arg1, %mul3A_21 : i32
      %mul3A_23 = arith.constant 160 : i32
      %mul3A_24 = arith.muli %add3A_20, %mul3A_23 : i32
      %add3A_25 = arith.addi %mul3A_22, %mul3A_24 : i32
      "tpu.region"() ({
        %run_scoped3A = tpu.sem_alloc : memref<!tpu.dma_semaphore, #tpu.memory_space<semaphore_mem>>
        %dma_start3A = arith.constant 0 : i32
        %dma_start3A_26 = tpu.memref_slice %arg6[%add3A_25, %dma_start3A] : memref<10240x16xf32, #tpu.memory_space<vmem_shared>> -> memref<160x16xf32, #tpu.memory_space<vmem_shared>>
        %dma_start3A_27 = arith.constant 0 : i32
        %dma_start3A_28 = tpu.memref_slice %arg6[%add3A_25, %dma_start3A_27] : memref<10240x16xf32, #tpu.memory_space<vmem_shared>> -> memref<160x16xf32, #tpu.memory_space<vmem_shared>>
        tpu.enqueue_dma source(%dma_start3A_28 : memref<160x16xf32, #tpu.memory_space<vmem_shared>>) target(%arg10 : memref<160x16xf32, #tpu.memory_space<vmem>>) target_semaphore(%run_scoped3A : memref<!tpu.dma_semaphore, #tpu.memory_space<semaphore_mem>>)
        %dma_wait3A = arith.constant 0 : i32
        %dma_wait3A_29 = tpu.memref_slice %arg6[%add3A_25, %dma_wait3A] : memref<10240x16xf32, #tpu.memory_space<vmem_shared>> -> memref<160x16xf32, #tpu.memory_space<vmem_shared>>
        %dma_wait3A_30 = arith.constant 0 : i32
        %dma_wait3A_31 = tpu.memref_slice %arg6[%add3A_25, %dma_wait3A_30] : memref<10240x16xf32, #tpu.memory_space<vmem_shared>> -> memref<160x16xf32, #tpu.memory_space<vmem_shared>>
        tpu.wait_dma2 semaphore(%run_scoped3A : memref<!tpu.dma_semaphore, #tpu.memory_space<semaphore_mem>>) src(%dma_wait3A_31 : memref<160x16xf32, #tpu.memory_space<vmem_shared>>) dst(%arg10 : memref<160x16xf32, #tpu.memory_space<vmem>>)
        tpu.yield
      }) : () -> ()
      "tpu.region"() ({
        %run_scoped3A = tpu.sem_alloc : memref<!tpu.dma_semaphore, #tpu.memory_space<semaphore_mem>>
        %dma_start3A = arith.constant 0 : i32
        %dma_start3A_26 = tpu.memref_slice %arg5[%arg0, %add3A_25, %dma_start3A] : memref<2x10240x128xf32, #tpu.memory_space<hbm>> -> memref<1x160x16xf32, #tpu.memory_space<hbm>>
        %dma_start3A_27 = tpu.memref_squeeze %dma_start3A_26 : memref<1x160x16xf32, #tpu.memory_space<hbm>> -> memref<160x16xf32, #tpu.memory_space<hbm>>
        %dma_start3A_28 = arith.constant 0 : i32
        %dma_start3A_29 = tpu.memref_slice %arg5[%arg0, %add3A_25, %dma_start3A_28] : memref<2x10240x128xf32, #tpu.memory_space<hbm>> -> memref<1x160x16xf32, #tpu.memory_space<hbm>>
        %dma_start3A_30 = tpu.memref_squeeze %dma_start3A_29 : memref<1x160x16xf32, #tpu.memory_space<hbm>> -> memref<160x16xf32, #tpu.memory_space<hbm>>
        tpu.enqueue_dma source(%arg10 : memref<160x16xf32, #tpu.memory_space<vmem>>) target(%dma_start3A_30 : memref<160x16xf32, #tpu.memory_space<hbm>>) target_semaphore(%run_scoped3A : memref<!tpu.dma_semaphore, #tpu.memory_space<semaphore_mem>>)
        %dma_wait3A = arith.constant 0 : i32
        %dma_wait3A_31 = tpu.memref_slice %arg5[%arg0, %add3A_25, %dma_wait3A] : memref<2x10240x128xf32, #tpu.memory_space<hbm>> -> memref<1x160x16xf32, #tpu.memory_space<hbm>>
        %dma_wait3A_32 = tpu.memref_squeeze %dma_wait3A_31 : memref<1x160x16xf32, #tpu.memory_space<hbm>> -> memref<160x16xf32, #tpu.memory_space<hbm>>
        %dma_wait3A_33 = arith.constant 0 : i32
        %dma_wait3A_34 = tpu.memref_slice %arg5[%arg0, %add3A_25, %dma_wait3A_33] : memref<2x10240x128xf32, #tpu.memory_space<hbm>> -> memref<1x160x16xf32, #tpu.memory_space<hbm>>
        %dma_wait3A_35 = tpu.memref_squeeze %dma_wait3A_34 : memref<1x160x16xf32, #tpu.memory_space<hbm>> -> memref<160x16xf32, #tpu.memory_space<hbm>>
        tpu.wait_dma2 semaphore(%run_scoped3A : memref<!tpu.dma_semaphore, #tpu.memory_space<semaphore_mem>>) src(%arg10 : memref<160x16xf32, #tpu.memory_space<vmem>>) dst(%dma_wait3A_35 : memref<160x16xf32, #tpu.memory_space<hbm>>)
        tpu.yield
      }) : () -> ()
    }
    %scan3A_15 = arith.constant 4 : i32
    return
  }
}

#map = affine_map<(d0, d1) -> (0, 0)>
#map1 = affine_map<(d0, d1) -> (0, 0, 0)>
module attributes {stable_mosaic.version = 14 : i64} {
  func.func @sc_agg(%arg0: i32, %arg1: i32, %arg2: memref<20480x64xf32, #tpu.memory_space<hbm>>, %arg3: memref<32x80x128xi32, #tpu.memory_space<hbm>>, %arg4: memref<32x80x128xi32, #tpu.memory_space<hbm>>, %arg5: memref<16x64xf32, #tpu.memory_space<hbm>>, %arg6: memref<2x10240x128xf32, #tpu.memory_space<hbm>>, %arg7: memref<10240x64xf32, #tpu.memory_space<vmem_shared>>, %arg8: memref<80x128xi32, #tpu.memory_space<vmem>>, %arg9: memref<80x128xi32, #tpu.memory_space<vmem>>, %arg10: memref<16x64xf32, #tpu.memory_space<vmem>>, %arg11: memref<160x64xf32, #tpu.memory_space<vmem>>, %arg12: memref<128x64xf32, #tpu.memory_space<vmem>>, %arg13: memref<128x64xf32, #tpu.memory_space<vmem>>, %arg14: memref<128x64xf32, #tpu.memory_space<vmem>>, %arg15: memref<128x64xf32, #tpu.memory_space<vmem>>, %arg16: memref<!tpu.dma_semaphore, #tpu.memory_space<semaphore_mem>>, %arg17: memref<!tpu.dma_semaphore, #tpu.memory_space<semaphore_mem>>, %arg18: memref<!tpu.dma_semaphore, #tpu.memory_space<semaphore_mem>>, %arg19: memref<!tpu.dma_semaphore, #tpu.memory_space<semaphore_mem>>, %arg20: memref<!tpu.dma_semaphore, #tpu.memory_space<semaphore_mem>>, %arg21: memref<!tpu.dma_semaphore, #tpu.memory_space<semaphore_mem>>, %arg22: memref<!tpu.dma_semaphore, #tpu.memory_space<semaphore_mem>>, %arg23: memref<!tpu.dma_semaphore, #tpu.memory_space<semaphore_mem>>) attributes {dimension_semantics = [#tpu.dimension_semantics<core_parallel>, #tpu.dimension_semantics<subcore_parallel>], iteration_bounds = array<i64: 2, 16>, scalar_prefetch = 0 : i64, scratch_operands = 17 : i64, tpu.core_type = #tpu.core_type<sc_vector_subcore>, window_params = [{transform_indices = #map}, {transform_indices = #map1}, {transform_indices = #map1}, {transform_indices = #map}, {transform_indices = #map1}]} {
    %mul3A = arith.constant 16 : i32
    %mul3A_0 = arith.muli %arg0, %mul3A : i32
    %add3A = arith.addi %mul3A_0, %arg1 : i32
    "tpu.region"() ({
      %run_scoped3A = tpu.sem_alloc : memref<!tpu.dma_semaphore, #tpu.memory_space<semaphore_mem>>
      tpu.enqueue_dma source(%arg5 : memref<16x64xf32, #tpu.memory_space<hbm>>) target(%arg10 : memref<16x64xf32, #tpu.memory_space<vmem>>) target_semaphore(%run_scoped3A : memref<!tpu.dma_semaphore, #tpu.memory_space<semaphore_mem>>)
      tpu.wait_dma2 semaphore(%run_scoped3A : memref<!tpu.dma_semaphore, #tpu.memory_space<semaphore_mem>>) src(%arg5 : memref<16x64xf32, #tpu.memory_space<hbm>>) dst(%arg10 : memref<16x64xf32, #tpu.memory_space<vmem>>)
      tpu.yield
    }) : () -> ()
    "tpu.region"() ({
      %run_scoped3A = tpu.sem_alloc : memref<!tpu.dma_semaphore, #tpu.memory_space<semaphore_mem>>
      %dma_start3A_126 = arith.constant 0 : i32
      %dma_start3A_127 = arith.constant 0 : i32
      %dma_start3A_128 = tpu.memref_slice %arg3[%add3A, %dma_start3A_126, %dma_start3A_127] : memref<32x80x128xi32, #tpu.memory_space<hbm>> -> memref<1x80x128xi32, #tpu.memory_space<hbm>>
      %dma_start3A_129 = tpu.memref_squeeze %dma_start3A_128 : memref<1x80x128xi32, #tpu.memory_space<hbm>> -> memref<80x128xi32, #tpu.memory_space<hbm>>
      %dma_start3A_130 = arith.constant 0 : i32
      %dma_start3A_131 = arith.constant 0 : i32
      %dma_start3A_132 = tpu.memref_slice %arg3[%add3A, %dma_start3A_130, %dma_start3A_131] : memref<32x80x128xi32, #tpu.memory_space<hbm>> -> memref<1x80x128xi32, #tpu.memory_space<hbm>>
      %dma_start3A_133 = tpu.memref_squeeze %dma_start3A_132 : memref<1x80x128xi32, #tpu.memory_space<hbm>> -> memref<80x128xi32, #tpu.memory_space<hbm>>
      tpu.enqueue_dma source(%dma_start3A_133 : memref<80x128xi32, #tpu.memory_space<hbm>>) target(%arg8 : memref<80x128xi32, #tpu.memory_space<vmem>>) target_semaphore(%run_scoped3A : memref<!tpu.dma_semaphore, #tpu.memory_space<semaphore_mem>>)
      %dma_wait3A_134 = arith.constant 0 : i32
      %dma_wait3A_135 = arith.constant 0 : i32
      %dma_wait3A_136 = tpu.memref_slice %arg3[%add3A, %dma_wait3A_134, %dma_wait3A_135] : memref<32x80x128xi32, #tpu.memory_space<hbm>> -> memref<1x80x128xi32, #tpu.memory_space<hbm>>
      %dma_wait3A_137 = tpu.memref_squeeze %dma_wait3A_136 : memref<1x80x128xi32, #tpu.memory_space<hbm>> -> memref<80x128xi32, #tpu.memory_space<hbm>>
      %dma_wait3A_138 = arith.constant 0 : i32
      %dma_wait3A_139 = arith.constant 0 : i32
      %dma_wait3A_140 = tpu.memref_slice %arg3[%add3A, %dma_wait3A_138, %dma_wait3A_139] : memref<32x80x128xi32, #tpu.memory_space<hbm>> -> memref<1x80x128xi32, #tpu.memory_space<hbm>>
      %dma_wait3A_141 = tpu.memref_squeeze %dma_wait3A_140 : memref<1x80x128xi32, #tpu.memory_space<hbm>> -> memref<80x128xi32, #tpu.memory_space<hbm>>
      tpu.wait_dma2 semaphore(%run_scoped3A : memref<!tpu.dma_semaphore, #tpu.memory_space<semaphore_mem>>) src(%dma_wait3A_141 : memref<80x128xi32, #tpu.memory_space<hbm>>) dst(%arg8 : memref<80x128xi32, #tpu.memory_space<vmem>>)
      tpu.yield
    }) : () -> ()
    "tpu.region"() ({
      %run_scoped3A = tpu.sem_alloc : memref<!tpu.dma_semaphore, #tpu.memory_space<semaphore_mem>>
      %dma_start3A_126 = arith.constant 0 : i32
      %dma_start3A_127 = arith.constant 0 : i32
      %dma_start3A_128 = tpu.memref_slice %arg4[%add3A, %dma_start3A_126, %dma_start3A_127] : memref<32x80x128xi32, #tpu.memory_space<hbm>> -> memref<1x80x128xi32, #tpu.memory_space<hbm>>
      %dma_start3A_129 = tpu.memref_squeeze %dma_start3A_128 : memref<1x80x128xi32, #tpu.memory_space<hbm>> -> memref<80x128xi32, #tpu.memory_space<hbm>>
      %dma_start3A_130 = arith.constant 0 : i32
      %dma_start3A_131 = arith.constant 0 : i32
      %dma_start3A_132 = tpu.memref_slice %arg4[%add3A, %dma_start3A_130, %dma_start3A_131] : memref<32x80x128xi32, #tpu.memory_space<hbm>> -> memref<1x80x128xi32, #tpu.memory_space<hbm>>
      %dma_start3A_133 = tpu.memref_squeeze %dma_start3A_132 : memref<1x80x128xi32, #tpu.memory_space<hbm>> -> memref<80x128xi32, #tpu.memory_space<hbm>>
      tpu.enqueue_dma source(%dma_start3A_133 : memref<80x128xi32, #tpu.memory_space<hbm>>) target(%arg9 : memref<80x128xi32, #tpu.memory_space<vmem>>) target_semaphore(%run_scoped3A : memref<!tpu.dma_semaphore, #tpu.memory_space<semaphore_mem>>)
      %dma_wait3A_134 = arith.constant 0 : i32
      %dma_wait3A_135 = arith.constant 0 : i32
      %dma_wait3A_136 = tpu.memref_slice %arg4[%add3A, %dma_wait3A_134, %dma_wait3A_135] : memref<32x80x128xi32, #tpu.memory_space<hbm>> -> memref<1x80x128xi32, #tpu.memory_space<hbm>>
      %dma_wait3A_137 = tpu.memref_squeeze %dma_wait3A_136 : memref<1x80x128xi32, #tpu.memory_space<hbm>> -> memref<80x128xi32, #tpu.memory_space<hbm>>
      %dma_wait3A_138 = arith.constant 0 : i32
      %dma_wait3A_139 = arith.constant 0 : i32
      %dma_wait3A_140 = tpu.memref_slice %arg4[%add3A, %dma_wait3A_138, %dma_wait3A_139] : memref<32x80x128xi32, #tpu.memory_space<hbm>> -> memref<1x80x128xi32, #tpu.memory_space<hbm>>
      %dma_wait3A_141 = tpu.memref_squeeze %dma_wait3A_140 : memref<1x80x128xi32, #tpu.memory_space<hbm>> -> memref<80x128xi32, #tpu.memory_space<hbm>>
      tpu.wait_dma2 semaphore(%run_scoped3A : memref<!tpu.dma_semaphore, #tpu.memory_space<semaphore_mem>>) src(%dma_wait3A_141 : memref<80x128xi32, #tpu.memory_space<hbm>>) dst(%arg9 : memref<80x128xi32, #tpu.memory_space<vmem>>)
      tpu.yield
    }) : () -> ()
    %scan3A = arith.constant 0 : i32
    %scan3A_1 = arith.constant 40 : i32
    %scan3A_2 = arith.addi %scan3A, %scan3A_1 : i32
    %scan3A_3 = arith.constant 1 : i32
    scf.for %scan3A_126 = %scan3A to %scan3A_2 step %scan3A_3  : i32 {
      %mul3A_127 = arith.constant 1 : i32
      %mul3A_128 = arith.muli %scan3A_126, %mul3A_127 : i32
      %add3A_129 = arith.constant 0 : i32
      %add3A_130 = arith.addi %add3A_129, %mul3A_128 : i32
      %mul3A_131 = arith.constant 640 : i32
      %mul3A_132 = arith.muli %arg1, %mul3A_131 : i32
      %mul3A_133 = arith.constant 16 : i32
      %mul3A_134 = arith.muli %add3A_130, %mul3A_133 : i32
      %add3A_135 = arith.addi %mul3A_132, %mul3A_134 : i32
      "tpu.region"() ({
        %run_scoped3A = tpu.sem_alloc : memref<!tpu.dma_semaphore, #tpu.memory_space<semaphore_mem>>
        %dma_start3A_136 = arith.constant 0 : i32
        %dma_start3A_137 = tpu.memref_slice %arg7[%add3A_135, %dma_start3A_136] : memref<10240x64xf32, #tpu.memory_space<vmem_shared>> -> memref<16x64xf32, #tpu.memory_space<vmem_shared>>
        %dma_start3A_138 = arith.constant 0 : i32
        %dma_start3A_139 = tpu.memref_slice %arg7[%add3A_135, %dma_start3A_138] : memref<10240x64xf32, #tpu.memory_space<vmem_shared>> -> memref<16x64xf32, #tpu.memory_space<vmem_shared>>
        tpu.enqueue_dma source(%arg10 : memref<16x64xf32, #tpu.memory_space<vmem>>) target(%dma_start3A_139 : memref<16x64xf32, #tpu.memory_space<vmem_shared>>) target_semaphore(%run_scoped3A : memref<!tpu.dma_semaphore, #tpu.memory_space<semaphore_mem>>)
        %dma_wait3A_140 = arith.constant 0 : i32
        %dma_wait3A_141 = tpu.memref_slice %arg7[%add3A_135, %dma_wait3A_140] : memref<10240x64xf32, #tpu.memory_space<vmem_shared>> -> memref<16x64xf32, #tpu.memory_space<vmem_shared>>
        %dma_wait3A_142 = arith.constant 0 : i32
        %dma_wait3A_143 = tpu.memref_slice %arg7[%add3A_135, %dma_wait3A_142] : memref<10240x64xf32, #tpu.memory_space<vmem_shared>> -> memref<16x64xf32, #tpu.memory_space<vmem_shared>>
        tpu.wait_dma2 semaphore(%run_scoped3A : memref<!tpu.dma_semaphore, #tpu.memory_space<semaphore_mem>>) src(%arg10 : memref<16x64xf32, #tpu.memory_space<vmem>>) dst(%dma_wait3A_143 : memref<16x64xf32, #tpu.memory_space<vmem_shared>>)
        tpu.yield
      }) : () -> ()
    }
    %scan3A_4 = arith.constant 40 : i32
    %barrier3A = arith.constant 0 : index
    tpu.barrier barrier_id(%barrier3A)
    %dma_start3A = arith.constant 0 : i32
    %dma_start3A_5 = arith.constant 0 : i32
    %dma_start3A_6 = tpu.memref_slice %arg8[%dma_start3A, %dma_start3A_5] : memref<80x128xi32, #tpu.memory_space<vmem>> -> memref<1x128xi32, #tpu.memory_space<vmem>>
    %dma_start3A_7 = tpu.memref_squeeze %dma_start3A_6 : memref<1x128xi32, #tpu.memory_space<vmem>> -> memref<128xi32, #tpu.memory_space<vmem>>
    %dma_start3A_8 = arith.constant 0 : i32
    %dma_start3A_9 = arith.constant 0 : i32
    %dma_start3A_10 = tpu.memref_slice %arg2[%dma_start3A_8, %dma_start3A_9] : memref<20480x64xf32, #tpu.memory_space<hbm>> -> memref<20480x64xf32, #tpu.memory_space<hbm>>
    tpu.enqueue_indirect_dma source(%dma_start3A_10 : memref<20480x64xf32, #tpu.memory_space<hbm>>) target(%arg12 : memref<128x64xf32, #tpu.memory_space<vmem>>) offsets(%dma_start3A_7 : memref<128xi32, #tpu.memory_space<vmem>>) semaphore(%arg16 : memref<!tpu.dma_semaphore, #tpu.memory_space<semaphore_mem>>)
    %dma_start3A_11 = arith.constant 1 : i32
    %dma_start3A_12 = arith.constant 0 : i32
    %dma_start3A_13 = tpu.memref_slice %arg8[%dma_start3A_11, %dma_start3A_12] : memref<80x128xi32, #tpu.memory_space<vmem>> -> memref<1x128xi32, #tpu.memory_space<vmem>>
    %dma_start3A_14 = tpu.memref_squeeze %dma_start3A_13 : memref<1x128xi32, #tpu.memory_space<vmem>> -> memref<128xi32, #tpu.memory_space<vmem>>
    %dma_start3A_15 = arith.constant 0 : i32
    %dma_start3A_16 = arith.constant 0 : i32
    %dma_start3A_17 = tpu.memref_slice %arg2[%dma_start3A_15, %dma_start3A_16] : memref<20480x64xf32, #tpu.memory_space<hbm>> -> memref<20480x64xf32, #tpu.memory_space<hbm>>
    tpu.enqueue_indirect_dma source(%dma_start3A_17 : memref<20480x64xf32, #tpu.memory_space<hbm>>) target(%arg13 : memref<128x64xf32, #tpu.memory_space<vmem>>) offsets(%dma_start3A_14 : memref<128xi32, #tpu.memory_space<vmem>>) semaphore(%arg17 : memref<!tpu.dma_semaphore, #tpu.memory_space<semaphore_mem>>)
    %dma_start3A_18 = arith.constant 2 : i32
    %dma_start3A_19 = arith.constant 0 : i32
    %dma_start3A_20 = tpu.memref_slice %arg8[%dma_start3A_18, %dma_start3A_19] : memref<80x128xi32, #tpu.memory_space<vmem>> -> memref<1x128xi32, #tpu.memory_space<vmem>>
    %dma_start3A_21 = tpu.memref_squeeze %dma_start3A_20 : memref<1x128xi32, #tpu.memory_space<vmem>> -> memref<128xi32, #tpu.memory_space<vmem>>
    %dma_start3A_22 = arith.constant 0 : i32
    %dma_start3A_23 = arith.constant 0 : i32
    %dma_start3A_24 = tpu.memref_slice %arg2[%dma_start3A_22, %dma_start3A_23] : memref<20480x64xf32, #tpu.memory_space<hbm>> -> memref<20480x64xf32, #tpu.memory_space<hbm>>
    tpu.enqueue_indirect_dma source(%dma_start3A_24 : memref<20480x64xf32, #tpu.memory_space<hbm>>) target(%arg14 : memref<128x64xf32, #tpu.memory_space<vmem>>) offsets(%dma_start3A_21 : memref<128xi32, #tpu.memory_space<vmem>>) semaphore(%arg18 : memref<!tpu.dma_semaphore, #tpu.memory_space<semaphore_mem>>)
    %dma_start3A_25 = arith.constant 3 : i32
    %dma_start3A_26 = arith.constant 0 : i32
    %dma_start3A_27 = tpu.memref_slice %arg8[%dma_start3A_25, %dma_start3A_26] : memref<80x128xi32, #tpu.memory_space<vmem>> -> memref<1x128xi32, #tpu.memory_space<vmem>>
    %dma_start3A_28 = tpu.memref_squeeze %dma_start3A_27 : memref<1x128xi32, #tpu.memory_space<vmem>> -> memref<128xi32, #tpu.memory_space<vmem>>
    %dma_start3A_29 = arith.constant 0 : i32
    %dma_start3A_30 = arith.constant 0 : i32
    %dma_start3A_31 = tpu.memref_slice %arg2[%dma_start3A_29, %dma_start3A_30] : memref<20480x64xf32, #tpu.memory_space<hbm>> -> memref<20480x64xf32, #tpu.memory_space<hbm>>
    tpu.enqueue_indirect_dma source(%dma_start3A_31 : memref<20480x64xf32, #tpu.memory_space<hbm>>) target(%arg15 : memref<128x64xf32, #tpu.memory_space<vmem>>) offsets(%dma_start3A_28 : memref<128xi32, #tpu.memory_space<vmem>>) semaphore(%arg19 : memref<!tpu.dma_semaphore, #tpu.memory_space<semaphore_mem>>)
    %scan3A_32 = arith.constant 0 : i32
    %scan3A_33 = arith.constant 19 : i32
    %scan3A_34 = arith.addi %scan3A_32, %scan3A_33 : i32
    %scan3A_35 = arith.constant 1 : i32
    scf.for %scan3A_126 = %scan3A_32 to %scan3A_34 step %scan3A_35  : i32 {
      %mul3A_127 = arith.constant 1 : i32
      %mul3A_128 = arith.muli %scan3A_126, %mul3A_127 : i32
      %add3A_129 = arith.constant 0 : i32
      %add3A_130 = arith.addi %add3A_129, %mul3A_128 : i32
      %mul3A_131 = arith.constant 4 : i32
      %mul3A_132 = arith.muli %add3A_130, %mul3A_131 : i32
      %dma_wait3A_133 = arith.constant 0 : i32
      %dma_wait3A_134 = arith.constant 0 : i32
      %dma_wait3A_135 = tpu.memref_slice %arg8[%dma_wait3A_133, %dma_wait3A_134] : memref<80x128xi32, #tpu.memory_space<vmem>> -> memref<1x128xi32, #tpu.memory_space<vmem>>
      %dma_wait3A_136 = tpu.memref_squeeze %dma_wait3A_135 : memref<1x128xi32, #tpu.memory_space<vmem>> -> memref<128xi32, #tpu.memory_space<vmem>>
      %dma_wait3A_137 = arith.constant 0 : i32
      %dma_wait3A_138 = arith.constant 0 : i32
      %dma_wait3A_139 = tpu.memref_slice %arg2[%dma_wait3A_137, %dma_wait3A_138] : memref<20480x64xf32, #tpu.memory_space<hbm>> -> memref<20480x64xf32, #tpu.memory_space<hbm>>
      tpu.wait_indirect_dma semaphore(%arg16 : memref<!tpu.dma_semaphore, #tpu.memory_space<semaphore_mem>>) src(%dma_wait3A_139 : memref<20480x64xf32, #tpu.memory_space<hbm>>) dst(%arg12 : memref<128x64xf32, #tpu.memory_space<vmem>>)
      %add3A_140 = arith.constant 0 : i32
      %add3A_141 = arith.addi %mul3A_132, %add3A_140 : i32
      %dma_start3A_142 = arith.constant 0 : i32
      %dma_start3A_143 = tpu.memref_slice %arg9[%add3A_141, %dma_start3A_142] : memref<80x128xi32, #tpu.memory_space<vmem>> -> memref<1x128xi32, #tpu.memory_space<vmem>>
      %dma_start3A_144 = tpu.memref_squeeze %dma_start3A_143 : memref<1x128xi32, #tpu.memory_space<vmem>> -> memref<128xi32, #tpu.memory_space<vmem>>
      %dma_start3A_145 = arith.constant 0 : i32
      %dma_start3A_146 = arith.constant 0 : i32
      %dma_start3A_147 = tpu.memref_slice %arg7[%dma_start3A_145, %dma_start3A_146] : memref<10240x64xf32, #tpu.memory_space<vmem_shared>> -> memref<10240x64xf32, #tpu.memory_space<vmem_shared>>
      tpu.enqueue_indirect_dma source(%arg12 : memref<128x64xf32, #tpu.memory_space<vmem>>) target(%dma_start3A_147 : memref<10240x64xf32, #tpu.memory_space<vmem_shared>>) offsets(%dma_start3A_144 : memref<128xi32, #tpu.memory_space<vmem>>) semaphore(%arg20 : memref<!tpu.dma_semaphore, #tpu.memory_space<semaphore_mem>>) {add = true}
      %dma_wait3A_148 = arith.constant 0 : i32
      %dma_wait3A_149 = arith.constant 0 : i32
      %dma_wait3A_150 = tpu.memref_slice %arg8[%dma_wait3A_148, %dma_wait3A_149] : memref<80x128xi32, #tpu.memory_space<vmem>> -> memref<1x128xi32, #tpu.memory_space<vmem>>
      %dma_wait3A_151 = tpu.memref_squeeze %dma_wait3A_150 : memref<1x128xi32, #tpu.memory_space<vmem>> -> memref<128xi32, #tpu.memory_space<vmem>>
      %dma_wait3A_152 = arith.constant 0 : i32
      %dma_wait3A_153 = arith.constant 0 : i32
      %dma_wait3A_154 = tpu.memref_slice %arg2[%dma_wait3A_152, %dma_wait3A_153] : memref<20480x64xf32, #tpu.memory_space<hbm>> -> memref<20480x64xf32, #tpu.memory_space<hbm>>
      tpu.wait_indirect_dma semaphore(%arg17 : memref<!tpu.dma_semaphore, #tpu.memory_space<semaphore_mem>>) src(%dma_wait3A_154 : memref<20480x64xf32, #tpu.memory_space<hbm>>) dst(%arg13 : memref<128x64xf32, #tpu.memory_space<vmem>>)
      %add3A_155 = arith.constant 1 : i32
      %add3A_156 = arith.addi %mul3A_132, %add3A_155 : i32
      %dma_start3A_157 = arith.constant 0 : i32
      %dma_start3A_158 = tpu.memref_slice %arg9[%add3A_156, %dma_start3A_157] : memref<80x128xi32, #tpu.memory_space<vmem>> -> memref<1x128xi32, #tpu.memory_space<vmem>>
      %dma_start3A_159 = tpu.memref_squeeze %dma_start3A_158 : memref<1x128xi32, #tpu.memory_space<vmem>> -> memref<128xi32, #tpu.memory_space<vmem>>
      %dma_start3A_160 = arith.constant 0 : i32
      %dma_start3A_161 = arith.constant 0 : i32
      %dma_start3A_162 = tpu.memref_slice %arg7[%dma_start3A_160, %dma_start3A_161] : memref<10240x64xf32, #tpu.memory_space<vmem_shared>> -> memref<10240x64xf32, #tpu.memory_space<vmem_shared>>
      tpu.enqueue_indirect_dma source(%arg13 : memref<128x64xf32, #tpu.memory_space<vmem>>) target(%dma_start3A_162 : memref<10240x64xf32, #tpu.memory_space<vmem_shared>>) offsets(%dma_start3A_159 : memref<128xi32, #tpu.memory_space<vmem>>) semaphore(%arg21 : memref<!tpu.dma_semaphore, #tpu.memory_space<semaphore_mem>>) {add = true}
      %dma_wait3A_163 = arith.constant 0 : i32
      %dma_wait3A_164 = arith.constant 0 : i32
      %dma_wait3A_165 = tpu.memref_slice %arg8[%dma_wait3A_163, %dma_wait3A_164] : memref<80x128xi32, #tpu.memory_space<vmem>> -> memref<1x128xi32, #tpu.memory_space<vmem>>
      %dma_wait3A_166 = tpu.memref_squeeze %dma_wait3A_165 : memref<1x128xi32, #tpu.memory_space<vmem>> -> memref<128xi32, #tpu.memory_space<vmem>>
      %dma_wait3A_167 = arith.constant 0 : i32
      %dma_wait3A_168 = arith.constant 0 : i32
      %dma_wait3A_169 = tpu.memref_slice %arg2[%dma_wait3A_167, %dma_wait3A_168] : memref<20480x64xf32, #tpu.memory_space<hbm>> -> memref<20480x64xf32, #tpu.memory_space<hbm>>
      tpu.wait_indirect_dma semaphore(%arg18 : memref<!tpu.dma_semaphore, #tpu.memory_space<semaphore_mem>>) src(%dma_wait3A_169 : memref<20480x64xf32, #tpu.memory_space<hbm>>) dst(%arg14 : memref<128x64xf32, #tpu.memory_space<vmem>>)
      %add3A_170 = arith.constant 2 : i32
      %add3A_171 = arith.addi %mul3A_132, %add3A_170 : i32
      %dma_start3A_172 = arith.constant 0 : i32
      %dma_start3A_173 = tpu.memref_slice %arg9[%add3A_171, %dma_start3A_172] : memref<80x128xi32, #tpu.memory_space<vmem>> -> memref<1x128xi32, #tpu.memory_space<vmem>>
      %dma_start3A_174 = tpu.memref_squeeze %dma_start3A_173 : memref<1x128xi32, #tpu.memory_space<vmem>> -> memref<128xi32, #tpu.memory_space<vmem>>
      %dma_start3A_175 = arith.constant 0 : i32
      %dma_start3A_176 = arith.constant 0 : i32
      %dma_start3A_177 = tpu.memref_slice %arg7[%dma_start3A_175, %dma_start3A_176] : memref<10240x64xf32, #tpu.memory_space<vmem_shared>> -> memref<10240x64xf32, #tpu.memory_space<vmem_shared>>
      tpu.enqueue_indirect_dma source(%arg14 : memref<128x64xf32, #tpu.memory_space<vmem>>) target(%dma_start3A_177 : memref<10240x64xf32, #tpu.memory_space<vmem_shared>>) offsets(%dma_start3A_174 : memref<128xi32, #tpu.memory_space<vmem>>) semaphore(%arg22 : memref<!tpu.dma_semaphore, #tpu.memory_space<semaphore_mem>>) {add = true}
      %dma_wait3A_178 = arith.constant 0 : i32
      %dma_wait3A_179 = arith.constant 0 : i32
      %dma_wait3A_180 = tpu.memref_slice %arg8[%dma_wait3A_178, %dma_wait3A_179] : memref<80x128xi32, #tpu.memory_space<vmem>> -> memref<1x128xi32, #tpu.memory_space<vmem>>
      %dma_wait3A_181 = tpu.memref_squeeze %dma_wait3A_180 : memref<1x128xi32, #tpu.memory_space<vmem>> -> memref<128xi32, #tpu.memory_space<vmem>>
      %dma_wait3A_182 = arith.constant 0 : i32
      %dma_wait3A_183 = arith.constant 0 : i32
      %dma_wait3A_184 = tpu.memref_slice %arg2[%dma_wait3A_182, %dma_wait3A_183] : memref<20480x64xf32, #tpu.memory_space<hbm>> -> memref<20480x64xf32, #tpu.memory_space<hbm>>
      tpu.wait_indirect_dma semaphore(%arg19 : memref<!tpu.dma_semaphore, #tpu.memory_space<semaphore_mem>>) src(%dma_wait3A_184 : memref<20480x64xf32, #tpu.memory_space<hbm>>) dst(%arg15 : memref<128x64xf32, #tpu.memory_space<vmem>>)
      %add3A_185 = arith.constant 3 : i32
      %add3A_186 = arith.addi %mul3A_132, %add3A_185 : i32
      %dma_start3A_187 = arith.constant 0 : i32
      %dma_start3A_188 = tpu.memref_slice %arg9[%add3A_186, %dma_start3A_187] : memref<80x128xi32, #tpu.memory_space<vmem>> -> memref<1x128xi32, #tpu.memory_space<vmem>>
      %dma_start3A_189 = tpu.memref_squeeze %dma_start3A_188 : memref<1x128xi32, #tpu.memory_space<vmem>> -> memref<128xi32, #tpu.memory_space<vmem>>
      %dma_start3A_190 = arith.constant 0 : i32
      %dma_start3A_191 = arith.constant 0 : i32
      %dma_start3A_192 = tpu.memref_slice %arg7[%dma_start3A_190, %dma_start3A_191] : memref<10240x64xf32, #tpu.memory_space<vmem_shared>> -> memref<10240x64xf32, #tpu.memory_space<vmem_shared>>
      tpu.enqueue_indirect_dma source(%arg15 : memref<128x64xf32, #tpu.memory_space<vmem>>) target(%dma_start3A_192 : memref<10240x64xf32, #tpu.memory_space<vmem_shared>>) offsets(%dma_start3A_189 : memref<128xi32, #tpu.memory_space<vmem>>) semaphore(%arg23 : memref<!tpu.dma_semaphore, #tpu.memory_space<semaphore_mem>>) {add = true}
      %dma_wait3A_193 = arith.constant 0 : i32
      %dma_wait3A_194 = arith.constant 0 : i32
      %dma_wait3A_195 = tpu.memref_slice %arg9[%dma_wait3A_193, %dma_wait3A_194] : memref<80x128xi32, #tpu.memory_space<vmem>> -> memref<1x128xi32, #tpu.memory_space<vmem>>
      %dma_wait3A_196 = tpu.memref_squeeze %dma_wait3A_195 : memref<1x128xi32, #tpu.memory_space<vmem>> -> memref<128xi32, #tpu.memory_space<vmem>>
      %dma_wait3A_197 = arith.constant 0 : i32
      %dma_wait3A_198 = arith.constant 0 : i32
      %dma_wait3A_199 = tpu.memref_slice %arg7[%dma_wait3A_197, %dma_wait3A_198] : memref<10240x64xf32, #tpu.memory_space<vmem_shared>> -> memref<10240x64xf32, #tpu.memory_space<vmem_shared>>
      tpu.wait_indirect_dma semaphore(%arg20 : memref<!tpu.dma_semaphore, #tpu.memory_space<semaphore_mem>>) src(%arg12 : memref<128x64xf32, #tpu.memory_space<vmem>>) dst(%dma_wait3A_199 : memref<10240x64xf32, #tpu.memory_space<vmem_shared>>)
      %add3A_200 = arith.constant 4 : i32
      %add3A_201 = arith.addi %mul3A_132, %add3A_200 : i32
      %add3A_202 = arith.constant 0 : i32
      %add3A_203 = arith.addi %add3A_201, %add3A_202 : i32
      %dma_start3A_204 = arith.constant 0 : i32
      %dma_start3A_205 = tpu.memref_slice %arg8[%add3A_203, %dma_start3A_204] : memref<80x128xi32, #tpu.memory_space<vmem>> -> memref<1x128xi32, #tpu.memory_space<vmem>>
      %dma_start3A_206 = tpu.memref_squeeze %dma_start3A_205 : memref<1x128xi32, #tpu.memory_space<vmem>> -> memref<128xi32, #tpu.memory_space<vmem>>
      %dma_start3A_207 = arith.constant 0 : i32
      %dma_start3A_208 = arith.constant 0 : i32
      %dma_start3A_209 = tpu.memref_slice %arg2[%dma_start3A_207, %dma_start3A_208] : memref<20480x64xf32, #tpu.memory_space<hbm>> -> memref<20480x64xf32, #tpu.memory_space<hbm>>
      tpu.enqueue_indirect_dma source(%dma_start3A_209 : memref<20480x64xf32, #tpu.memory_space<hbm>>) target(%arg12 : memref<128x64xf32, #tpu.memory_space<vmem>>) offsets(%dma_start3A_206 : memref<128xi32, #tpu.memory_space<vmem>>) semaphore(%arg16 : memref<!tpu.dma_semaphore, #tpu.memory_space<semaphore_mem>>)
      %dma_wait3A_210 = arith.constant 0 : i32
      %dma_wait3A_211 = arith.constant 0 : i32
      %dma_wait3A_212 = tpu.memref_slice %arg9[%dma_wait3A_210, %dma_wait3A_211] : memref<80x128xi32, #tpu.memory_space<vmem>> -> memref<1x128xi32, #tpu.memory_space<vmem>>
      %dma_wait3A_213 = tpu.memref_squeeze %dma_wait3A_212 : memref<1x128xi32, #tpu.memory_space<vmem>> -> memref<128xi32, #tpu.memory_space<vmem>>
      %dma_wait3A_214 = arith.constant 0 : i32
      %dma_wait3A_215 = arith.constant 0 : i32
      %dma_wait3A_216 = tpu.memref_slice %arg7[%dma_wait3A_214, %dma_wait3A_215] : memref<10240x64xf32, #tpu.memory_space<vmem_shared>> -> memref<10240x64xf32, #tpu.memory_space<vmem_shared>>
      tpu.wait_indirect_dma semaphore(%arg21 : memref<!tpu.dma_semaphore, #tpu.memory_space<semaphore_mem>>) src(%arg13 : memref<128x64xf32, #tpu.memory_space<vmem>>) dst(%dma_wait3A_216 : memref<10240x64xf32, #tpu.memory_space<vmem_shared>>)
      %add3A_217 = arith.constant 4 : i32
      %add3A_218 = arith.addi %mul3A_132, %add3A_217 : i32
      %add3A_219 = arith.constant 1 : i32
      %add3A_220 = arith.addi %add3A_218, %add3A_219 : i32
      %dma_start3A_221 = arith.constant 0 : i32
      %dma_start3A_222 = tpu.memref_slice %arg8[%add3A_220, %dma_start3A_221] : memref<80x128xi32, #tpu.memory_space<vmem>> -> memref<1x128xi32, #tpu.memory_space<vmem>>
      %dma_start3A_223 = tpu.memref_squeeze %dma_start3A_222 : memref<1x128xi32, #tpu.memory_space<vmem>> -> memref<128xi32, #tpu.memory_space<vmem>>
      %dma_start3A_224 = arith.constant 0 : i32
      %dma_start3A_225 = arith.constant 0 : i32
      %dma_start3A_226 = tpu.memref_slice %arg2[%dma_start3A_224, %dma_start3A_225] : memref<20480x64xf32, #tpu.memory_space<hbm>> -> memref<20480x64xf32, #tpu.memory_space<hbm>>
      tpu.enqueue_indirect_dma source(%dma_start3A_226 : memref<20480x64xf32, #tpu.memory_space<hbm>>) target(%arg13 : memref<128x64xf32, #tpu.memory_space<vmem>>) offsets(%dma_start3A_223 : memref<128xi32, #tpu.memory_space<vmem>>) semaphore(%arg17 : memref<!tpu.dma_semaphore, #tpu.memory_space<semaphore_mem>>)
      %dma_wait3A_227 = arith.constant 0 : i32
      %dma_wait3A_228 = arith.constant 0 : i32
      %dma_wait3A_229 = tpu.memref_slice %arg9[%dma_wait3A_227, %dma_wait3A_228] : memref<80x128xi32, #tpu.memory_space<vmem>> -> memref<1x128xi32, #tpu.memory_space<vmem>>
      %dma_wait3A_230 = tpu.memref_squeeze %dma_wait3A_229 : memref<1x128xi32, #tpu.memory_space<vmem>> -> memref<128xi32, #tpu.memory_space<vmem>>
      %dma_wait3A_231 = arith.constant 0 : i32
      %dma_wait3A_232 = arith.constant 0 : i32
      %dma_wait3A_233 = tpu.memref_slice %arg7[%dma_wait3A_231, %dma_wait3A_232] : memref<10240x64xf32, #tpu.memory_space<vmem_shared>> -> memref<10240x64xf32, #tpu.memory_space<vmem_shared>>
      tpu.wait_indirect_dma semaphore(%arg22 : memref<!tpu.dma_semaphore, #tpu.memory_space<semaphore_mem>>) src(%arg14 : memref<128x64xf32, #tpu.memory_space<vmem>>) dst(%dma_wait3A_233 : memref<10240x64xf32, #tpu.memory_space<vmem_shared>>)
      %add3A_234 = arith.constant 4 : i32
      %add3A_235 = arith.addi %mul3A_132, %add3A_234 : i32
      %add3A_236 = arith.constant 2 : i32
      %add3A_237 = arith.addi %add3A_235, %add3A_236 : i32
      %dma_start3A_238 = arith.constant 0 : i32
      %dma_start3A_239 = tpu.memref_slice %arg8[%add3A_237, %dma_start3A_238] : memref<80x128xi32, #tpu.memory_space<vmem>> -> memref<1x128xi32, #tpu.memory_space<vmem>>
      %dma_start3A_240 = tpu.memref_squeeze %dma_start3A_239 : memref<1x128xi32, #tpu.memory_space<vmem>> -> memref<128xi32, #tpu.memory_space<vmem>>
      %dma_start3A_241 = arith.constant 0 : i32
      %dma_start3A_242 = arith.constant 0 : i32
      %dma_start3A_243 = tpu.memref_slice %arg2[%dma_start3A_241, %dma_start3A_242] : memref<20480x64xf32, #tpu.memory_space<hbm>> -> memref<20480x64xf32, #tpu.memory_space<hbm>>
      tpu.enqueue_indirect_dma source(%dma_start3A_243 : memref<20480x64xf32, #tpu.memory_space<hbm>>) target(%arg14 : memref<128x64xf32, #tpu.memory_space<vmem>>) offsets(%dma_start3A_240 : memref<128xi32, #tpu.memory_space<vmem>>) semaphore(%arg18 : memref<!tpu.dma_semaphore, #tpu.memory_space<semaphore_mem>>)
      %dma_wait3A_244 = arith.constant 0 : i32
      %dma_wait3A_245 = arith.constant 0 : i32
      %dma_wait3A_246 = tpu.memref_slice %arg9[%dma_wait3A_244, %dma_wait3A_245] : memref<80x128xi32, #tpu.memory_space<vmem>> -> memref<1x128xi32, #tpu.memory_space<vmem>>
      %dma_wait3A_247 = tpu.memref_squeeze %dma_wait3A_246 : memref<1x128xi32, #tpu.memory_space<vmem>> -> memref<128xi32, #tpu.memory_space<vmem>>
      %dma_wait3A_248 = arith.constant 0 : i32
      %dma_wait3A_249 = arith.constant 0 : i32
      %dma_wait3A_250 = tpu.memref_slice %arg7[%dma_wait3A_248, %dma_wait3A_249] : memref<10240x64xf32, #tpu.memory_space<vmem_shared>> -> memref<10240x64xf32, #tpu.memory_space<vmem_shared>>
      tpu.wait_indirect_dma semaphore(%arg23 : memref<!tpu.dma_semaphore, #tpu.memory_space<semaphore_mem>>) src(%arg15 : memref<128x64xf32, #tpu.memory_space<vmem>>) dst(%dma_wait3A_250 : memref<10240x64xf32, #tpu.memory_space<vmem_shared>>)
      %add3A_251 = arith.constant 4 : i32
      %add3A_252 = arith.addi %mul3A_132, %add3A_251 : i32
      %add3A_253 = arith.constant 3 : i32
      %add3A_254 = arith.addi %add3A_252, %add3A_253 : i32
      %dma_start3A_255 = arith.constant 0 : i32
      %dma_start3A_256 = tpu.memref_slice %arg8[%add3A_254, %dma_start3A_255] : memref<80x128xi32, #tpu.memory_space<vmem>> -> memref<1x128xi32, #tpu.memory_space<vmem>>
      %dma_start3A_257 = tpu.memref_squeeze %dma_start3A_256 : memref<1x128xi32, #tpu.memory_space<vmem>> -> memref<128xi32, #tpu.memory_space<vmem>>
      %dma_start3A_258 = arith.constant 0 : i32
      %dma_start3A_259 = arith.constant 0 : i32
      %dma_start3A_260 = tpu.memref_slice %arg2[%dma_start3A_258, %dma_start3A_259] : memref<20480x64xf32, #tpu.memory_space<hbm>> -> memref<20480x64xf32, #tpu.memory_space<hbm>>
      tpu.enqueue_indirect_dma source(%dma_start3A_260 : memref<20480x64xf32, #tpu.memory_space<hbm>>) target(%arg15 : memref<128x64xf32, #tpu.memory_space<vmem>>) offsets(%dma_start3A_257 : memref<128xi32, #tpu.memory_space<vmem>>) semaphore(%arg19 : memref<!tpu.dma_semaphore, #tpu.memory_space<semaphore_mem>>)
    }
    %scan3A_36 = arith.constant 19 : i32
    %dma_wait3A = arith.constant 0 : i32
    %dma_wait3A_37 = arith.constant 0 : i32
    %dma_wait3A_38 = tpu.memref_slice %arg8[%dma_wait3A, %dma_wait3A_37] : memref<80x128xi32, #tpu.memory_space<vmem>> -> memref<1x128xi32, #tpu.memory_space<vmem>>
    %dma_wait3A_39 = tpu.memref_squeeze %dma_wait3A_38 : memref<1x128xi32, #tpu.memory_space<vmem>> -> memref<128xi32, #tpu.memory_space<vmem>>
    %dma_wait3A_40 = arith.constant 0 : i32
    %dma_wait3A_41 = arith.constant 0 : i32
    %dma_wait3A_42 = tpu.memref_slice %arg2[%dma_wait3A_40, %dma_wait3A_41] : memref<20480x64xf32, #tpu.memory_space<hbm>> -> memref<20480x64xf32, #tpu.memory_space<hbm>>
    tpu.wait_indirect_dma semaphore(%arg16 : memref<!tpu.dma_semaphore, #tpu.memory_space<semaphore_mem>>) src(%dma_wait3A_42 : memref<20480x64xf32, #tpu.memory_space<hbm>>) dst(%arg12 : memref<128x64xf32, #tpu.memory_space<vmem>>)
    %dma_start3A_43 = arith.constant 76 : i32
    %dma_start3A_44 = arith.constant 0 : i32
    %dma_start3A_45 = tpu.memref_slice %arg9[%dma_start3A_43, %dma_start3A_44] : memref<80x128xi32, #tpu.memory_space<vmem>> -> memref<1x128xi32, #tpu.memory_space<vmem>>
    %dma_start3A_46 = tpu.memref_squeeze %dma_start3A_45 : memref<1x128xi32, #tpu.memory_space<vmem>> -> memref<128xi32, #tpu.memory_space<vmem>>
    %dma_start3A_47 = arith.constant 0 : i32
    %dma_start3A_48 = arith.constant 0 : i32
    %dma_start3A_49 = tpu.memref_slice %arg7[%dma_start3A_47, %dma_start3A_48] : memref<10240x64xf32, #tpu.memory_space<vmem_shared>> -> memref<10240x64xf32, #tpu.memory_space<vmem_shared>>
    tpu.enqueue_indirect_dma source(%arg12 : memref<128x64xf32, #tpu.memory_space<vmem>>) target(%dma_start3A_49 : memref<10240x64xf32, #tpu.memory_space<vmem_shared>>) offsets(%dma_start3A_46 : memref<128xi32, #tpu.memory_space<vmem>>) semaphore(%arg20 : memref<!tpu.dma_semaphore, #tpu.memory_space<semaphore_mem>>) {add = true}
    %dma_wait3A_50 = arith.constant 0 : i32
    %dma_wait3A_51 = arith.constant 0 : i32
    %dma_wait3A_52 = tpu.memref_slice %arg8[%dma_wait3A_50, %dma_wait3A_51] : memref<80x128xi32, #tpu.memory_space<vmem>> -> memref<1x128xi32, #tpu.memory_space<vmem>>
    %dma_wait3A_53 = tpu.memref_squeeze %dma_wait3A_52 : memref<1x128xi32, #tpu.memory_space<vmem>> -> memref<128xi32, #tpu.memory_space<vmem>>
    %dma_wait3A_54 = arith.constant 0 : i32
    %dma_wait3A_55 = arith.constant 0 : i32
    %dma_wait3A_56 = tpu.memref_slice %arg2[%dma_wait3A_54, %dma_wait3A_55] : memref<20480x64xf32, #tpu.memory_space<hbm>> -> memref<20480x64xf32, #tpu.memory_space<hbm>>
    tpu.wait_indirect_dma semaphore(%arg17 : memref<!tpu.dma_semaphore, #tpu.memory_space<semaphore_mem>>) src(%dma_wait3A_56 : memref<20480x64xf32, #tpu.memory_space<hbm>>) dst(%arg13 : memref<128x64xf32, #tpu.memory_space<vmem>>)
    %dma_start3A_57 = arith.constant 77 : i32
    %dma_start3A_58 = arith.constant 0 : i32
    %dma_start3A_59 = tpu.memref_slice %arg9[%dma_start3A_57, %dma_start3A_58] : memref<80x128xi32, #tpu.memory_space<vmem>> -> memref<1x128xi32, #tpu.memory_space<vmem>>
    %dma_start3A_60 = tpu.memref_squeeze %dma_start3A_59 : memref<1x128xi32, #tpu.memory_space<vmem>> -> memref<128xi32, #tpu.memory_space<vmem>>
    %dma_start3A_61 = arith.constant 0 : i32
    %dma_start3A_62 = arith.constant 0 : i32
    %dma_start3A_63 = tpu.memref_slice %arg7[%dma_start3A_61, %dma_start3A_62] : memref<10240x64xf32, #tpu.memory_space<vmem_shared>> -> memref<10240x64xf32, #tpu.memory_space<vmem_shared>>
    tpu.enqueue_indirect_dma source(%arg13 : memref<128x64xf32, #tpu.memory_space<vmem>>) target(%dma_start3A_63 : memref<10240x64xf32, #tpu.memory_space<vmem_shared>>) offsets(%dma_start3A_60 : memref<128xi32, #tpu.memory_space<vmem>>) semaphore(%arg21 : memref<!tpu.dma_semaphore, #tpu.memory_space<semaphore_mem>>) {add = true}
    %dma_wait3A_64 = arith.constant 0 : i32
    %dma_wait3A_65 = arith.constant 0 : i32
    %dma_wait3A_66 = tpu.memref_slice %arg8[%dma_wait3A_64, %dma_wait3A_65] : memref<80x128xi32, #tpu.memory_space<vmem>> -> memref<1x128xi32, #tpu.memory_space<vmem>>
    %dma_wait3A_67 = tpu.memref_squeeze %dma_wait3A_66 : memref<1x128xi32, #tpu.memory_space<vmem>> -> memref<128xi32, #tpu.memory_space<vmem>>
    %dma_wait3A_68 = arith.constant 0 : i32
    %dma_wait3A_69 = arith.constant 0 : i32
    %dma_wait3A_70 = tpu.memref_slice %arg2[%dma_wait3A_68, %dma_wait3A_69] : memref<20480x64xf32, #tpu.memory_space<hbm>> -> memref<20480x64xf32, #tpu.memory_space<hbm>>
    tpu.wait_indirect_dma semaphore(%arg18 : memref<!tpu.dma_semaphore, #tpu.memory_space<semaphore_mem>>) src(%dma_wait3A_70 : memref<20480x64xf32, #tpu.memory_space<hbm>>) dst(%arg14 : memref<128x64xf32, #tpu.memory_space<vmem>>)
    %dma_start3A_71 = arith.constant 78 : i32
    %dma_start3A_72 = arith.constant 0 : i32
    %dma_start3A_73 = tpu.memref_slice %arg9[%dma_start3A_71, %dma_start3A_72] : memref<80x128xi32, #tpu.memory_space<vmem>> -> memref<1x128xi32, #tpu.memory_space<vmem>>
    %dma_start3A_74 = tpu.memref_squeeze %dma_start3A_73 : memref<1x128xi32, #tpu.memory_space<vmem>> -> memref<128xi32, #tpu.memory_space<vmem>>
    %dma_start3A_75 = arith.constant 0 : i32
    %dma_start3A_76 = arith.constant 0 : i32
    %dma_start3A_77 = tpu.memref_slice %arg7[%dma_start3A_75, %dma_start3A_76] : memref<10240x64xf32, #tpu.memory_space<vmem_shared>> -> memref<10240x64xf32, #tpu.memory_space<vmem_shared>>
    tpu.enqueue_indirect_dma source(%arg14 : memref<128x64xf32, #tpu.memory_space<vmem>>) target(%dma_start3A_77 : memref<10240x64xf32, #tpu.memory_space<vmem_shared>>) offsets(%dma_start3A_74 : memref<128xi32, #tpu.memory_space<vmem>>) semaphore(%arg22 : memref<!tpu.dma_semaphore, #tpu.memory_space<semaphore_mem>>) {add = true}
    %dma_wait3A_78 = arith.constant 0 : i32
    %dma_wait3A_79 = arith.constant 0 : i32
    %dma_wait3A_80 = tpu.memref_slice %arg8[%dma_wait3A_78, %dma_wait3A_79] : memref<80x128xi32, #tpu.memory_space<vmem>> -> memref<1x128xi32, #tpu.memory_space<vmem>>
    %dma_wait3A_81 = tpu.memref_squeeze %dma_wait3A_80 : memref<1x128xi32, #tpu.memory_space<vmem>> -> memref<128xi32, #tpu.memory_space<vmem>>
    %dma_wait3A_82 = arith.constant 0 : i32
    %dma_wait3A_83 = arith.constant 0 : i32
    %dma_wait3A_84 = tpu.memref_slice %arg2[%dma_wait3A_82, %dma_wait3A_83] : memref<20480x64xf32, #tpu.memory_space<hbm>> -> memref<20480x64xf32, #tpu.memory_space<hbm>>
    tpu.wait_indirect_dma semaphore(%arg19 : memref<!tpu.dma_semaphore, #tpu.memory_space<semaphore_mem>>) src(%dma_wait3A_84 : memref<20480x64xf32, #tpu.memory_space<hbm>>) dst(%arg15 : memref<128x64xf32, #tpu.memory_space<vmem>>)
    %dma_start3A_85 = arith.constant 79 : i32
    %dma_start3A_86 = arith.constant 0 : i32
    %dma_start3A_87 = tpu.memref_slice %arg9[%dma_start3A_85, %dma_start3A_86] : memref<80x128xi32, #tpu.memory_space<vmem>> -> memref<1x128xi32, #tpu.memory_space<vmem>>
    %dma_start3A_88 = tpu.memref_squeeze %dma_start3A_87 : memref<1x128xi32, #tpu.memory_space<vmem>> -> memref<128xi32, #tpu.memory_space<vmem>>
    %dma_start3A_89 = arith.constant 0 : i32
    %dma_start3A_90 = arith.constant 0 : i32
    %dma_start3A_91 = tpu.memref_slice %arg7[%dma_start3A_89, %dma_start3A_90] : memref<10240x64xf32, #tpu.memory_space<vmem_shared>> -> memref<10240x64xf32, #tpu.memory_space<vmem_shared>>
    tpu.enqueue_indirect_dma source(%arg15 : memref<128x64xf32, #tpu.memory_space<vmem>>) target(%dma_start3A_91 : memref<10240x64xf32, #tpu.memory_space<vmem_shared>>) offsets(%dma_start3A_88 : memref<128xi32, #tpu.memory_space<vmem>>) semaphore(%arg23 : memref<!tpu.dma_semaphore, #tpu.memory_space<semaphore_mem>>) {add = true}
    %dma_wait3A_92 = arith.constant 0 : i32
    %dma_wait3A_93 = arith.constant 0 : i32
    %dma_wait3A_94 = tpu.memref_slice %arg9[%dma_wait3A_92, %dma_wait3A_93] : memref<80x128xi32, #tpu.memory_space<vmem>> -> memref<1x128xi32, #tpu.memory_space<vmem>>
    %dma_wait3A_95 = tpu.memref_squeeze %dma_wait3A_94 : memref<1x128xi32, #tpu.memory_space<vmem>> -> memref<128xi32, #tpu.memory_space<vmem>>
    %dma_wait3A_96 = arith.constant 0 : i32
    %dma_wait3A_97 = arith.constant 0 : i32
    %dma_wait3A_98 = tpu.memref_slice %arg7[%dma_wait3A_96, %dma_wait3A_97] : memref<10240x64xf32, #tpu.memory_space<vmem_shared>> -> memref<10240x64xf32, #tpu.memory_space<vmem_shared>>
    tpu.wait_indirect_dma semaphore(%arg20 : memref<!tpu.dma_semaphore, #tpu.memory_space<semaphore_mem>>) src(%arg12 : memref<128x64xf32, #tpu.memory_space<vmem>>) dst(%dma_wait3A_98 : memref<10240x64xf32, #tpu.memory_space<vmem_shared>>)
    %dma_wait3A_99 = arith.constant 0 : i32
    %dma_wait3A_100 = arith.constant 0 : i32
    %dma_wait3A_101 = tpu.memref_slice %arg9[%dma_wait3A_99, %dma_wait3A_100] : memref<80x128xi32, #tpu.memory_space<vmem>> -> memref<1x128xi32, #tpu.memory_space<vmem>>
    %dma_wait3A_102 = tpu.memref_squeeze %dma_wait3A_101 : memref<1x128xi32, #tpu.memory_space<vmem>> -> memref<128xi32, #tpu.memory_space<vmem>>
    %dma_wait3A_103 = arith.constant 0 : i32
    %dma_wait3A_104 = arith.constant 0 : i32
    %dma_wait3A_105 = tpu.memref_slice %arg7[%dma_wait3A_103, %dma_wait3A_104] : memref<10240x64xf32, #tpu.memory_space<vmem_shared>> -> memref<10240x64xf32, #tpu.memory_space<vmem_shared>>
    tpu.wait_indirect_dma semaphore(%arg21 : memref<!tpu.dma_semaphore, #tpu.memory_space<semaphore_mem>>) src(%arg13 : memref<128x64xf32, #tpu.memory_space<vmem>>) dst(%dma_wait3A_105 : memref<10240x64xf32, #tpu.memory_space<vmem_shared>>)
    %dma_wait3A_106 = arith.constant 0 : i32
    %dma_wait3A_107 = arith.constant 0 : i32
    %dma_wait3A_108 = tpu.memref_slice %arg9[%dma_wait3A_106, %dma_wait3A_107] : memref<80x128xi32, #tpu.memory_space<vmem>> -> memref<1x128xi32, #tpu.memory_space<vmem>>
    %dma_wait3A_109 = tpu.memref_squeeze %dma_wait3A_108 : memref<1x128xi32, #tpu.memory_space<vmem>> -> memref<128xi32, #tpu.memory_space<vmem>>
    %dma_wait3A_110 = arith.constant 0 : i32
    %dma_wait3A_111 = arith.constant 0 : i32
    %dma_wait3A_112 = tpu.memref_slice %arg7[%dma_wait3A_110, %dma_wait3A_111] : memref<10240x64xf32, #tpu.memory_space<vmem_shared>> -> memref<10240x64xf32, #tpu.memory_space<vmem_shared>>
    tpu.wait_indirect_dma semaphore(%arg22 : memref<!tpu.dma_semaphore, #tpu.memory_space<semaphore_mem>>) src(%arg14 : memref<128x64xf32, #tpu.memory_space<vmem>>) dst(%dma_wait3A_112 : memref<10240x64xf32, #tpu.memory_space<vmem_shared>>)
    %dma_wait3A_113 = arith.constant 0 : i32
    %dma_wait3A_114 = arith.constant 0 : i32
    %dma_wait3A_115 = tpu.memref_slice %arg9[%dma_wait3A_113, %dma_wait3A_114] : memref<80x128xi32, #tpu.memory_space<vmem>> -> memref<1x128xi32, #tpu.memory_space<vmem>>
    %dma_wait3A_116 = tpu.memref_squeeze %dma_wait3A_115 : memref<1x128xi32, #tpu.memory_space<vmem>> -> memref<128xi32, #tpu.memory_space<vmem>>
    %dma_wait3A_117 = arith.constant 0 : i32
    %dma_wait3A_118 = arith.constant 0 : i32
    %dma_wait3A_119 = tpu.memref_slice %arg7[%dma_wait3A_117, %dma_wait3A_118] : memref<10240x64xf32, #tpu.memory_space<vmem_shared>> -> memref<10240x64xf32, #tpu.memory_space<vmem_shared>>
    tpu.wait_indirect_dma semaphore(%arg23 : memref<!tpu.dma_semaphore, #tpu.memory_space<semaphore_mem>>) src(%arg15 : memref<128x64xf32, #tpu.memory_space<vmem>>) dst(%dma_wait3A_119 : memref<10240x64xf32, #tpu.memory_space<vmem_shared>>)
    %barrier3A_120 = arith.constant 0 : index
    tpu.barrier barrier_id(%barrier3A_120)
    %scan3A_121 = arith.constant 0 : i32
    %scan3A_122 = arith.constant 4 : i32
    %scan3A_123 = arith.addi %scan3A_121, %scan3A_122 : i32
    %scan3A_124 = arith.constant 1 : i32
    scf.for %scan3A_126 = %scan3A_121 to %scan3A_123 step %scan3A_124  : i32 {
      %mul3A_127 = arith.constant 1 : i32
      %mul3A_128 = arith.muli %scan3A_126, %mul3A_127 : i32
      %add3A_129 = arith.constant 0 : i32
      %add3A_130 = arith.addi %add3A_129, %mul3A_128 : i32
      %mul3A_131 = arith.constant 640 : i32
      %mul3A_132 = arith.muli %arg1, %mul3A_131 : i32
      %mul3A_133 = arith.constant 160 : i32
      %mul3A_134 = arith.muli %add3A_130, %mul3A_133 : i32
      %add3A_135 = arith.addi %mul3A_132, %mul3A_134 : i32
      "tpu.region"() ({
        %run_scoped3A = tpu.sem_alloc : memref<!tpu.dma_semaphore, #tpu.memory_space<semaphore_mem>>
        %dma_start3A_136 = arith.constant 0 : i32
        %dma_start3A_137 = tpu.memref_slice %arg7[%add3A_135, %dma_start3A_136] : memref<10240x64xf32, #tpu.memory_space<vmem_shared>> -> memref<160x64xf32, #tpu.memory_space<vmem_shared>>
        %dma_start3A_138 = arith.constant 0 : i32
        %dma_start3A_139 = tpu.memref_slice %arg7[%add3A_135, %dma_start3A_138] : memref<10240x64xf32, #tpu.memory_space<vmem_shared>> -> memref<160x64xf32, #tpu.memory_space<vmem_shared>>
        tpu.enqueue_dma source(%dma_start3A_139 : memref<160x64xf32, #tpu.memory_space<vmem_shared>>) target(%arg11 : memref<160x64xf32, #tpu.memory_space<vmem>>) target_semaphore(%run_scoped3A : memref<!tpu.dma_semaphore, #tpu.memory_space<semaphore_mem>>)
        %dma_wait3A_140 = arith.constant 0 : i32
        %dma_wait3A_141 = tpu.memref_slice %arg7[%add3A_135, %dma_wait3A_140] : memref<10240x64xf32, #tpu.memory_space<vmem_shared>> -> memref<160x64xf32, #tpu.memory_space<vmem_shared>>
        %dma_wait3A_142 = arith.constant 0 : i32
        %dma_wait3A_143 = tpu.memref_slice %arg7[%add3A_135, %dma_wait3A_142] : memref<10240x64xf32, #tpu.memory_space<vmem_shared>> -> memref<160x64xf32, #tpu.memory_space<vmem_shared>>
        tpu.wait_dma2 semaphore(%run_scoped3A : memref<!tpu.dma_semaphore, #tpu.memory_space<semaphore_mem>>) src(%dma_wait3A_143 : memref<160x64xf32, #tpu.memory_space<vmem_shared>>) dst(%arg11 : memref<160x64xf32, #tpu.memory_space<vmem>>)
        tpu.yield
      }) : () -> ()
      "tpu.region"() ({
        %run_scoped3A = tpu.sem_alloc : memref<!tpu.dma_semaphore, #tpu.memory_space<semaphore_mem>>
        %dma_start3A_136 = arith.constant 0 : i32
        %dma_start3A_137 = tpu.memref_slice %arg6[%arg0, %add3A_135, %dma_start3A_136] : memref<2x10240x128xf32, #tpu.memory_space<hbm>> -> memref<1x160x64xf32, #tpu.memory_space<hbm>>
        %dma_start3A_138 = tpu.memref_squeeze %dma_start3A_137 : memref<1x160x64xf32, #tpu.memory_space<hbm>> -> memref<160x64xf32, #tpu.memory_space<hbm>>
        %dma_start3A_139 = arith.constant 0 : i32
        %dma_start3A_140 = tpu.memref_slice %arg6[%arg0, %add3A_135, %dma_start3A_139] : memref<2x10240x128xf32, #tpu.memory_space<hbm>> -> memref<1x160x64xf32, #tpu.memory_space<hbm>>
        %dma_start3A_141 = tpu.memref_squeeze %dma_start3A_140 : memref<1x160x64xf32, #tpu.memory_space<hbm>> -> memref<160x64xf32, #tpu.memory_space<hbm>>
        tpu.enqueue_dma source(%arg11 : memref<160x64xf32, #tpu.memory_space<vmem>>) target(%dma_start3A_141 : memref<160x64xf32, #tpu.memory_space<hbm>>) target_semaphore(%run_scoped3A : memref<!tpu.dma_semaphore, #tpu.memory_space<semaphore_mem>>)
        %dma_wait3A_142 = arith.constant 0 : i32
        %dma_wait3A_143 = tpu.memref_slice %arg6[%arg0, %add3A_135, %dma_wait3A_142] : memref<2x10240x128xf32, #tpu.memory_space<hbm>> -> memref<1x160x64xf32, #tpu.memory_space<hbm>>
        %dma_wait3A_144 = tpu.memref_squeeze %dma_wait3A_143 : memref<1x160x64xf32, #tpu.memory_space<hbm>> -> memref<160x64xf32, #tpu.memory_space<hbm>>
        %dma_wait3A_145 = arith.constant 0 : i32
        %dma_wait3A_146 = tpu.memref_slice %arg6[%arg0, %add3A_135, %dma_wait3A_145] : memref<2x10240x128xf32, #tpu.memory_space<hbm>> -> memref<1x160x64xf32, #tpu.memory_space<hbm>>
        %dma_wait3A_147 = tpu.memref_squeeze %dma_wait3A_146 : memref<1x160x64xf32, #tpu.memory_space<hbm>> -> memref<160x64xf32, #tpu.memory_space<hbm>>
        tpu.wait_dma2 semaphore(%run_scoped3A : memref<!tpu.dma_semaphore, #tpu.memory_space<semaphore_mem>>) src(%arg11 : memref<160x64xf32, #tpu.memory_space<vmem>>) dst(%dma_wait3A_147 : memref<160x64xf32, #tpu.memory_space<hbm>>)
        tpu.yield
      }) : () -> ()
    }
    %scan3A_125 = arith.constant 4 : i32
    return
  }
}

module attributes {stable_mosaic.version = 14 : i64} {
  func.func @_tc_prep1_body(%arg0: i32, %arg1: memref<1280x128xf32, #tpu.memory_space<vmem>>, %arg2: memref<128x64xf32, #tpu.memory_space<vmem>>, %arg3: memref<1x1280x128xf32, #tpu.memory_space<vmem>>, %arg4: memref<1x1280x128xf32, #tpu.memory_space<vmem>>, %arg5: memref<1280x128xf32, #tpu.memory_space<vmem>>) attributes {dimension_semantics = [#tpu.dimension_semantics<arbitrary>], iteration_bounds = array<i64: 8>, scalar_prefetch = 0 : i64, scratch_operands = 0 : i64, tpu.core_type = #tpu.core_type<tc>, window_params = [{transform_indices = @transform_0, window_bounds = array<i64: 1280, 128>}, {pipeline_mode = #tpu.pipeline_mode<synchronous>, transform_indices = @transform_1, window_bounds = array<i64: 128, 64>}, {transform_indices = @transform_2, window_bounds = array<i64: 1, 1280, 128>}, {transform_indices = @transform_3, window_bounds = array<i64: 1, 1280, 128>}, {transform_indices = @transform_4, window_bounds = array<i64: 1280, 128>}]} {
    %get3A = arith.constant 0 : index
    %get3A_0 = arith.constant 0 : index
    %get3A_1 = vector.load %arg1[%get3A, %get3A_0] : memref<1280x128xf32, #tpu.memory_space<vmem>>, vector<1280x128xf32>
    %get3A_2 = arith.constant 0 : index
    %get3A_3 = arith.constant 0 : index
    %get3A_4 = vector.load %arg2[%get3A_2, %get3A_3] : memref<128x64xf32, #tpu.memory_space<vmem>>, vector<128x64xf32>
    %dot_general3A = arith.constant dense<0.000000e+00> : vector<1280x64xf32>
    %dot_general3A_5 = tpu.matmul %get3A_1, %get3A_4, %dot_general3A {dimension_numbers = #tpu.dot_dimension_numbers<[1], [0], [0], [1], [0, 0, 1, 1], [], []>, transpose_lhs_hint = false} : vector<1280x128xf32>, vector<128x64xf32>, vector<1280x64xf32> -> vector<1280x64xf32>
    %get3A_6 = arith.constant 0 : index
    %get3A_7 = arith.constant 0 : index
    %get3A_8 = arith.constant 0 : index
    %get3A_9 = vector.load %arg3[%get3A_6, %get3A_7, %get3A_8] : memref<1x1280x128xf32, #tpu.memory_space<vmem>>, vector<1x1280x1xf32>
    %get3A_10 = vector.shape_cast %get3A_9 : vector<1x1280x1xf32> to vector<1280x1xf32>
    %get3A_11 = arith.constant 0 : index
    %get3A_12 = arith.constant 0 : index
    %get3A_13 = arith.constant 0 : index
    %get3A_14 = vector.load %arg4[%get3A_11, %get3A_12, %get3A_13] : memref<1x1280x128xf32, #tpu.memory_space<vmem>>, vector<1x1280x1xf32>
    %get3A_15 = vector.shape_cast %get3A_14 : vector<1x1280x1xf32> to vector<1280x1xf32>
    %add3A = arith.addf %get3A_10, %get3A_15 : vector<1280x1xf32>
    %add3A_16 = arith.constant 1.000000e+00 : f32
    %add3A_17 = vector.broadcast %add3A_16 : f32 to vector<1280x1xf32>
    %add3A_18 = arith.addf %add3A, %add3A_17 : vector<1280x1xf32>
    %rsqrt3A = math.rsqrt %add3A_18 : vector<1280x1xf32>
    %mul3A = vector.broadcast %rsqrt3A : vector<1280x1xf32> to vector<1280x64xf32>
    %mul3A_19 = arith.mulf %dot_general3A_5, %mul3A : vector<1280x64xf32>
    %swap3A = arith.constant 0 : index
    %swap3A_20 = arith.constant 0 : index
    %swap3A_21 = vector.load %arg5[%swap3A, %swap3A_20] : memref<1280x128xf32, #tpu.memory_space<vmem>>, vector<1280x64xf32>
    tpu.vector_store %arg5[%swap3A, %swap3A_20], %mul3A_19 {strides = array<i32>} : memref<1280x128xf32, #tpu.memory_space<vmem>>, vector<1280x64xf32>,
    return
  }
  func.func @transform_0(%arg0: i32) -> (i32, i32) {
    %c0_i32 = arith.constant 0 : i32
    %c0_i32_0 = arith.constant 0 : i32
    return %arg0, %c0_i32 : i32, i32
  }
  func.func @transform_1(%arg0: i32) -> (i32, i32) {
    %c0_i32 = arith.constant 0 : i32
    %c0_i32_0 = arith.constant 0 : i32
    %c0_i32_1 = arith.constant 0 : i32
    return %c0_i32, %c0_i32_0 : i32, i32
  }
  func.func @transform_2(%arg0: i32) -> (i32, i32, i32) {
    %c0_i32 = arith.constant 0 : i32
    %c0_i32_0 = arith.constant 0 : i32
    %c0_i32_1 = arith.constant 0 : i32
    return %c0_i32, %arg0, %c0_i32_0 : i32, i32, i32
  }
  func.func @transform_3(%arg0: i32) -> (i32, i32, i32) {
    %c1_i32 = arith.constant 1 : i32
    %c0_i32 = arith.constant 0 : i32
    %c0_i32_0 = arith.constant 0 : i32
    return %c1_i32, %arg0, %c0_i32 : i32, i32, i32
  }
  func.func @transform_4(%arg0: i32) -> (i32, i32) {
    %c0_i32 = arith.constant 0 : i32
    %c0_i32_0 = arith.constant 0 : i32
    return %arg0, %c0_i32 : i32, i32
  }
}

module attributes {stable_mosaic.version = 14 : i64} {
  func.func @_tc_mid_body(%arg0: i32, %arg1: memref<1x1280x128xf32, #tpu.memory_space<vmem>>, %arg2: memref<1x1280x128xf32, #tpu.memory_space<vmem>>, %arg3: memref<1280x128xf32, #tpu.memory_space<vmem>>, %arg4: memref<1x1280x128xf32, #tpu.memory_space<vmem>>, %arg5: memref<1x1280x128xf32, #tpu.memory_space<vmem>>, %arg6: memref<1x64xf32, #tpu.memory_space<vmem>>, %arg7: memref<64x64xf32, #tpu.memory_space<vmem>>, %arg8: memref<1280x128xf32, #tpu.memory_space<vmem>>) attributes {dimension_semantics = [#tpu.dimension_semantics<arbitrary>], iteration_bounds = array<i64: 8>, scalar_prefetch = 0 : i64, scratch_operands = 0 : i64, tpu.core_type = #tpu.core_type<tc>, window_params = [{transform_indices = @transform_0, window_bounds = array<i64: 1, 1280, 128>}, {transform_indices = @transform_1, window_bounds = array<i64: 1, 1280, 128>}, {transform_indices = @transform_2, window_bounds = array<i64: 1280, 128>}, {transform_indices = @transform_3, window_bounds = array<i64: 1, 1280, 128>}, {transform_indices = @transform_4, window_bounds = array<i64: 1, 1280, 128>}, {pipeline_mode = #tpu.pipeline_mode<synchronous>, transform_indices = @transform_5, window_bounds = array<i64: 1, 64>}, {pipeline_mode = #tpu.pipeline_mode<synchronous>, transform_indices = @transform_6, window_bounds = array<i64: 64, 64>}, {transform_indices = @transform_7, window_bounds = array<i64: 1280, 128>}]} {
    %get3A = arith.constant 0 : index
    %get3A_0 = arith.constant 0 : index
    %get3A_1 = arith.constant 0 : index
    %get3A_2 = vector.load %arg4[%get3A, %get3A_0, %get3A_1] : memref<1x1280x128xf32, #tpu.memory_space<vmem>>, vector<1x1280x1xf32>
    %get3A_3 = vector.shape_cast %get3A_2 : vector<1x1280x1xf32> to vector<1280x1xf32>
    %get3A_4 = arith.constant 0 : index
    %get3A_5 = arith.constant 0 : index
    %get3A_6 = arith.constant 0 : index
    %get3A_7 = vector.load %arg5[%get3A_4, %get3A_5, %get3A_6] : memref<1x1280x128xf32, #tpu.memory_space<vmem>>, vector<1x1280x1xf32>
    %get3A_8 = vector.shape_cast %get3A_7 : vector<1x1280x1xf32> to vector<1280x1xf32>
    %add3A = arith.addf %get3A_3, %get3A_8 : vector<1280x1xf32>
    %add3A_9 = arith.constant 1.000000e+00 : f32
    %add3A_10 = vector.broadcast %add3A_9 : f32 to vector<1280x1xf32>
    %add3A_11 = arith.addf %add3A, %add3A_10 : vector<1280x1xf32>
    %rsqrt3A = math.rsqrt %add3A_11 : vector<1280x1xf32>
    %get3A_12 = arith.constant 0 : index
    %get3A_13 = arith.constant 0 : index
    %get3A_14 = arith.constant 0 : index
    %get3A_15 = vector.load %arg1[%get3A_12, %get3A_13, %get3A_14] : memref<1x1280x128xf32, #tpu.memory_space<vmem>>, vector<1x1280x64xf32>
    %get3A_16 = vector.shape_cast %get3A_15 : vector<1x1280x64xf32> to vector<1280x64xf32>
    %get3A_17 = arith.constant 0 : index
    %get3A_18 = arith.constant 0 : index
    %get3A_19 = arith.constant 0 : index
    %get3A_20 = vector.load %arg2[%get3A_17, %get3A_18, %get3A_19] : memref<1x1280x128xf32, #tpu.memory_space<vmem>>, vector<1x1280x64xf32>
    %get3A_21 = vector.shape_cast %get3A_20 : vector<1x1280x64xf32> to vector<1280x64xf32>
    %add3A_22 = arith.addf %get3A_16, %get3A_21 : vector<1280x64xf32>
    %get3A_23 = arith.constant 0 : index
    %get3A_24 = arith.constant 0 : index
    %get3A_25 = vector.load %arg3[%get3A_23, %get3A_24] : memref<1280x128xf32, #tpu.memory_space<vmem>>, vector<1280x64xf32>
    %add3A_26 = arith.addf %add3A_22, %get3A_25 : vector<1280x64xf32>
    %mul3A = vector.broadcast %rsqrt3A : vector<1280x1xf32> to vector<1280x64xf32>
    %mul3A_27 = arith.mulf %add3A_26, %mul3A : vector<1280x64xf32>
    %get3A_28 = arith.constant 0 : index
    %get3A_29 = arith.constant 0 : index
    %get3A_30 = vector.load %arg6[%get3A_28, %get3A_29] : memref<1x64xf32, #tpu.memory_space<vmem>>, vector<1x64xf32>
    %add3A_31 = vector.broadcast %get3A_30 : vector<1x64xf32> to vector<1280x64xf32>
    %add3A_32 = arith.addf %mul3A_27, %add3A_31 : vector<1280x64xf32>
    %max3A = arith.constant 0.000000e+00 : f32
    %max3A_33 = vector.broadcast %max3A : f32 to vector<1280x64xf32>
    %max3A_34 = arith.maximumf %add3A_32, %max3A_33 : vector<1280x64xf32>
    %get3A_35 = arith.constant 0 : index
    %get3A_36 = arith.constant 0 : index
    %get3A_37 = vector.load %arg7[%get3A_35, %get3A_36] : memref<64x64xf32, #tpu.memory_space<vmem>>, vector<64x64xf32>
    %dot_general3A = arith.constant dense<0.000000e+00> : vector<1280x64xf32>
    %dot_general3A_38 = tpu.matmul %max3A_34, %get3A_37, %dot_general3A {dimension_numbers = #tpu.dot_dimension_numbers<[1], [0], [0], [1], [0, 0, 1, 1], [], []>, transpose_lhs_hint = false} : vector<1280x64xf32>, vector<64x64xf32>, vector<1280x64xf32> -> vector<1280x64xf32>
    %mul3A_39 = vector.broadcast %rsqrt3A : vector<1280x1xf32> to vector<1280x64xf32>
    %mul3A_40 = arith.mulf %dot_general3A_38, %mul3A_39 : vector<1280x64xf32>
    %swap3A = arith.constant 0 : index
    %swap3A_41 = arith.constant 0 : index
    %swap3A_42 = vector.load %arg8[%swap3A, %swap3A_41] : memref<1280x128xf32, #tpu.memory_space<vmem>>, vector<1280x64xf32>
    tpu.vector_store %arg8[%swap3A, %swap3A_41], %mul3A_40 {strides = array<i32>} : memref<1280x128xf32, #tpu.memory_space<vmem>>, vector<1280x64xf32>,
    return
  }
  func.func @transform_0(%arg0: i32) -> (i32, i32, i32) {
    %c0_i32 = arith.constant 0 : i32
    %c0_i32_0 = arith.constant 0 : i32
    %c0_i32_1 = arith.constant 0 : i32
    return %c0_i32, %arg0, %c0_i32_0 : i32, i32, i32
  }
  func.func @transform_1(%arg0: i32) -> (i32, i32, i32) {
    %c1_i32 = arith.constant 1 : i32
    %c0_i32 = arith.constant 0 : i32
    %c0_i32_0 = arith.constant 0 : i32
    return %c1_i32, %arg0, %c0_i32 : i32, i32, i32
  }
  func.func @transform_2(%arg0: i32) -> (i32, i32) {
    %c0_i32 = arith.constant 0 : i32
    %c0_i32_0 = arith.constant 0 : i32
    return %arg0, %c0_i32 : i32, i32
  }
  func.func @transform_3(%arg0: i32) -> (i32, i32, i32) {
    %c0_i32 = arith.constant 0 : i32
    %c0_i32_0 = arith.constant 0 : i32
    %c0_i32_1 = arith.constant 0 : i32
    return %c0_i32, %arg0, %c0_i32_0 : i32, i32, i32
  }
  func.func @transform_4(%arg0: i32) -> (i32, i32, i32) {
    %c1_i32 = arith.constant 1 : i32
    %c0_i32 = arith.constant 0 : i32
    %c0_i32_0 = arith.constant 0 : i32
    return %c1_i32, %arg0, %c0_i32 : i32, i32, i32
  }
  func.func @transform_5(%arg0: i32) -> (i32, i32) {
    %c0_i32 = arith.constant 0 : i32
    %c0_i32_0 = arith.constant 0 : i32
    %c0_i32_1 = arith.constant 0 : i32
    return %c0_i32, %c0_i32_0 : i32, i32
  }
  func.func @transform_6(%arg0: i32) -> (i32, i32) {
    %c0_i32 = arith.constant 0 : i32
    %c0_i32_0 = arith.constant 0 : i32
    %c0_i32_1 = arith.constant 0 : i32
    return %c0_i32, %c0_i32_0 : i32, i32
  }
  func.func @transform_7(%arg0: i32) -> (i32, i32) {
    %c0_i32 = arith.constant 0 : i32
    %c0_i32_0 = arith.constant 0 : i32
    return %arg0, %c0_i32 : i32, i32
  }
}

module attributes {stable_mosaic.version = 14 : i64} {
  func.func @_tc_final_body(%arg0: i32, %arg1: memref<1x1280x128xf32, #tpu.memory_space<vmem>>, %arg2: memref<1x1280x128xf32, #tpu.memory_space<vmem>>, %arg3: memref<1280x128xf32, #tpu.memory_space<vmem>>, %arg4: memref<1x1280x128xf32, #tpu.memory_space<vmem>>, %arg5: memref<1x1280x128xf32, #tpu.memory_space<vmem>>, %arg6: memref<1x64xf32, #tpu.memory_space<vmem>>, %arg7: memref<1280x1xi32, #tpu.memory_space<vmem>>, %arg8: memref<64x1xf32, #tpu.memory_space<vmem>>, %arg9: memref<1x1xf32, #tpu.memory_space<vmem>>, %arg10: memref<64x1xf32, #tpu.memory_space<vmem>>, %arg11: memref<64x64xf32, #tpu.memory_space<vmem>>, %arg12: memref<64x8xf32, #tpu.memory_space<vmem>>) attributes {dimension_semantics = [#tpu.dimension_semantics<arbitrary>], iteration_bounds = array<i64: 8>, scalar_prefetch = 0 : i64, scratch_operands = 2 : i64, tpu.core_type = #tpu.core_type<tc>, window_params = [{transform_indices = @transform_0, window_bounds = array<i64: 1, 1280, 128>}, {transform_indices = @transform_1, window_bounds = array<i64: 1, 1280, 128>}, {transform_indices = @transform_2, window_bounds = array<i64: 1280, 128>}, {transform_indices = @transform_3, window_bounds = array<i64: 1, 1280, 128>}, {transform_indices = @transform_4, window_bounds = array<i64: 1, 1280, 128>}, {pipeline_mode = #tpu.pipeline_mode<synchronous>, transform_indices = @transform_5, window_bounds = array<i64: 1, 64>}, {transform_indices = @transform_6, window_bounds = array<i64: 1280, 1>}, {pipeline_mode = #tpu.pipeline_mode<synchronous>, transform_indices = @transform_7, window_bounds = array<i64: 64, 1>}, {pipeline_mode = #tpu.pipeline_mode<synchronous>, transform_indices = @transform_8, window_bounds = array<i64: 1, 1>}, {pipeline_mode = #tpu.pipeline_mode<synchronous>, transform_indices = @transform_9, window_bounds = array<i64: 64, 1>}]} {
    %get3A = arith.constant 0 : index
    %get3A_0 = arith.constant 0 : index
    %get3A_1 = arith.constant 0 : index
    %get3A_2 = vector.load %arg4[%get3A, %get3A_0, %get3A_1] : memref<1x1280x128xf32, #tpu.memory_space<vmem>>, vector<1x1280x1xf32>
    %get3A_3 = vector.shape_cast %get3A_2 : vector<1x1280x1xf32> to vector<1280x1xf32>
    %get3A_4 = arith.constant 0 : index
    %get3A_5 = arith.constant 0 : index
    %get3A_6 = arith.constant 0 : index
    %get3A_7 = vector.load %arg5[%get3A_4, %get3A_5, %get3A_6] : memref<1x1280x128xf32, #tpu.memory_space<vmem>>, vector<1x1280x1xf32>
    %get3A_8 = vector.shape_cast %get3A_7 : vector<1x1280x1xf32> to vector<1280x1xf32>
    %add3A = arith.addf %get3A_3, %get3A_8 : vector<1280x1xf32>
    %add3A_9 = arith.constant 1.000000e+00 : f32
    %add3A_10 = vector.broadcast %add3A_9 : f32 to vector<1280x1xf32>
    %add3A_11 = arith.addf %add3A, %add3A_10 : vector<1280x1xf32>
    %rsqrt3A = math.rsqrt %add3A_11 : vector<1280x1xf32>
    %get3A_12 = arith.constant 0 : index
    %get3A_13 = arith.constant 0 : index
    %get3A_14 = arith.constant 0 : index
    %get3A_15 = vector.load %arg1[%get3A_12, %get3A_13, %get3A_14] : memref<1x1280x128xf32, #tpu.memory_space<vmem>>, vector<1x1280x64xf32>
    %get3A_16 = vector.shape_cast %get3A_15 : vector<1x1280x64xf32> to vector<1280x64xf32>
    %get3A_17 = arith.constant 0 : index
    %get3A_18 = arith.constant 0 : index
    %get3A_19 = arith.constant 0 : index
    %get3A_20 = vector.load %arg2[%get3A_17, %get3A_18, %get3A_19] : memref<1x1280x128xf32, #tpu.memory_space<vmem>>, vector<1x1280x64xf32>
    %get3A_21 = vector.shape_cast %get3A_20 : vector<1x1280x64xf32> to vector<1280x64xf32>
    %add3A_22 = arith.addf %get3A_16, %get3A_21 : vector<1280x64xf32>
    %get3A_23 = arith.constant 0 : index
    %get3A_24 = arith.constant 0 : index
    %get3A_25 = vector.load %arg3[%get3A_23, %get3A_24] : memref<1280x128xf32, #tpu.memory_space<vmem>>, vector<1280x64xf32>
    %add3A_26 = arith.addf %add3A_22, %get3A_25 : vector<1280x64xf32>
    %mul3A = vector.broadcast %rsqrt3A : vector<1280x1xf32> to vector<1280x64xf32>
    %mul3A_27 = arith.mulf %add3A_26, %mul3A : vector<1280x64xf32>
    %get3A_28 = arith.constant 0 : index
    %get3A_29 = arith.constant 0 : index
    %get3A_30 = vector.load %arg6[%get3A_28, %get3A_29] : memref<1x64xf32, #tpu.memory_space<vmem>>, vector<1x64xf32>
    %add3A_31 = vector.broadcast %get3A_30 : vector<1x64xf32> to vector<1280x64xf32>
    %add3A_32 = arith.addf %mul3A_27, %add3A_31 : vector<1280x64xf32>
    %mul3A_33 = arith.constant 1280 : i32
    %mul3A_34 = arith.muli %arg0, %mul3A_33 : i32
    %iota3A = tpu.iota {dimensions = array<i32: 0>} : vector<1280x1xi32>
    %add3A_35 = vector.broadcast %mul3A_34 : i32 to vector<1280x1xi32>
    %add3A_36 = arith.addi %add3A_35, %iota3A : vector<1280x1xi32>
    %lt3A = arith.constant 10000 : i32
    %lt3A_37 = vector.broadcast %lt3A : i32 to vector<1280x1xi32>
    %lt3A_38 = arith.cmpi slt, %add3A_36, %lt3A_37 : vector<1280x1xi32>
    %jit3A = arith.constant 0.000000e+00 : f32
    %broadcast_in_dim3A = vector.shape_cast %lt3A_38 : vector<1280x1xi1> to vector<1280x1xi1>
    %broadcast_in_dim3A_39 = vector.broadcast %broadcast_in_dim3A : vector<1280x1xi1> to vector<1280x64xi1>
    %broadcast_in_dim3A_40 = vector.broadcast %jit3A : f32 to vector<1280x64xf32>
    %select_n3A = arith.select %broadcast_in_dim3A_39, %add3A_32, %broadcast_in_dim3A_40 : vector<1280x64xi1>, vector<1280x64xf32>
    %jit3A_41 = arith.constant 1.000000e+00 : f32
    %jit3A_42 = arith.constant 0.000000e+00 : f32
    %broadcast_in_dim3A_43 = vector.broadcast %jit3A_41 : f32 to vector<1280x1xf32>
    %broadcast_in_dim3A_44 = vector.broadcast %jit3A_42 : f32 to vector<1280x1xf32>
    %select_n3A_45 = arith.select %lt3A_38, %broadcast_in_dim3A_43, %broadcast_in_dim3A_44 : vector<1280x1xi1>, vector<1280x1xf32>
    %iota3A_46 = tpu.iota {dimensions = array<i32: 1>} : vector<1280x64xi32>
    %get3A_47 = arith.constant 0 : index
    %get3A_48 = arith.constant 0 : index
    %get3A_49 = vector.load %arg7[%get3A_47, %get3A_48] : memref<1280x1xi32, #tpu.memory_space<vmem>>, vector<1280x1xi32>
    %eq3A = vector.broadcast %get3A_49 : vector<1280x1xi32> to vector<1280x64xi32>
    %eq3A_50 = arith.cmpi eq, %eq3A, %iota3A_46 : vector<1280x64xi32>
    %and3A = vector.broadcast %lt3A_38 : vector<1280x1xi1> to vector<1280x64xi1>
    %and3A_51 = arith.andi %eq3A_50, %and3A : vector<1280x64xi1>
    %jit3A_52 = arith.constant 1.000000e+00 : f32
    %jit3A_53 = arith.constant 0.000000e+00 : f32
    %broadcast_in_dim3A_54 = vector.broadcast %jit3A_52 : f32 to vector<1280x64xf32>
    %broadcast_in_dim3A_55 = vector.broadcast %jit3A_53 : f32 to vector<1280x64xf32>
    %select_n3A_56 = arith.select %and3A_51, %broadcast_in_dim3A_54, %broadcast_in_dim3A_55 : vector<1280x64xi1>, vector<1280x64xf32>
    %dot_general3A = arith.constant dense<0.000000e+00> : vector<64x64xf32>
    %dot_general3A_57 = tpu.matmul %select_n3A_56, %select_n3A, %dot_general3A {dimension_numbers = #tpu.dot_dimension_numbers<[0], [0], [1], [1], [0, 1, 1, 1], [], []>, transpose_lhs_hint = false} : vector<1280x64xf32>, vector<1280x64xf32>, vector<64x64xf32> -> vector<64x64xf32>
    %dot_general3A_58 = arith.constant dense<0.000000e+00> : vector<64x1xf32>
    %dot_general3A_59 = tpu.matmul %select_n3A_56, %select_n3A_45, %dot_general3A_58 {dimension_numbers = #tpu.dot_dimension_numbers<[0], [0], [1], [1], [0, 1, 1, 1], [], []>, transpose_lhs_hint = false} : vector<1280x64xf32>, vector<1280x1xf32>, vector<64x1xf32> -> vector<64x1xf32>
    %eq3A_60 = arith.constant 0 : i32
    %eq3A_61 = arith.cmpi eq, %arg0, %eq3A_60 : i32
    %convert_element_type3A = arith.extui %eq3A_61 : i1 to i32
    %cond3A = arith.constant 0 : i32
    %cond3A_62 = arith.cmpi ne, %convert_element_type3A, %cond3A : i32
    scf.if %cond3A_62 {
      %broadcast_in_dim3A_81 = arith.constant 0.000000e+00 : f32
      %broadcast_in_dim3A_82 = vector.broadcast %broadcast_in_dim3A_81 : f32 to vector<64x64xf32>
      %swap3A_83 = arith.constant 0 : index
      %swap3A_84 = arith.constant 0 : index
      %swap3A_85 = vector.load %arg11[%swap3A_83, %swap3A_84] : memref<64x64xf32, #tpu.memory_space<vmem>>, vector<64x64xf32>
      tpu.vector_store %arg11[%swap3A_83, %swap3A_84], %broadcast_in_dim3A_82 {strides = array<i32>} : memref<64x64xf32, #tpu.memory_space<vmem>>, vector<64x64xf32>,
      %broadcast_in_dim3A_86 = arith.constant 0.000000e+00 : f32
      %broadcast_in_dim3A_87 = vector.broadcast %broadcast_in_dim3A_86 : f32 to vector<64x8xf32>
      %swap3A_88 = arith.constant 0 : index
      %swap3A_89 = arith.constant 0 : index
      %swap3A_90 = vector.load %arg12[%swap3A_88, %swap3A_89] : memref<64x8xf32, #tpu.memory_space<vmem>>, vector<64x8xf32>
      tpu.vector_store %arg12[%swap3A_88, %swap3A_89], %broadcast_in_dim3A_87 {strides = array<i32>} : memref<64x8xf32, #tpu.memory_space<vmem>>, vector<64x8xf32>,
    } else {
    }
    %get3A_63 = arith.constant 0 : index
    %get3A_64 = arith.constant 0 : index
    %get3A_65 = vector.load %arg11[%get3A_63, %get3A_64] : memref<64x64xf32, #tpu.memory_space<vmem>>, vector<64x64xf32>
    %add3A_66 = arith.addf %get3A_65, %dot_general3A_57 : vector<64x64xf32>
    %swap3A = arith.constant 0 : index
    %swap3A_67 = arith.constant 0 : index
    %swap3A_68 = vector.load %arg11[%swap3A, %swap3A_67] : memref<64x64xf32, #tpu.memory_space<vmem>>, vector<64x64xf32>
    tpu.vector_store %arg11[%swap3A, %swap3A_67], %add3A_66 {strides = array<i32>} : memref<64x64xf32, #tpu.memory_space<vmem>>, vector<64x64xf32>,
    %get3A_69 = arith.constant 0 : index
    %get3A_70 = arith.constant 0 : index
    %get3A_71 = vector.load %arg12[%get3A_69, %get3A_70] : memref<64x8xf32, #tpu.memory_space<vmem>>, vector<64x1xf32>
    %add3A_72 = arith.addf %get3A_71, %dot_general3A_59 : vector<64x1xf32>
    %swap3A_73 = arith.constant 0 : index
    %swap3A_74 = arith.constant 0 : index
    %swap3A_75 = vector.load %arg12[%swap3A_73, %swap3A_74] : memref<64x8xf32, #tpu.memory_space<vmem>>, vector<64x1xf32>
    tpu.vector_store %arg12[%swap3A_73, %swap3A_74], %add3A_72 {strides = array<i32>} : memref<64x8xf32, #tpu.memory_space<vmem>>, vector<64x1xf32>,
    %eq3A_76 = arith.constant 7 : i32
    %eq3A_77 = arith.cmpi eq, %arg0, %eq3A_76 : i32
    %convert_element_type3A_78 = arith.extui %eq3A_77 : i1 to i32
    %cond3A_79 = arith.constant 0 : i32
    %cond3A_80 = arith.cmpi ne, %convert_element_type3A_78, %cond3A_79 : i32
    scf.if %cond3A_80 {
      %get3A_81 = arith.constant 0 : index
      %get3A_82 = arith.constant 0 : index
      %get3A_83 = vector.load %arg11[%get3A_81, %get3A_82] : memref<64x64xf32, #tpu.memory_space<vmem>>, vector<64x64xf32>
      %get3A_84 = arith.constant 0 : index
      %get3A_85 = arith.constant 0 : index
      %get3A_86 = vector.load %arg12[%get3A_84, %get3A_85] : memref<64x8xf32, #tpu.memory_space<vmem>>, vector<64x1xf32>
      %max3A = arith.constant 1.000000e+00 : f32
      %max3A_87 = vector.broadcast %max3A : f32 to vector<64x1xf32>
      %max3A_88 = arith.maximumf %get3A_86, %max3A_87 : vector<64x1xf32>
      %div3A = vector.broadcast %max3A_88 : vector<64x1xf32> to vector<64x64xf32>
      %div3A_89 = arith.divf %get3A_83, %div3A : vector<64x64xf32>
      %get3A_90 = arith.constant 0 : index
      %get3A_91 = arith.constant 0 : index
      %get3A_92 = vector.load %arg8[%get3A_90, %get3A_91] : memref<64x1xf32, #tpu.memory_space<vmem>>, vector<64x1xf32>
      %dot_general3A_93 = arith.constant dense<0.000000e+00> : vector<64x1xf32>
      %dot_general3A_94 = tpu.matmul %div3A_89, %get3A_92, %dot_general3A_93 {dimension_numbers = #tpu.dot_dimension_numbers<[1], [0], [0], [1], [0, 0, 1, 1], [], []>, transpose_lhs_hint = false} : vector<64x64xf32>, vector<64x1xf32>, vector<64x1xf32> -> vector<64x1xf32>
      %get3A_95 = arith.constant 0 : index
      %get3A_96 = arith.constant 0 : index
      %get3A_97 = vector.load %arg9[%get3A_95, %get3A_96] : memref<1x1xf32, #tpu.memory_space<vmem>>, vector<1x1xf32>
      %add3A_98 = vector.broadcast %get3A_97 : vector<1x1xf32> to vector<64x1xf32>
      %add3A_99 = arith.addf %dot_general3A_94, %add3A_98 : vector<64x1xf32>
      %swap3A_100 = arith.constant 0 : index
      %swap3A_101 = arith.constant 0 : index
      %swap3A_102 = vector.load %arg10[%swap3A_100, %swap3A_101] : memref<64x1xf32, #tpu.memory_space<vmem>>, vector<64x1xf32>
      tpu.vector_store %arg10[%swap3A_100, %swap3A_101], %add3A_99 {strides = array<i32>} : memref<64x1xf32, #tpu.memory_space<vmem>>, vector<64x1xf32>,
    } else {
    }
    return
  }
  func.func @transform_0(%arg0: i32) -> (i32, i32, i32) {
    %c0_i32 = arith.constant 0 : i32
    %c0_i32_0 = arith.constant 0 : i32
    %c0_i32_1 = arith.constant 0 : i32
    return %c0_i32, %arg0, %c0_i32_0 : i32, i32, i32
  }
  func.func @transform_1(%arg0: i32) -> (i32, i32, i32) {
    %c1_i32 = arith.constant 1 : i32
    %c0_i32 = arith.constant 0 : i32
    %c0_i32_0 = arith.constant 0 : i32
    return %c1_i32, %arg0, %c0_i32 : i32, i32, i32
  }
  func.func @transform_2(%arg0: i32) -> (i32, i32) {
    %c0_i32 = arith.constant 0 : i32
    %c0_i32_0 = arith.constant 0 : i32
    return %arg0, %c0_i32 : i32, i32
  }
  func.func @transform_3(%arg0: i32) -> (i32, i32, i32) {
    %c0_i32 = arith.constant 0 : i32
    %c0_i32_0 = arith.constant 0 : i32
    %c0_i32_1 = arith.constant 0 : i32
    return %c0_i32, %arg0, %c0_i32_0 : i32, i32, i32
  }
  func.func @transform_4(%arg0: i32) -> (i32, i32, i32) {
    %c1_i32 = arith.constant 1 : i32
    %c0_i32 = arith.constant 0 : i32
    %c0_i32_0 = arith.constant 0 : i32
    return %c1_i32, %arg0, %c0_i32 : i32, i32, i32
  }
  func.func @transform_5(%arg0: i32) -> (i32, i32) {
    %c0_i32 = arith.constant 0 : i32
    %c0_i32_0 = arith.constant 0 : i32
    %c0_i32_1 = arith.constant 0 : i32
    return %c0_i32, %c0_i32_0 : i32, i32
  }
  func.func @transform_6(%arg0: i32) -> (i32, i32) {
    %c0_i32 = arith.constant 0 : i32
    %c0_i32_0 = arith.constant 0 : i32
    return %arg0, %c0_i32 : i32, i32
  }
  func.func @transform_7(%arg0: i32) -> (i32, i32) {
    %c0_i32 = arith.constant 0 : i32
    %c0_i32_0 = arith.constant 0 : i32
    %c0_i32_1 = arith.constant 0 : i32
    return %c0_i32, %c0_i32_0 : i32, i32
  }
  func.func @transform_8(%arg0: i32) -> (i32, i32) {
    %c0_i32 = arith.constant 0 : i32
    %c0_i32_0 = arith.constant 0 : i32
    %c0_i32_1 = arith.constant 0 : i32
    return %c0_i32, %c0_i32_0 : i32, i32
  }
  func.func @transform_9(%arg0: i32) -> (i32, i32) {
    %c0_i32 = arith.constant 0 : i32
    %c0_i32_0 = arith.constant 0 : i32
    %c0_i32_1 = arith.constant 0 : i32
    return %c0_i32, %c0_i32_0 : i32, i32
  }
}

</mosaic_0001>

<sc_bundles>
// kernel: kernel.11.cloned.1.call-start
scs
__scs_entry_jumppad:
0x0: {  	(pc) =	sbr.rel $0x88, $3  }
0x1: {  	(tag) =	ssettag $0x0;
	lr =	simm.s32 $0x1  }
0x2: {  	[smem:$0x3F98] =	sst lr;
	_ =	strace $0xD0000000  }
0x3: {  	_ = 	snop  }
0x4: {  	_ = 	snop  }
0x5: {  	_ = 	snop  }
0x6: {  	_ = 	snop  }
0x7: {  	_ = 	snop  }
__scs_overlays_trampoline_lowered:
0x8: {  	[smem:$0x3FA7] =	sst s0  }
0x9: {  	[smem:$0x3FA8] =	sst s1  }
0xa: {  	[smem:$0x3FA9] =	sst s2  }
0xb: {  	[smem:$0x3FAA] =	sst s3  }
0xc: {  	[smem:$0x3FAB] =	sst s4  }
0xd: {  	[smem:$0x3FAC] =	sst s5  }
0xe: {  	[smem:$0x3FAD] =	sst s6  }
0xf: {  	[smem:$0x3FAE] =	sst s7  }
0x10: {  	[smem:$0x3FAF] =	sst s8  }
0x11: {  	[smem:$0x3FB0] =	sst s9;
	s0 =	simm.s32 @!p0 $0x0  }
0x12: {  	s1 =	sld [smem:$0x3F96];
	s0 =	simm.s32 @p0 $0x1  }
0x13: {  	[smem:$0x3FB1] =	sst s0;
	s0 =	simm.s32 @!p1 $0x0  }
0x14: {  	s2 =	sld [smem:$0x3F95];
	s0 =	simm.s32 @p1 $0x1  }
0x15: {  	[smem:$0x3FB2] =	sst s0;
	s0 =	simm.s32 @!p2 $0x0  }
0x16: {  	s3 =	sld [smem:$0x3FDB];
	s0 =	simm.s32 @p2 $0x1  }
0x17: {  	s4 =	simm.s32 $0x1BF5;
	[smem:$0x3FB4] =	sst s0  }
0x18: {  	s0 =	sld [smem:$0x3F97];
	_ =	swait.ge [sflag:s4], $0x0  }
0x19: {  	s7 =	sld [smem:$0x3F98]  }
0x1a: {  	s8 =	sadd.s32 $0xFFFFE003, lr  }
0x1b: {  	s9 =	sadd.s32 $0xFFFFFEF7, lr;
	s5 =	simm.s32 $0xFFFFFFFF;
	p2 =	slt.u32 s8, $0xFFFFF086  }
0x1c: {  	p1 =	slt.u32 s9, $0xF7A;
	s5 =	simm.s32 @!p2 $0x0  }
0x1d: {  	s5 =	simm.s32 @p1 $0x1;
	p0 =	seq.s32 s7, s2  }
0x1e: {  	s7 =	smul.u32 @!p0 $0xF7A, s2;
	p2 =	seq.s32 @!p0 s5, $0x0  }
0x1f: {  	s9 =	smul.u32 $0xF7A, s1;
	s8 =	simm.s32 @!p0 $0x1BF5;
	p2 =	por !p2, p0  }
0x20: {  	[sflag:s8] =	ssyncset.s32 @!p0 $0xFFFFF086;
	s6 =	sadd.s32 @!p0 s3, s7;
	s7 =	simm.s32 @!p0 $0x108  }
0x21: {  	s3 =	sadd.s32 s3, s9;
	s6 =	sadd.s32 @!p0 $0x88, s6;
	s7 =	simm.s32 @p2 $0x1082  }
0x22: {  	[simem:s7], [sflag:s8] =	dma.local @!p0 [hbm:s6], $0xF7A  }
0x23: {  	s9 =	sor.u32 $0xD0000000, s2;
	s6 =	simm.s32 $0x108;
	_ =	swait.ge @!p0 [sflag:s8], $0x0  }
0x24: {  	s3 =	sadd.s32 $0x88, s3;
	s6 =	simm.s32 @!p1 $0x1082;
	[sflag:s4] =	ssyncset.s32 $0xFFFFF086  }
0x25: {  	[simem:s6], [sflag:s4] =	dma.local [hbm:s3], $0xF7A  }
0x26: {  	[smem:$0x3F98] =	sst s1;
	(tag) =	ssettag s2;
	_ =	strace s9  }
0x27: {  	s1 =	sld [smem:$0x3FA8]  }
0x28: {  	s2 =	sld [smem:$0x3FA9]  }
0x29: {  	s4 =	sld [smem:$0x3FAB]  }
0x2a: {  	p0 =	seq.s32 s5, $0x0;
	s5 =	sld [smem:$0x3FAC]  }
0x2b: {  	s6 =	sld [smem:$0x3FAD]  }
0x2c: {  	s7 =	sld [smem:$0x3FAE]  }
0x2d: {  	s3 =	simm.s32 $0x108;
	s8 =	sld [smem:$0x3FAF]  }
0x2e: {  	s3 =	simm.s32 @!p0 $0x1082;
	s9 =	sld [smem:$0x3FB0]  }
0x2f: {  	lr =	sadd.s32 s0, s3;
	s0 =	sld [smem:$0x3FA7]  }
0x30: {  	s3 =	sld [smem:$0x3FAA]  }
0x31: {  	[smem:$0x3FB3] =	sst s10  }
0x32: {  	s10 =	sld [smem:$0x3FB1];
	_ =	sdelay $0x3  }
0x33: {  	p0 =	seq.s32 s10, $0x1;
	s10 =	sld [smem:$0x3FB3];
	_ =	sdelay $0x3  }
0x34: {  	[smem:$0x3FB3] =	sst s10  }
0x35: {  	s10 =	sld [smem:$0x3FB2];
	_ =	sdelay $0x3  }
0x36: {  	p1 =	seq.s32 s10, $0x1;
	s10 =	sld [smem:$0x3FB3];
	_ =	sdelay $0x3  }
0x37: {  	[smem:$0x3FB3] =	sst s10  }
0x38: {  	s10 =	sld [smem:$0x3FB4]  }
0x39: {  	_ = 	snop;
	(pc) =	sbr.ind lr, $3  }
0x3a: {  	_ = 	snop  }
0x3b: {  	_ = 	snop  }
0x3c: {  	p2 =	seq.s32 s10, $0x1;
	s10 =	sld [smem:$0x3FB3]  }
0x3d: {  	_ =	shalt  }
0x3e: {  	_ =	shalt  }
0x3f: {  	_ =	shalt  }
0x40: {  	_ =	shalt  }
0x41: {  	_ =	shalt  }
0x42: {  	_ =	shalt  }
0x43: {  	_ =	shalt  }
0x44: {  	_ =	shalt  }
0x45: {  	_ =	shalt  }
0x46: {  	_ =	shalt  }
0x47: {  	_ =	shalt  }
0x48: {  	_ =	shalt  }
0x49: {  	_ =	shalt  }
0x4a: {  	_ =	shalt  }
0x4b: {  	_ =	shalt  }
0x4c: {  	_ =	shalt  }
0x4d: {  	_ =	shalt  }
0x4e: {  	_ =	shalt  }
0x4f: {  	_ =	shalt  }
0x50: {  	_ =	shalt  }
0x51: {  	_ =	shalt  }
0x52: {  	_ =	shalt  }
0x53: {  	_ =	shalt  }
0x54: {  	_ =	shalt  }
0x55: {  	_ =	shalt  }
0x56: {  	_ =	shalt  }
0x57: {  	_ =	shalt  }
0x58: {  	_ =	shalt  }
0x59: {  	_ =	shalt  }
0x5a: {  	_ =	shalt  }
0x5b: {  	_ =	shalt  }
0x5c: {  	_ =	shalt  }
0x5d: {  	_ =	shalt  }
0x5e: {  	_ =	shalt  }
0x5f: {  	_ =	shalt  }
0x60: {  	_ =	shalt  }
0x61: {  	_ =	shalt  }
0x62: {  	_ =	shalt  }
0x63: {  	_ =	shalt  }
0x64: {  	_ =	shalt  }
0x65: {  	_ =	shalt  }
0x66: {  	_ =	shalt  }
0x67: {  	_ =	shalt  }
0x68: {  	_ =	shalt  }
0x69: {  	_ =	shalt  }
0x6a: {  	_ =	shalt  }
0x6b: {  	_ =	shalt  }
0x6c: {  	_ =	shalt  }
0x6d: {  	_ =	shalt  }
0x6e: {  	_ =	shalt  }
0x6f: {  	_ =	shalt  }
0x70: {  	_ =	shalt  }
0x71: {  	_ =	shalt  }
0x72: {  	_ =	shalt  }
0x73: {  	_ =	shalt  }
0x74: {  	_ =	shalt  }
0x75: {  	_ =	shalt  }
0x76: {  	_ =	shalt  }
0x77: {  	_ =	shalt  }
0x78: {  	_ =	shalt  }
0x79: {  	_ =	shalt  }
0x7a: {  	_ =	shalt  }
0x7b: {  	_ =	shalt  }
0x7c: {  	_ =	shalt  }
0x7d: {  	_ =	shalt  }
0x7e: {  	_ =	shalt  }
0x7f: {  	_ =	shalt  }
0x80: {  	_ =	shalt  }
0x81: {  	_ =	shalt  }
0x82: {  	_ =	shalt  }
0x83: {  	_ =	shalt  }
0x84: {  	_ =	shalt  }
0x85: {  	_ =	shalt  }
0x86: {  	_ =	shalt  }
0x87: {  	_ =	shalt  }
.Lfunc_end0:
.L_simem_size_0:
called_computation.1_lowered:
.L_overlay_start_0:
0x88: {  	s2 =	sld [smem:$0x3FD9]  }
0x89: {  	s3 =	sld [smem:$0x3FFE];
	_ =	sdelay $0x1  }
0x8a: {  	s1 =	srdreg.scid  }
0x8b: {  	s0 =	sand.u32 $0x1, s1  }
0x8c: {  	s16 =	sshll.u32 s0, $0xA;
	s2 =	sadd.s32 s3, s2  }
0x8d: {  	s2 =	sadd.s32 s2, s16  }
0x8e: {  	[smem:$0x3FBF] =	sst s2  }
0x8f: {  	_ = 	snop  }
0x90: {  	(tm) =	ssettm $0x1  }
0x91: {  	s17 =	sld [smem:$0x3FFB];
	_ =	sdelay $0x3  }
0x92: {  	_ =	strace s17  }
0x93: {  	s2 =	sld [smem:$0x3FFC];
	_ =	sdelay $0x3  }
0x94: {  	_ =	strace s2  }
0x95: {  	s2 =	sld [smem:$0x3FFD];
	_ =	sdelay $0x3  }
0x96: {  	_ =	strace s2  }
0x97: {  	_ =	strace $0x8FFFFFFF  }
0x98: {  	s18 =	sld [smem:$0x3FDB];
	_ =	sdelay $0x1  }
0x99: {  	s19 =	simm.s32 $_scs_section_size  }
0x9a: {  	s4 =	simm.s32 $_size__tile_overlayer_lowered;
	s5 =	simm.s32 $_tile_overlayer_lowered  }
0x9b: {  	s22 =	simm.s32 $0x1BFF;
	s21 =	sshll.u32 s5, $0x1;
	s2 =	sadd.s32 s19, s18  }
0x9c: {  	s6 =	simm.s32 $0x0;
	s20 =	sshll.u32 s4, $0x1;
	s4 =	sadd.s32 s21, s2  }
0x9d: {  	[timem:s6], [sflag:s22] =	dma.local [hbm:s4], s20  }
0x9e: {  	_ =	swait.ge [sflag:s22], s20  }
0x9f: {  	s3 =	ssub.s32 $0x0, s20;
	[sflag:s22] =	ssyncset.done $0x0  }
0xa0: {  	[sflag:s22] =	ssyncadd.s32 s3;
	_ =	sdelay $0x1  }
0xa1: {  	s23 =	simm.s32 $0x1B8B  }
0xa2: {  	_ =	swait.ge [sflag:s23], $0x1  }
0xa3: {  	[sflag:s23] =	ssyncset.done $0x0  }
0xa4: {  	s25 =	simm.s32 $0x1B8E;
	s24 =	sld [smem:$0x3FFE];
	[sflag:s23] =	ssyncadd.s32 $0xFFFFFFFF  }
0xa5: {  	s26 =	simm.s32 $execute0_lowered;
	[smem:$0x3FD2] =	sst s25  }
0xa6: {  	s4 =	sshll.u32 s26, $0x1;
	_ =	strace $0x80000049;
	[dreg:$0x1] =	wrdreg $0xFFFFFFFF  }
0xa7: {  	s28 =	simm.s32 $_size_execute0_lowered;
	s2 =	sadd.s32 s2, s4;
	[dreg:$0x0] =	wrdreg $0x0  }
0xa8: {  	s4 =	sshll.u32 s28, $0x1;
	[dreg:$0x2] =	wrdreg s2  }
0xa9: {  	[dreg:$0x3] =	wrdreg s4  }
0xaa: {  	[dreg:$0x4] =	wrdreg $0xC0  }
0xab: {  	_ =	task [dreg:s6], $0x5FFFF  }
0xac: {  	[dreg:$0x1] =	wrdreg $0xFFFFFFFF  }
0xad: {  	[dreg:$0x0] =	wrdreg $0x60  }
0xae: {  	[dreg:$0x2] =	wrdreg s24  }
0xaf: {  	[dreg:$0x3] =	wrdreg $0x0  }
0xb0: {  	[dreg:$0x4] =	wrdreg $0x9  }
0xb1: {  	_ =	task.clear_ibuf [dreg:s6], $0x5FFFF;
	_ =	strace $0x90000049  }
0xb2: {  	s29 =	simm.s32 $0x9;
	_ =	strace $0x8000004B  }
0xb3: {  	_ =	swait.ge [sflag:s29], $0x1  }
0xb4: {  	[sflag:s29] =	ssyncadd.s32 $0xFFFFFFFF  }
0xb5: {  	_ =	strace $0x9000004B  }
0xb6: {  	_ =	sfence  }
0xb7: {  	s30 =	sld [smem:$0x0];
	_ =	sdelay $0x2  }
0xb8: {  	s31 =	sshll.u32 s1, $0xD;
	s1 =	sshrl.u32 s1, $0x2  }
0xb9: {  	s3 =	sand.u32 $0x4000, s31;
	s1 =	sadd.s32 s1, s30  }
0xba: {  	s0 =	sor.u32 s3, s0;
	s1 =	sshll.u32 s1, $0x11  }
0xbb: {  	s0 =	sor.u32 s1, s0  }
0xbc: {  	s0 =	sadd.s32 $0x8F2B, s0  }
0xbd: {  	[sflag:s0] =	ssyncadd.remote.s32 $0x1  }
0xbe: {  	_ =	sfence.sel $0xFFFF  }
0xbf: {  	[dreg:$0x0] =	wrdreg $0xFFFFFFFF;
	(pc) =	sbr.abs _section_cstart, $3  }
0xc0: {  	[dreg:$0x1] =	wrdreg $0xFFFFFFFF  }
0xc1: {  	_ =	task.clear_ibuf [dreg:s6], $0x2FFFF;
	_ =	strace $0x9FFFFFFF  }
0xc2: {  	(tm) =	ssettm $0x7FFFFFFF  }
0xc3: {  	_ =	shalt  }
tec
execute0_lowered:
.L_overlay_start_1:
0x0: {  	(tag) =	ssettag $0x1  }
0x1: {  	s0 =	srdreg.scid;
	s1 =	rddreg [dreg:$0x0]  }
0x2: {  	s2 =	rddreg [dreg:$0x1];
	s10 =	stileid.u32  }
0x3: {  	s3 =	simm.s32 $0x0;
	s17 =	simm.s32 $0xF000;
	s29 =	simm.s32 $0x17C00  }
0x4: {  	s30 =	simm.s32 $0x1;
	s31 =	simm.s32 $0x2;
	s28 =	simm.s32 $0x8  }
0x5: {  	s0 =	sand.u32 $0x1, s0;
	[smem:$0x7FF] =	sst s3;
	s7 =	smul.u32 $0x28000, s10  }
0x6: {  	s8 =	sadd.s32 $0x17400, s1;
	s9 =	smul.u32 $0x280, s10;
	s4 =	sshll.u32 s0, $0x4  }
0x7: {  	_ =	strace $0x8000004A;
	s6 =	ssub.s32 $0x2, s0;
	[dreg:$0x3] =	wrdreg s8  }
0x8: {  	s0 =	smul.u32 $0x140000, s0;
	s4 =	sor.u32 s10, s4;
	s18 =	sshrl.u32 s6, $0x1  }
0x9: {  	s7 =	sshrl.u32 s7, $0x2;
	s10 =	smul.u32 $0x14000, s10;
	s20 =	sadd.s32 $0xA0, s9  }
0xa: {  	s24 =	sadd.s32 $0x140, s9;
	s25 =	sadd.s32 $0x1E0, s9;
	s5 =	smul.u32 $0x500, s4  }
0xb: {  	s4 =	sadd.s32 $0x67800, s1;
	s6 =	ssub.s32 s6, s18;
	s8 =	sadd.s32 s7, s2  }
0xc: {  	s22 =	sshll.u32 s20, $0x7;
	s26 =	sshll.u32 s24, $0x6;
	s9 =	sshll.u32 s25, $0x7  }
0xd: {  	s18 =	simm.s32 $0x9;
	s6 =	smax.u32 s6, $0x1;
	s21 =	sadd.s32 s0, s10  }
0xe: {  	s7 =	sadd.s32 s0, s22;
	s13 =	sadd.s32 s26, s2;
	s22 =	simm.s32 $0x11C00  }
0xf: {  	s26 =	simm.s32 $0x15C00;
	s5 =	sadd.s32 s5, s1;
	s1 =	sadd.s32 $0x8F800, s1  }
0x10: {  	[dreg:$0x6] =	wrdreg s6;
	s6 =	sshrl.u32 s21, $0x3;
	s23 =	sshrl.u32 s7, $0x3  }
0x11: {  	s21 =	simm.s32 $0x80;
	s7 =	simm.s32 $0x0;
	s19 =	sadd.s32 $0xD400, s5  }
0x12: {  	s5 =	sadd.s32 $0x3400, s5;
	s6 =	sadd.s32 s1, s6;
	[dreg:$0x4] =	wrdreg s19  }
0x13: {  	s12 =	sadd.s32 s1, s23;
	s23 =	simm.s32 $0x6;
	[dreg:$0x5] =	wrdreg s5  }
0x14: {  	s5 =	sshll.u32 s20, $0x6;
	[dreg:$0x7] =	wrdreg s6;
	s6 =	sshll.u32 s25, $0x6  }
0x15: {  	s19 =	simm.s32 $0xA000;
	s20 =	simm.s32 $0x5;
	s5 =	sadd.s32 s5, s2  }
0x16: {  	s25 =	simm.s32 $0x7;
	[dreg:$0x8] =	wrdreg s5;
	s5 =	sshll.u32 s24, $0x7  }
0x17: {  	s15 =	sadd.s32 s6, s2;
	s5 =	sadd.s32 s0, s5;
	s0 =	sadd.s32 s0, s9  }
0x18: {  	s6 =	simm.s32 $0x40;
	s5 =	sshrl.u32 s5, $0x3;
	s0 =	sshrl.u32 s0, $0x3  }
0x19: {  	s24 =	simm.s32 $0x13C00;
	s14 =	sadd.s32 s1, s5;
	s16 =	sadd.s32 s1, s0  }
0x1a: {  	s0 =	simm.s32 $0x3;
	s1 =	simm.s32 $0x4;
	s5 =	simm.s32 $0xF400  }
.LBB2_1:
0x1b: {  	s9 =	rddreg [dreg:$0x3]  }
0x1c: {  	[tilespmem:s17], [sflag:$0x9] =	stream.linear.gather [hbm4b:s9+s3], $0x400, $0x38;
	[tilespmem:$0x19C00] =	vst v63  }
0x1d: {  	_ =	swait.ge [sflag:s18], $0x400  }
0x1e: {  	[sflag:s18] =	ssyncset.done $0x0  }
0x1f: {  	s10 =	rddreg [dreg:$0x4];
	[sflag:s18] =	ssyncadd.s32 $0xFFFFFC00  }
0x20: {  	[tilespmem:s19], [sflag:$0x9] =	stream.linear.gather [hbm4b:s10+s3], $0x2800, $0x38;
	[tilespmem:$0x19C00] =	vst v63  }
0x21: {  	_ =	swait.ge [sflag:s18], $0x2800  }
0x22: {  	[sflag:s18] =	ssyncset.done $0x0  }
0x23: {  	s10 =	simm.s32 $0xC800;
	s11 =	rddreg [dreg:$0x5];
	[sflag:s18] =	ssyncadd.s32 $0xFFFFD800  }
0x24: {  	[tilespmem:s10], [sflag:$0x9] =	stream.linear.gather [hbm4b:s11+s3], $0x2800, $0x38;
	[tilespmem:$0x19C00] =	vst v63  }
0x25: {  	_ =	swait.ge [sflag:s18], $0x2800  }
0x26: {  	[sflag:s18] =	ssyncset.done $0x0  }
0x27: {  	s11 =	sadd.s32 $0x0, s8;
	[sflag:s18] =	ssyncadd.s32 $0xFFFFD800  }
0x28: {  	[spmem:s11] =	stream.linear.scatter [tilespmem:s17], [sflag:$0x9], $0x400, $0x38;
	[tilespmem:$0x19C00] =	vst v63  }
0x29: {  	s9 =	simm.s32 $0x1000;
	_ =	swait.ge [sflag:s18], $0x400  }
.LBB2_2:
0x2a: {  	s10 =	sshra.s32 s9, $0x2;
	[sflag:s18] =	ssyncset.done $0x0;
	p0 =	sne.s32 s9, $0x27000  }
.Ltmp0:
0x2b: {  	s10 =	sadd.s32 s10, s8;
	[sflag:s18] =	ssyncadd.s32 $0xFFFFFC00;
	(pc) =	sbr.rel @p0 .LBB2_2-.Ltmp0, $3  }
0x2c: {  	[spmem:s10] =	stream.linear.scatter [tilespmem:s17], [sflag:$0x9], $0x400, $0x38;
	[tilespmem:$0x19C00] =	vst v63  }
0x2d: {  	s9 =	sadd.s32 $0x1000, s9;
	_ =	sdelay $0x1  }
0x2e: {  	_ =	swait.ge [sflag:s18], $0x400  }
0x2f: {  	[sflag:s18] =	ssyncset.done $0x0  }
0x30: {  	[sflag:s18] =	ssyncadd.s32 $0xFFFFFC00  }
0x31: {  	[bflag:$0x0] =	sbarrier.arrive $0xFFFF  }
0x32: {  	[tilespmem:s22], [sflag:$0x1] =	stream.indirect.gather [hbm4b:s4+s21], $0x40, s19, s21, $0xb8;
	[tilespmem:$0x19C00] =	vst v63  }
0x33: {  	s9 =	simm.s32 $0xA080  }
0x34: {  	[tilespmem:s24], [sflag:$0x2] =	stream.indirect.gather [hbm4b:s4+s21], $0x40, s9, s21, $0xb8;
	[tilespmem:$0x19C00] =	vst v63  }
0x35: {  	s11 =	simm.s32 $0xA100  }
0x36: {  	[tilespmem:s26], [sflag:$0x3] =	stream.indirect.gather [hbm4b:s4+s21], $0x40, s11, s21, $0xb8;
	[tilespmem:$0x19C00] =	vst v63  }
0x37: {  	s10 =	simm.s32 $0xA180  }
0x38: {  	[tilespmem:s29], [sflag:$0x4] =	stream.indirect.gather [hbm4b:s4+s21], $0x40, s10, s21, $0xb8;
	[tilespmem:$0x19C00] =	vst v63  }
0x39: {  	_ =	swait.ge [sflag:s30], $0x2000  }
0x3a: {  	[sflag:s30] =	ssyncset.done $0x0  }
0x3b: {  	s11 =	simm.s32 $0xC800;
	[sflag:s30] =	ssyncadd.s32 $0xFFFFE000  }
0x3c: {  	[spmem:s2] =	stream.indirect.scatter.add.f32 [tilespmem:s22], [sflag:$0x5], $0x40, s11, s21, $0xb8;
	[tilespmem:$0x19C00] =	vst v63  }
0x3d: {  	_ =	swait.ge [sflag:s31], $0x2000  }
0x3e: {  	[sflag:s31] =	ssyncset.done $0x0  }
0x3f: {  	s10 =	simm.s32 $0xC880;
	[sflag:s31] =	ssyncadd.s32 $0xFFFFE000  }
0x40: {  	[spmem:s2] =	stream.indirect.scatter.add.f32 [tilespmem:s24], [sflag:$0x6], $0x40, s10, s21, $0xb8;
	[tilespmem:$0x19C00] =	vst v63  }
0x41: {  	_ =	swait.ge [sflag:s0], $0x2000  }
0x42: {  	[sflag:s0] =	ssyncset.done $0x0  }
0x43: {  	s11 =	simm.s32 $0xC900;
	[sflag:s0] =	ssyncadd.s32 $0xFFFFE000  }
0x44: {  	[spmem:s2] =	stream.indirect.scatter.add.f32 [tilespmem:s26], [sflag:$0x7], $0x40, s11, s21, $0xb8;
	[tilespmem:$0x19C00] =	vst v63  }
0x45: {  	_ =	swait.ge [sflag:s1], $0x2000  }
0x46: {  	[sflag:s1] =	ssyncset.done $0x0  }
0x47: {  	s10 =	simm.s32 $0xC980;
	[sflag:s1] =	ssyncadd.s32 $0xFFFFE000  }
0x48: {  	[spmem:s2] =	stream.indirect.scatter.add.f32 [tilespmem:s29], [sflag:$0x8], $0x40, s10, s21, $0xb8;
	[tilespmem:$0x19C00] =	vst v63  }
0x49: {  	_ =	swait.ge [sflag:s20], $0x2000  }
0x4a: {  	[sflag:s20] =	ssyncset.done $0x0  }
0x4b: {  	s11 =	simm.s32 $0xA200;
	[sflag:s20] =	ssyncadd.s32 $0xFFFFE000  }
0x4c: {  	[tilespmem:s22], [sflag:$0x1] =	stream.indirect.gather [hbm4b:s4+s21], $0x40, s11, s21, $0xb8;
	[tilespmem:$0x19C00] =	vst v63  }
0x4d: {  	_ =	swait.ge [sflag:s23], $0x2000  }
0x4e: {  	[sflag:s23] =	ssyncset.done $0x0  }
0x4f: {  	s10 =	simm.s32 $0xA280;
	[sflag:s23] =	ssyncadd.s32 $0xFFFFE000  }
0x50: {  	[tilespmem:s24], [sflag:$0x2] =	stream.indirect.gather [hbm4b:s4+s21], $0x40, s10, s21, $0xb8;
	[tilespmem:$0x19C00] =	vst v63  }
0x51: {  	_ =	swait.ge [sflag:s25], $0x2000  }
0x52: {  	[sflag:s25] =	ssyncset.done $0x0  }
0x53: {  	s11 =	simm.s32 $0xA300;
	[sflag:s25] =	ssyncadd.s32 $0xFFFFE000  }
0x54: {  	[tilespmem:s26], [sflag:$0x3] =	stream.indirect.gather [hbm4b:s4+s21], $0x40, s11, s21, $0xb8;
	[tilespmem:$0x19C00] =	vst v63  }
0x55: {  	_ =	swait.ge [sflag:s28], $0x2000  }
0x56: {  	[sflag:s28] =	ssyncset.done $0x0  }
0x57: {  	s9 =	simm.s32 $0x800;
	s10 =	simm.s32 $0xA380;
	[sflag:s28] =	ssyncadd.s32 $0xFFFFE000  }
.LBB2_4:
0x58: {  	[tilespmem:s29], [sflag:$0x4] =	stream.indirect.gather [hbm4b:s4+s21], $0x40, s10, s21, $0xb8;
	[tilespmem:$0x19C00] =	vst v63  }
0x59: {  	s10 =	smov.u32 s9  }
0x5a: {  	p0 =	sne.s32 s9, $0x9000;
	s9 =	sadd.s32 $0x800, s9;
	_ =	swait.ge [sflag:s30], $0x2000  }
0x5b: {  	s10 =	sshra.s32 s10, $0x2;
	[sflag:s30] =	ssyncset.done $0x0  }
0x5c: {  	s11 =	sadd.s32 $0xC800, s10;
	[sflag:s30] =	ssyncadd.s32 $0xFFFFE000  }
0x5d: {  	[spmem:s2] =	stream.indirect.scatter.add.f32 [tilespmem:s22], [sflag:$0x5], $0x40, s11, s21, $0xb8;
	[tilespmem:$0x19C00] =	vst v63  }
0x5e: {  	_ =	swait.ge [sflag:s31], $0x2000  }
0x5f: {  	[sflag:s31] =	ssyncset.done $0x0  }
0x60: {  	s11 =	sadd.s32 $0xC880, s10;
	[sflag:s31] =	ssyncadd.s32 $0xFFFFE000  }
0x61: {  	[spmem:s2] =	stream.indirect.scatter.add.f32 [tilespmem:s24], [sflag:$0x6], $0x40, s11, s21, $0xb8;
	[tilespmem:$0x19C00] =	vst v63  }
0x62: {  	_ =	swait.ge [sflag:s0], $0x2000  }
0x63: {  	[sflag:s0] =	ssyncset.done $0x0  }
0x64: {  	s11 =	sadd.s32 $0xC900, s10;
	[sflag:s0] =	ssyncadd.s32 $0xFFFFE000  }
0x65: {  	[spmem:s2] =	stream.indirect.scatter.add.f32 [tilespmem:s26], [sflag:$0x7], $0x40, s11, s21, $0xb8;
	[tilespmem:$0x19C00] =	vst v63  }
0x66: {  	_ =	swait.ge [sflag:s1], $0x2000  }
0x67: {  	[sflag:s1] =	ssyncset.done $0x0  }
0x68: {  	s11 =	sadd.s32 $0xC980, s10;
	[sflag:s1] =	ssyncadd.s32 $0xFFFFE000  }
0x69: {  	[spmem:s2] =	stream.indirect.scatter.add.f32 [tilespmem:s29], [sflag:$0x8], $0x40, s11, s21, $0xb8;
	[tilespmem:$0x19C00] =	vst v63  }
0x6a: {  	_ =	swait.ge [sflag:s20], $0x2000  }
0x6b: {  	[sflag:s20] =	ssyncset.done $0x0  }
0x6c: {  	s11 =	sadd.s32 $0xA200, s10;
	[sflag:s20] =	ssyncadd.s32 $0xFFFFE000  }
0x6d: {  	[tilespmem:s22], [sflag:$0x1] =	stream.indirect.gather [hbm4b:s4+s21], $0x40, s11, s21, $0xb8;
	[tilespmem:$0x19C00] =	vst v63  }
0x6e: {  	_ =	swait.ge [sflag:s23], $0x2000  }
0x6f: {  	[sflag:s23] =	ssyncset.done $0x0  }
0x70: {  	s11 =	sadd.s32 $0xA280, s10;
	[sflag:s23] =	ssyncadd.s32 $0xFFFFE000  }
0x71: {  	[tilespmem:s24], [sflag:$0x2] =	stream.indirect.gather [hbm4b:s4+s21], $0x40, s11, s21, $0xb8;
	[tilespmem:$0x19C00] =	vst v63  }
0x72: {  	_ =	swait.ge [sflag:s25], $0x2000  }
0x73: {  	[sflag:s25] =	ssyncset.done $0x0  }
.Ltmp1:
0x74: {  	s11 =	sadd.s32 $0xA300, s10;
	[sflag:s25] =	ssyncadd.s32 $0xFFFFE000;
	(pc) =	sbr.rel @p0 .LBB2_4-.Ltmp1, $4  }
0x75: {  	[tilespmem:s26], [sflag:$0x3] =	stream.indirect.gather [hbm4b:s4+s21], $0x40, s11, s21, $0xb8;
	[tilespmem:$0x19C00] =	vst v63  }
0x76: {  	_ =	swait.ge [sflag:s28], $0x2000  }
0x77: {  	[sflag:s28] =	ssyncset.done $0x0  }
0x78: {  	s10 =	sadd.s32 $0xA380, s10;
	[sflag:s28] =	ssyncadd.s32 $0xFFFFE000  }
0x79: {  	[tilespmem:s29], [sflag:$0x4] =	stream.indirect.gather [hbm4b:s4+s21], $0x40, s10, s21, $0xb8;
	[tilespmem:$0x19C00] =	vst v63  }
0x7a: {  	_ =	swait.ge [sflag:s30], $0x2000  }
0x7b: {  	[sflag:s30] =	ssyncset.done $0x0  }
0x7c: {  	s9 =	simm.s32 $0xEE00;
	[sflag:s30] =	ssyncadd.s32 $0xFFFFE000  }
0x7d: {  	[spmem:s2] =	stream.indirect.scatter.add.f32 [tilespmem:s22], [sflag:$0x5], $0x40, s9, s21, $0xb8;
	[tilespmem:$0x19C00] =	vst v63  }
0x7e: {  	_ =	swait.ge [sflag:s31], $0x2000  }
0x7f: {  	[sflag:s31] =	ssyncset.done $0x0  }
0x80: {  	s10 =	simm.s32 $0xEE80;
	[sflag:s31] =	ssyncadd.s32 $0xFFFFE000  }
0x81: {  	[spmem:s2] =	stream.indirect.scatter.add.f32 [tilespmem:s24], [sflag:$0x6], $0x40, s10, s21, $0xb8;
	[tilespmem:$0x19C00] =	vst v63  }
0x82: {  	_ =	swait.ge [sflag:s0], $0x2000  }
0x83: {  	[sflag:s0] =	ssyncset.done $0x0  }
0x84: {  	s11 =	simm.s32 $0xEF00;
	[sflag:s0] =	ssyncadd.s32 $0xFFFFE000  }
0x85: {  	[spmem:s2] =	stream.indirect.scatter.add.f32 [tilespmem:s26], [sflag:$0x7], $0x40, s11, s21, $0xb8;
	[tilespmem:$0x19C00] =	vst v63  }
0x86: {  	_ =	swait.ge [sflag:s1], $0x2000  }
0x87: {  	[sflag:s1] =	ssyncset.done $0x0  }
0x88: {  	s10 =	simm.s32 $0xEF80;
	[sflag:s1] =	ssyncadd.s32 $0xFFFFE000  }
0x89: {  	[spmem:s2] =	stream.indirect.scatter.add.f32 [tilespmem:s29], [sflag:$0x8], $0x40, s10, s21, $0xb8;
	[tilespmem:$0x19C00] =	vst v63  }
0x8a: {  	_ =	swait.ge [sflag:s20], $0x2000  }
0x8b: {  	[sflag:s20] =	ssyncset.done $0x0  }
0x8c: {  	[sflag:s20] =	ssyncadd.s32 $0xFFFFE000  }
0x8d: {  	_ =	swait.ge [sflag:s23], $0x2000  }
0x8e: {  	[sflag:s23] =	ssyncset.done $0x0  }
0x8f: {  	[sflag:s23] =	ssyncadd.s32 $0xFFFFE000  }
0x90: {  	_ =	swait.ge [sflag:s25], $0x2000  }
0x91: {  	[sflag:s25] =	ssyncset.done $0x0  }
0x92: {  	[sflag:s25] =	ssyncadd.s32 $0xFFFFE000  }
0x93: {  	_ =	swait.ge [sflag:s28], $0x2000  }
0x94: {  	[sflag:s28] =	ssyncset.done $0x0  }
0x95: {  	[sflag:s28] =	ssyncadd.s32 $0xFFFFE000  }
0x96: {  	[bflag:$0x0] =	sbarrier.arrive $0xFFFF  }
0x97: {  	[tilespmem:s5], [sflag:$0x9] =	stream.linear.gather [spmem:s8], $0x2800, $0x38;
	[tilespmem:$0x19C00] =	vst v63  }
0x98: {  	_ =	swait.ge [sflag:s18], $0x2800  }
0x99: {  	[sflag:s18] =	ssyncset.done $0x0  }
0x9a: {  	s11 =	rddreg [dreg:$0x7];
	[sflag:s18] =	ssyncadd.s32 $0xFFFFD800  }
0x9b: {  	[hbm4b:s11+s6] =	stream.strided.scatter [tilespmem:s5], [sflag:$0x9], $0x2800, s21, s6, $0x38;
	[tilespmem:$0x19C00] =	vst v63  }
0x9c: {  	_ =	swait.ge [sflag:s18], $0x2800  }
0x9d: {  	[sflag:s18] =	ssyncset.done $0x0  }
0x9e: {  	s10 =	rddreg [dreg:$0x8];
	[sflag:s18] =	ssyncadd.s32 $0xFFFFD800  }
0x9f: {  	[tilespmem:s5], [sflag:$0x9] =	stream.linear.gather [spmem:s10], $0x2800, $0x38;
	[tilespmem:$0x19C00] =	vst v63  }
0xa0: {  	_ =	swait.ge [sflag:s18], $0x2800  }
0xa1: {  	[sflag:s18] =	ssyncset.done $0x0  }
0xa2: {  	[sflag:s18] =	ssyncadd.s32 $0xFFFFD800  }
0xa3: {  	[hbm4b:s12+s6] =	stream.strided.scatter [tilespmem:s5], [sflag:$0x9], $0x2800, s21, s6, $0x38;
	[tilespmem:$0x19C00] =	vst v63  }
0xa4: {  	_ =	swait.ge [sflag:s18], $0x2800  }
0xa5: {  	[sflag:s18] =	ssyncset.done $0x0  }
0xa6: {  	[sflag:s18] =	ssyncadd.s32 $0xFFFFD800  }
0xa7: {  	[tilespmem:s5], [sflag:$0x9] =	stream.linear.gather [spmem:s13], $0x2800, $0x38;
	[tilespmem:$0x19C00] =	vst v63  }
0xa8: {  	_ =	swait.ge [sflag:s18], $0x2800  }
0xa9: {  	[sflag:s18] =	ssyncset.done $0x0  }
0xaa: {  	[sflag:s18] =	ssyncadd.s32 $0xFFFFD800  }
0xab: {  	[hbm4b:s14+s6] =	stream.strided.scatter [tilespmem:s5], [sflag:$0x9], $0x2800, s21, s6, $0x38;
	[tilespmem:$0x19C00] =	vst v63  }
0xac: {  	_ =	swait.ge [sflag:s18], $0x2800  }
0xad: {  	[sflag:s18] =	ssyncset.done $0x0  }
0xae: {  	[sflag:s18] =	ssyncadd.s32 $0xFFFFD800  }
0xaf: {  	[tilespmem:s5], [sflag:$0x9] =	stream.linear.gather [spmem:s15], $0x2800, $0x38;
	[tilespmem:$0x19C00] =	vst v63  }
0xb0: {  	_ =	swait.ge [sflag:s18], $0x2800  }
0xb1: {  	[sflag:s18] =	ssyncset.done $0x0  }
0xb2: {  	[sflag:s18] =	ssyncadd.s32 $0xFFFFD800  }
0xb3: {  	[hbm4b:s16+s6] =	stream.strided.scatter [tilespmem:s5], [sflag:$0x9], $0x2800, s21, s6, $0x38;
	[tilespmem:$0x19C00] =	vst v63  }
0xb4: {  	_ =	swait.ge [sflag:s18], $0x2800  }
0xb5: {  	s7 =	sadd.s32 $0x1, s7;
	s11 =	rddreg [dreg:$0x6]  }
0xb6: {  	p0 =	sne.s32 s7, s11  }
.Ltmp2:
0xb7: {  	_ = 	snop;
	(pc) =	sbr.rel @p0 .LBB2_1-.Ltmp2, $3  }
0xb8: {  	_ =	sdelay $0x1  }
0xb9: {  	[sflag:s18] =	ssyncset.done $0x0  }
0xba: {  	[sflag:s18] =	ssyncadd.s32 $0xFFFFD800  }
0xbb: {  	_ =	sfence.sel $0x180000  }
0xbc: {  	[bflag:$0x0] =	sbarrier.arrive $0xFFFF  }
0xbd: {  	_ =	strace $0x9000004A  }
0xbe: {  	s0 =	stileid.u32;
	[bflag:$0x2] =	sbarrier.arrive $0xFFFF  }
0xbf: {  	p0 =	sne.s32 s0, $0x0;
	s0 =	rddreg [dreg:$0x2]  }
0xc0: {  	s0 =	sadd.s32 @!p0 $0x100000, s0  }
0xc1: {  	[sflag:s0] =	ssyncadd.tile.s32 @!p0 $0x1;
	_ =	shalt  }
.Lfunc_end2:
_tile_overlayer_lowered:
.L_overlay_start_2:
0xc2: {  	(tag) =	ssettag $0x2  }
0xc3: {  	s0 =	rddreg [dreg:$0x0];
	s2 =	stileid.u32  }
0xc4: {  	s1 =	rddreg [dreg:$0x1];
	p0 =	sne.s32 s2, $0x0  }
0xc5: {  	s3 =	rddreg [dreg:$0x2];
	[bflag:$0x3] =	sbarrier.arrive $0xFFFF;
	s2 =	simm.s32 @!p0 $0x1C09  }
0xc6: {  	[timem:s3], [sflag:s2] =	dma.local @!p0 [hbm:s0], s1  }
0xc7: {  	s0 =	simm.s32 @!p0 $0x9  }
0xc8: {  	_ =	swait.ge @!p0 [sflag:s0], s1  }
0xc9: {  	s1 =	ssub.s32 @!p0 $0x0, s1;
	[sflag:s0] =	ssyncset.done @!p0 $0x0  }
0xca: {  	[sflag:s0] =	ssyncadd.s32 @!p0 s1  }
0xcb: {  	[bflag:$0x3] =	sbarrier.arrive $0xFFFF  }
0xcc: {  	_ =	shalt  }

// kernel: kernel.14.cloned.1.call-start
scs
__scs_entry_jumppad:
0x0: {  	(pc) =	sbr.rel $0x88, $3  }
0x1: {  	(tag) =	ssettag $0x0;
	lr =	simm.s32 $0x1  }
0x2: {  	[smem:$0x3F98] =	sst lr;
	_ =	strace $0xD0000000  }
0x3: {  	_ = 	snop  }
0x4: {  	_ = 	snop  }
0x5: {  	_ = 	snop  }
0x6: {  	_ = 	snop  }
0x7: {  	_ = 	snop  }
__scs_overlays_trampoline_lowered:
0x8: {  	[smem:$0x3FA7] =	sst s0  }
0x9: {  	[smem:$0x3FA8] =	sst s1  }
0xa: {  	[smem:$0x3FA9] =	sst s2  }
0xb: {  	[smem:$0x3FAA] =	sst s3  }
0xc: {  	[smem:$0x3FAB] =	sst s4  }
0xd: {  	[smem:$0x3FAC] =	sst s5  }
0xe: {  	[smem:$0x3FAD] =	sst s6  }
0xf: {  	[smem:$0x3FAE] =	sst s7  }
0x10: {  	[smem:$0x3FAF] =	sst s8  }
0x11: {  	[smem:$0x3FB0] =	sst s9;
	s0 =	simm.s32 @!p0 $0x0  }
0x12: {  	s1 =	sld [smem:$0x3F96];
	s0 =	simm.s32 @p0 $0x1  }
0x13: {  	[smem:$0x3FB1] =	sst s0;
	s0 =	simm.s32 @!p1 $0x0  }
0x14: {  	s2 =	sld [smem:$0x3F95];
	s0 =	simm.s32 @p1 $0x1  }
0x15: {  	[smem:$0x3FB2] =	sst s0;
	s0 =	simm.s32 @!p2 $0x0  }
0x16: {  	s3 =	sld [smem:$0x3FDB];
	s0 =	simm.s32 @p2 $0x1  }
0x17: {  	s4 =	simm.s32 $0x1BF5;
	[smem:$0x3FB4] =	sst s0  }
0x18: {  	s0 =	sld [smem:$0x3F97];
	_ =	swait.ge [sflag:s4], $0x0  }
0x19: {  	s7 =	sld [smem:$0x3F98]  }
0x1a: {  	s8 =	sadd.s32 $0xFFFFE003, lr  }
0x1b: {  	s9 =	sadd.s32 $0xFFFFFEF7, lr;
	s5 =	simm.s32 $0xFFFFFFFF;
	p2 =	slt.u32 s8, $0xFFFFF086  }
0x1c: {  	p1 =	slt.u32 s9, $0xF7A;
	s5 =	simm.s32 @!p2 $0x0  }
0x1d: {  	s5 =	simm.s32 @p1 $0x1;
	p0 =	seq.s32 s7, s2  }
0x1e: {  	s7 =	smul.u32 @!p0 $0xF7A, s2;
	p2 =	seq.s32 @!p0 s5, $0x0  }
0x1f: {  	s9 =	smul.u32 $0xF7A, s1;
	s8 =	simm.s32 @!p0 $0x1BF5;
	p2 =	por !p2, p0  }
0x20: {  	[sflag:s8] =	ssyncset.s32 @!p0 $0xFFFFF086;
	s6 =	sadd.s32 @!p0 s3, s7;
	s7 =	simm.s32 @!p0 $0x108  }
0x21: {  	s3 =	sadd.s32 s3, s9;
	s6 =	sadd.s32 @!p0 $0x88, s6;
	s7 =	simm.s32 @p2 $0x1082  }
0x22: {  	[simem:s7], [sflag:s8] =	dma.local @!p0 [hbm:s6], $0xF7A  }
0x23: {  	s9 =	sor.u32 $0xD0000000, s2;
	s6 =	simm.s32 $0x108;
	_ =	swait.ge @!p0 [sflag:s8], $0x0  }
0x24: {  	s3 =	sadd.s32 $0x88, s3;
	s6 =	simm.s32 @!p1 $0x1082;
	[sflag:s4] =	ssyncset.s32 $0xFFFFF086  }
0x25: {  	[simem:s6], [sflag:s4] =	dma.local [hbm:s3], $0xF7A  }
0x26: {  	[smem:$0x3F98] =	sst s1;
	(tag) =	ssettag s2;
	_ =	strace s9  }
0x27: {  	s1 =	sld [smem:$0x3FA8]  }
0x28: {  	s2 =	sld [smem:$0x3FA9]  }
0x29: {  	s4 =	sld [smem:$0x3FAB]  }
0x2a: {  	p0 =	seq.s32 s5, $0x0;
	s5 =	sld [smem:$0x3FAC]  }
0x2b: {  	s6 =	sld [smem:$0x3FAD]  }
0x2c: {  	s7 =	sld [smem:$0x3FAE]  }
0x2d: {  	s3 =	simm.s32 $0x108;
	s8 =	sld [smem:$0x3FAF]  }
0x2e: {  	s3 =	simm.s32 @!p0 $0x1082;
	s9 =	sld [smem:$0x3FB0]  }
0x2f: {  	lr =	sadd.s32 s0, s3;
	s0 =	sld [smem:$0x3FA7]  }
0x30: {  	s3 =	sld [smem:$0x3FAA]  }
0x31: {  	[smem:$0x3FB3] =	sst s10  }
0x32: {  	s10 =	sld [smem:$0x3FB1];
	_ =	sdelay $0x3  }
0x33: {  	p0 =	seq.s32 s10, $0x1;
	s10 =	sld [smem:$0x3FB3];
	_ =	sdelay $0x3  }
0x34: {  	[smem:$0x3FB3] =	sst s10  }
0x35: {  	s10 =	sld [smem:$0x3FB2];
	_ =	sdelay $0x3  }
0x36: {  	p1 =	seq.s32 s10, $0x1;
	s10 =	sld [smem:$0x3FB3];
	_ =	sdelay $0x3  }
0x37: {  	[smem:$0x3FB3] =	sst s10  }
0x38: {  	s10 =	sld [smem:$0x3FB4]  }
0x39: {  	_ = 	snop;
	(pc) =	sbr.ind lr, $3  }
0x3a: {  	_ = 	snop  }
0x3b: {  	_ = 	snop  }
0x3c: {  	p2 =	seq.s32 s10, $0x1;
	s10 =	sld [smem:$0x3FB3]  }
0x3d: {  	_ =	shalt  }
0x3e: {  	_ =	shalt  }
0x3f: {  	_ =	shalt  }
0x40: {  	_ =	shalt  }
0x41: {  	_ =	shalt  }
0x42: {  	_ =	shalt  }
0x43: {  	_ =	shalt  }
0x44: {  	_ =	shalt  }
0x45: {  	_ =	shalt  }
0x46: {  	_ =	shalt  }
0x47: {  	_ =	shalt  }
0x48: {  	_ =	shalt  }
0x49: {  	_ =	shalt  }
0x4a: {  	_ =	shalt  }
0x4b: {  	_ =	shalt  }
0x4c: {  	_ =	shalt  }
0x4d: {  	_ =	shalt  }
0x4e: {  	_ =	shalt  }
0x4f: {  	_ =	shalt  }
0x50: {  	_ =	shalt  }
0x51: {  	_ =	shalt  }
0x52: {  	_ =	shalt  }
0x53: {  	_ =	shalt  }
0x54: {  	_ =	shalt  }
0x55: {  	_ =	shalt  }
0x56: {  	_ =	shalt  }
0x57: {  	_ =	shalt  }
0x58: {  	_ =	shalt  }
0x59: {  	_ =	shalt  }
0x5a: {  	_ =	shalt  }
0x5b: {  	_ =	shalt  }
0x5c: {  	_ =	shalt  }
0x5d: {  	_ =	shalt  }
0x5e: {  	_ =	shalt  }
0x5f: {  	_ =	shalt  }
0x60: {  	_ =	shalt  }
0x61: {  	_ =	shalt  }
0x62: {  	_ =	shalt  }
0x63: {  	_ =	shalt  }
0x64: {  	_ =	shalt  }
0x65: {  	_ =	shalt  }
0x66: {  	_ =	shalt  }
0x67: {  	_ =	shalt  }
0x68: {  	_ =	shalt  }
0x69: {  	_ =	shalt  }
0x6a: {  	_ =	shalt  }
0x6b: {  	_ =	shalt  }
0x6c: {  	_ =	shalt  }
0x6d: {  	_ =	shalt  }
0x6e: {  	_ =	shalt  }
0x6f: {  	_ =	shalt  }
0x70: {  	_ =	shalt  }
0x71: {  	_ =	shalt  }
0x72: {  	_ =	shalt  }
0x73: {  	_ =	shalt  }
0x74: {  	_ =	shalt  }
0x75: {  	_ =	shalt  }
0x76: {  	_ =	shalt  }
0x77: {  	_ =	shalt  }
0x78: {  	_ =	shalt  }
0x79: {  	_ =	shalt  }
0x7a: {  	_ =	shalt  }
0x7b: {  	_ =	shalt  }
0x7c: {  	_ =	shalt  }
0x7d: {  	_ =	shalt  }
0x7e: {  	_ =	shalt  }
0x7f: {  	_ =	shalt  }
0x80: {  	_ =	shalt  }
0x81: {  	_ =	shalt  }
0x82: {  	_ =	shalt  }
0x83: {  	_ =	shalt  }
0x84: {  	_ =	shalt  }
0x85: {  	_ =	shalt  }
0x86: {  	_ =	shalt  }
0x87: {  	_ =	shalt  }
.Lfunc_end0:
.L_simem_size_0:
called_computation.2_lowered:
.L_overlay_start_0:
0x88: {  	s2 =	sld [smem:$0x3FD9]  }
0x89: {  	s3 =	sld [smem:$0x3FFE];
	_ =	sdelay $0x1  }
0x8a: {  	s1 =	srdreg.scid  }
0x8b: {  	s0 =	sand.u32 $0x1, s1  }
0x8c: {  	s16 =	sshll.u32 s0, $0xA;
	s2 =	sadd.s32 s3, s2  }
0x8d: {  	s2 =	sadd.s32 s2, s16  }
0x8e: {  	[smem:$0x3FBF] =	sst s2  }
0x8f: {  	_ = 	snop  }
0x90: {  	(tm) =	ssettm $0x1  }
0x91: {  	s17 =	sld [smem:$0x3FFB];
	_ =	sdelay $0x3  }
0x92: {  	_ =	strace s17  }
0x93: {  	s2 =	sld [smem:$0x3FFC];
	_ =	sdelay $0x3  }
0x94: {  	_ =	strace s2  }
0x95: {  	s2 =	sld [smem:$0x3FFD];
	_ =	sdelay $0x3  }
0x96: {  	_ =	strace s2  }
0x97: {  	_ =	strace $0x8FFFFFFF  }
0x98: {  	s18 =	sld [smem:$0x3FDB];
	_ =	sdelay $0x1  }
0x99: {  	s19 =	simm.s32 $_scs_section_size  }
0x9a: {  	s4 =	simm.s32 $_size__tile_overlayer_lowered;
	s5 =	simm.s32 $_tile_overlayer_lowered  }
0x9b: {  	s22 =	simm.s32 $0x1BFF;
	s21 =	sshll.u32 s5, $0x1;
	s2 =	sadd.s32 s19, s18  }
0x9c: {  	s6 =	simm.s32 $0x0;
	s20 =	sshll.u32 s4, $0x1;
	s4 =	sadd.s32 s21, s2  }
0x9d: {  	[timem:s6], [sflag:s22] =	dma.local [hbm:s4], s20  }
0x9e: {  	_ =	swait.ge [sflag:s22], s20  }
0x9f: {  	s3 =	ssub.s32 $0x0, s20;
	[sflag:s22] =	ssyncset.done $0x0  }
0xa0: {  	[sflag:s22] =	ssyncadd.s32 s3;
	_ =	sdelay $0x1  }
0xa1: {  	s23 =	simm.s32 $0x1B8B  }
0xa2: {  	_ =	swait.ge [sflag:s23], $0x1  }
0xa3: {  	[sflag:s23] =	ssyncset.done $0x0  }
0xa4: {  	s25 =	simm.s32 $0x1B8E;
	s24 =	sld [smem:$0x3FFE];
	[sflag:s23] =	ssyncadd.s32 $0xFFFFFFFF  }
0xa5: {  	s26 =	simm.s32 $execute0_lowered;
	[smem:$0x3FD2] =	sst s25  }
0xa6: {  	s4 =	sshll.u32 s26, $0x1;
	_ =	strace $0x8000004C;
	[dreg:$0x1] =	wrdreg $0xFFFFFFFF  }
0xa7: {  	s28 =	simm.s32 $_size_execute0_lowered;
	s2 =	sadd.s32 s2, s4;
	[dreg:$0x0] =	wrdreg $0x0  }
0xa8: {  	s4 =	sshll.u32 s28, $0x1;
	[dreg:$0x2] =	wrdreg s2  }
0xa9: {  	[dreg:$0x3] =	wrdreg s4  }
0xaa: {  	[dreg:$0x4] =	wrdreg $0xC0  }
0xab: {  	_ =	task [dreg:s6], $0x5FFFF  }
0xac: {  	[dreg:$0x1] =	wrdreg $0xFFFFFFFF  }
0xad: {  	[dreg:$0x0] =	wrdreg $0x60  }
0xae: {  	[dreg:$0x2] =	wrdreg s24  }
0xaf: {  	[dreg:$0x3] =	wrdreg $0x0  }
0xb0: {  	[dreg:$0x4] =	wrdreg $0x9  }
0xb1: {  	_ =	task.clear_ibuf [dreg:s6], $0x5FFFF;
	_ =	strace $0x9000004C  }
0xb2: {  	s29 =	simm.s32 $0x9;
	_ =	strace $0x8000004E  }
0xb3: {  	_ =	swait.ge [sflag:s29], $0x1  }
0xb4: {  	[sflag:s29] =	ssyncadd.s32 $0xFFFFFFFF  }
0xb5: {  	_ =	strace $0x9000004E  }
0xb6: {  	_ =	sfence  }
0xb7: {  	s30 =	sld [smem:$0x0];
	_ =	sdelay $0x2  }
0xb8: {  	s31 =	sshll.u32 s1, $0xD;
	s1 =	sshrl.u32 s1, $0x2  }
0xb9: {  	s3 =	sand.u32 $0x4000, s31;
	s1 =	sadd.s32 s1, s30  }
0xba: {  	s0 =	sor.u32 s3, s0;
	s1 =	sshll.u32 s1, $0x11  }
0xbb: {  	s0 =	sor.u32 s1, s0  }
0xbc: {  	s0 =	sadd.s32 $0x8F2B, s0  }
0xbd: {  	[sflag:s0] =	ssyncadd.remote.s32 $0x1  }
0xbe: {  	_ =	sfence.sel $0xFFFF  }
0xbf: {  	[dreg:$0x0] =	wrdreg $0xFFFFFFFF;
	(pc) =	sbr.abs _section_cstart, $3  }
0xc0: {  	[dreg:$0x1] =	wrdreg $0xFFFFFFFF  }
0xc1: {  	_ =	task.clear_ibuf [dreg:s6], $0x2FFFF;
	_ =	strace $0x9FFFFFFF  }
0xc2: {  	(tm) =	ssettm $0x7FFFFFFF  }
0xc3: {  	_ =	shalt  }
tec
execute0_lowered:
.L_overlay_start_1:
0x0: {  	(tag) =	ssettag $0x1  }
0x1: {  	s0 =	srdreg.scid;
	s1 =	rddreg [dreg:$0x0]  }
0x2: {  	s2 =	rddreg [dreg:$0x1];
	s10 =	stileid.u32  }
0x3: {  	s3 =	simm.s32 $0x0;
	s17 =	simm.s32 $0xF000;
	s29 =	simm.s32 $0x17C00  }
0x4: {  	s30 =	simm.s32 $0x1;
	s31 =	simm.s32 $0x2;
	s28 =	simm.s32 $0x8  }
0x5: {  	s0 =	sand.u32 $0x1, s0;
	[smem:$0x7FF] =	sst s3;
	s7 =	smul.u32 $0x28000, s10  }
0x6: {  	s8 =	sadd.s32 $0x17400, s1;
	s9 =	smul.u32 $0x280, s10;
	s4 =	sshll.u32 s0, $0x4  }
0x7: {  	_ =	strace $0x8000004D;
	s6 =	ssub.s32 $0x2, s0;
	[dreg:$0x3] =	wrdreg s8  }
0x8: {  	s0 =	smul.u32 $0x140000, s0;
	s4 =	sor.u32 s10, s4;
	s18 =	sshrl.u32 s6, $0x1  }
0x9: {  	s7 =	sshrl.u32 s7, $0x2;
	s10 =	smul.u32 $0x14000, s10;
	s20 =	sadd.s32 $0xA0, s9  }
0xa: {  	s24 =	sadd.s32 $0x140, s9;
	s25 =	sadd.s32 $0x1E0, s9;
	s5 =	smul.u32 $0x500, s4  }
0xb: {  	s4 =	sadd.s32 $0x67800, s1;
	s6 =	ssub.s32 s6, s18;
	s8 =	sadd.s32 s7, s2  }
0xc: {  	s22 =	sshll.u32 s20, $0x7;
	s26 =	sshll.u32 s24, $0x6;
	s9 =	sshll.u32 s25, $0x7  }
0xd: {  	s18 =	simm.s32 $0x9;
	s6 =	smax.u32 s6, $0x1;
	s21 =	sadd.s32 s0, s10  }
0xe: {  	s7 =	sadd.s32 s0, s22;
	s13 =	sadd.s32 s26, s2;
	s22 =	simm.s32 $0x11C00  }
0xf: {  	s26 =	simm.s32 $0x15C00;
	s5 =	sadd.s32 s5, s1;
	s1 =	sadd.s32 $0x8F800, s1  }
0x10: {  	[dreg:$0x6] =	wrdreg s6;
	s6 =	sshrl.u32 s21, $0x3;
	s23 =	sshrl.u32 s7, $0x3  }
0x11: {  	s21 =	simm.s32 $0x80;
	s7 =	simm.s32 $0x0;
	s19 =	sadd.s32 $0xD400, s5  }
0x12: {  	s5 =	sadd.s32 $0x3400, s5;
	s6 =	sadd.s32 s1, s6;
	[dreg:$0x4] =	wrdreg s19  }
0x13: {  	s12 =	sadd.s32 s1, s23;
	s23 =	simm.s32 $0x6;
	[dreg:$0x5] =	wrdreg s5  }
0x14: {  	s5 =	sshll.u32 s20, $0x6;
	[dreg:$0x7] =	wrdreg s6;
	s6 =	sshll.u32 s25, $0x6  }
0x15: {  	s19 =	simm.s32 $0xA000;
	s20 =	simm.s32 $0x5;
	s5 =	sadd.s32 s5, s2  }
0x16: {  	s25 =	simm.s32 $0x7;
	[dreg:$0x8] =	wrdreg s5;
	s5 =	sshll.u32 s24, $0x7  }
0x17: {  	s15 =	sadd.s32 s6, s2;
	s5 =	sadd.s32 s0, s5;
	s0 =	sadd.s32 s0, s9  }
0x18: {  	s6 =	simm.s32 $0x40;
	s5 =	sshrl.u32 s5, $0x3;
	s0 =	sshrl.u32 s0, $0x3  }
0x19: {  	s24 =	simm.s32 $0x13C00;
	s14 =	sadd.s32 s1, s5;
	s16 =	sadd.s32 s1, s0  }
0x1a: {  	s0 =	simm.s32 $0x3;
	s1 =	simm.s32 $0x4;
	s5 =	simm.s32 $0xF400  }
.LBB2_1:
0x1b: {  	s9 =	rddreg [dreg:$0x3]  }
0x1c: {  	[tilespmem:s17], [sflag:$0x9] =	stream.linear.gather [hbm4b:s9+s3], $0x400, $0x38;
	[tilespmem:$0x19C00] =	vst v63  }
0x1d: {  	_ =	swait.ge [sflag:s18], $0x400  }
0x1e: {  	[sflag:s18] =	ssyncset.done $0x0  }
0x1f: {  	s10 =	rddreg [dreg:$0x4];
	[sflag:s18] =	ssyncadd.s32 $0xFFFFFC00  }
0x20: {  	[tilespmem:s19], [sflag:$0x9] =	stream.linear.gather [hbm4b:s10+s3], $0x2800, $0x38;
	[tilespmem:$0x19C00] =	vst v63  }
0x21: {  	_ =	swait.ge [sflag:s18], $0x2800  }
0x22: {  	[sflag:s18] =	ssyncset.done $0x0  }
0x23: {  	s10 =	simm.s32 $0xC800;
	s11 =	rddreg [dreg:$0x5];
	[sflag:s18] =	ssyncadd.s32 $0xFFFFD800  }
0x24: {  	[tilespmem:s10], [sflag:$0x9] =	stream.linear.gather [hbm4b:s11+s3], $0x2800, $0x38;
	[tilespmem:$0x19C00] =	vst v63  }
0x25: {  	_ =	swait.ge [sflag:s18], $0x2800  }
0x26: {  	[sflag:s18] =	ssyncset.done $0x0  }
0x27: {  	s11 =	sadd.s32 $0x0, s8;
	[sflag:s18] =	ssyncadd.s32 $0xFFFFD800  }
0x28: {  	[spmem:s11] =	stream.linear.scatter [tilespmem:s17], [sflag:$0x9], $0x400, $0x38;
	[tilespmem:$0x19C00] =	vst v63  }
0x29: {  	s9 =	simm.s32 $0x1000;
	_ =	swait.ge [sflag:s18], $0x400  }
.LBB2_2:
0x2a: {  	s10 =	sshra.s32 s9, $0x2;
	[sflag:s18] =	ssyncset.done $0x0;
	p0 =	sne.s32 s9, $0x27000  }
.Ltmp0:
0x2b: {  	s10 =	sadd.s32 s10, s8;
	[sflag:s18] =	ssyncadd.s32 $0xFFFFFC00;
	(pc) =	sbr.rel @p0 .LBB2_2-.Ltmp0, $3  }
0x2c: {  	[spmem:s10] =	stream.linear.scatter [tilespmem:s17], [sflag:$0x9], $0x400, $0x38;
	[tilespmem:$0x19C00] =	vst v63  }
0x2d: {  	s9 =	sadd.s32 $0x1000, s9;
	_ =	sdelay $0x1  }
0x2e: {  	_ =	swait.ge [sflag:s18], $0x400  }
0x2f: {  	[sflag:s18] =	ssyncset.done $0x0  }
0x30: {  	[sflag:s18] =	ssyncadd.s32 $0xFFFFFC00  }
0x31: {  	[bflag:$0x0] =	sbarrier.arrive $0xFFFF  }
0x32: {  	[tilespmem:s22], [sflag:$0x1] =	stream.indirect.gather [hbm4b:s4+s21], $0x40, s19, s21, $0xb8;
	[tilespmem:$0x19C00] =	vst v63  }
0x33: {  	s9 =	simm.s32 $0xA080  }
0x34: {  	[tilespmem:s24], [sflag:$0x2] =	stream.indirect.gather [hbm4b:s4+s21], $0x40, s9, s21, $0xb8;
	[tilespmem:$0x19C00] =	vst v63  }
0x35: {  	s11 =	simm.s32 $0xA100  }
0x36: {  	[tilespmem:s26], [sflag:$0x3] =	stream.indirect.gather [hbm4b:s4+s21], $0x40, s11, s21, $0xb8;
	[tilespmem:$0x19C00] =	vst v63  }
0x37: {  	s10 =	simm.s32 $0xA180  }
0x38: {  	[tilespmem:s29], [sflag:$0x4] =	stream.indirect.gather [hbm4b:s4+s21], $0x40, s10, s21, $0xb8;
	[tilespmem:$0x19C00] =	vst v63  }
0x39: {  	_ =	swait.ge [sflag:s30], $0x2000  }
0x3a: {  	[sflag:s30] =	ssyncset.done $0x0  }
0x3b: {  	s11 =	simm.s32 $0xC800;
	[sflag:s30] =	ssyncadd.s32 $0xFFFFE000  }
0x3c: {  	[spmem:s2] =	stream.indirect.scatter.add.f32 [tilespmem:s22], [sflag:$0x5], $0x40, s11, s21, $0xb8;
	[tilespmem:$0x19C00] =	vst v63  }
0x3d: {  	_ =	swait.ge [sflag:s31], $0x2000  }
0x3e: {  	[sflag:s31] =	ssyncset.done $0x0  }
0x3f: {  	s10 =	simm.s32 $0xC880;
	[sflag:s31] =	ssyncadd.s32 $0xFFFFE000  }
0x40: {  	[spmem:s2] =	stream.indirect.scatter.add.f32 [tilespmem:s24], [sflag:$0x6], $0x40, s10, s21, $0xb8;
	[tilespmem:$0x19C00] =	vst v63  }
0x41: {  	_ =	swait.ge [sflag:s0], $0x2000  }
0x42: {  	[sflag:s0] =	ssyncset.done $0x0  }
0x43: {  	s11 =	simm.s32 $0xC900;
	[sflag:s0] =	ssyncadd.s32 $0xFFFFE000  }
0x44: {  	[spmem:s2] =	stream.indirect.scatter.add.f32 [tilespmem:s26], [sflag:$0x7], $0x40, s11, s21, $0xb8;
	[tilespmem:$0x19C00] =	vst v63  }
0x45: {  	_ =	swait.ge [sflag:s1], $0x2000  }
0x46: {  	[sflag:s1] =	ssyncset.done $0x0  }
0x47: {  	s10 =	simm.s32 $0xC980;
	[sflag:s1] =	ssyncadd.s32 $0xFFFFE000  }
0x48: {  	[spmem:s2] =	stream.indirect.scatter.add.f32 [tilespmem:s29], [sflag:$0x8], $0x40, s10, s21, $0xb8;
	[tilespmem:$0x19C00] =	vst v63  }
0x49: {  	_ =	swait.ge [sflag:s20], $0x2000  }
0x4a: {  	[sflag:s20] =	ssyncset.done $0x0  }
0x4b: {  	s11 =	simm.s32 $0xA200;
	[sflag:s20] =	ssyncadd.s32 $0xFFFFE000  }
0x4c: {  	[tilespmem:s22], [sflag:$0x1] =	stream.indirect.gather [hbm4b:s4+s21], $0x40, s11, s21, $0xb8;
	[tilespmem:$0x19C00] =	vst v63  }
0x4d: {  	_ =	swait.ge [sflag:s23], $0x2000  }
0x4e: {  	[sflag:s23] =	ssyncset.done $0x0  }
0x4f: {  	s10 =	simm.s32 $0xA280;
	[sflag:s23] =	ssyncadd.s32 $0xFFFFE000  }
0x50: {  	[tilespmem:s24], [sflag:$0x2] =	stream.indirect.gather [hbm4b:s4+s21], $0x40, s10, s21, $0xb8;
	[tilespmem:$0x19C00] =	vst v63  }
0x51: {  	_ =	swait.ge [sflag:s25], $0x2000  }
0x52: {  	[sflag:s25] =	ssyncset.done $0x0  }
0x53: {  	s11 =	simm.s32 $0xA300;
	[sflag:s25] =	ssyncadd.s32 $0xFFFFE000  }
0x54: {  	[tilespmem:s26], [sflag:$0x3] =	stream.indirect.gather [hbm4b:s4+s21], $0x40, s11, s21, $0xb8;
	[tilespmem:$0x19C00] =	vst v63  }
0x55: {  	_ =	swait.ge [sflag:s28], $0x2000  }
0x56: {  	[sflag:s28] =	ssyncset.done $0x0  }
0x57: {  	s9 =	simm.s32 $0x800;
	s10 =	simm.s32 $0xA380;
	[sflag:s28] =	ssyncadd.s32 $0xFFFFE000  }
.LBB2_4:
0x58: {  	[tilespmem:s29], [sflag:$0x4] =	stream.indirect.gather [hbm4b:s4+s21], $0x40, s10, s21, $0xb8;
	[tilespmem:$0x19C00] =	vst v63  }
0x59: {  	s10 =	smov.u32 s9  }
0x5a: {  	p0 =	sne.s32 s9, $0x9000;
	s9 =	sadd.s32 $0x800, s9;
	_ =	swait.ge [sflag:s30], $0x2000  }
0x5b: {  	s10 =	sshra.s32 s10, $0x2;
	[sflag:s30] =	ssyncset.done $0x0  }
0x5c: {  	s11 =	sadd.s32 $0xC800, s10;
	[sflag:s30] =	ssyncadd.s32 $0xFFFFE000  }
0x5d: {  	[spmem:s2] =	stream.indirect.scatter.add.f32 [tilespmem:s22], [sflag:$0x5], $0x40, s11, s21, $0xb8;
	[tilespmem:$0x19C00] =	vst v63  }
0x5e: {  	_ =	swait.ge [sflag:s31], $0x2000  }
0x5f: {  	[sflag:s31] =	ssyncset.done $0x0  }
0x60: {  	s11 =	sadd.s32 $0xC880, s10;
	[sflag:s31] =	ssyncadd.s32 $0xFFFFE000  }
0x61: {  	[spmem:s2] =	stream.indirect.scatter.add.f32 [tilespmem:s24], [sflag:$0x6], $0x40, s11, s21, $0xb8;
	[tilespmem:$0x19C00] =	vst v63  }
0x62: {  	_ =	swait.ge [sflag:s0], $0x2000  }
0x63: {  	[sflag:s0] =	ssyncset.done $0x0  }
0x64: {  	s11 =	sadd.s32 $0xC900, s10;
	[sflag:s0] =	ssyncadd.s32 $0xFFFFE000  }
0x65: {  	[spmem:s2] =	stream.indirect.scatter.add.f32 [tilespmem:s26], [sflag:$0x7], $0x40, s11, s21, $0xb8;
	[tilespmem:$0x19C00] =	vst v63  }
0x66: {  	_ =	swait.ge [sflag:s1], $0x2000  }
0x67: {  	[sflag:s1] =	ssyncset.done $0x0  }
0x68: {  	s11 =	sadd.s32 $0xC980, s10;
	[sflag:s1] =	ssyncadd.s32 $0xFFFFE000  }
0x69: {  	[spmem:s2] =	stream.indirect.scatter.add.f32 [tilespmem:s29], [sflag:$0x8], $0x40, s11, s21, $0xb8;
	[tilespmem:$0x19C00] =	vst v63  }
0x6a: {  	_ =	swait.ge [sflag:s20], $0x2000  }
0x6b: {  	[sflag:s20] =	ssyncset.done $0x0  }
0x6c: {  	s11 =	sadd.s32 $0xA200, s10;
	[sflag:s20] =	ssyncadd.s32 $0xFFFFE000  }
0x6d: {  	[tilespmem:s22], [sflag:$0x1] =	stream.indirect.gather [hbm4b:s4+s21], $0x40, s11, s21, $0xb8;
	[tilespmem:$0x19C00] =	vst v63  }
0x6e: {  	_ =	swait.ge [sflag:s23], $0x2000  }
0x6f: {  	[sflag:s23] =	ssyncset.done $0x0  }
0x70: {  	s11 =	sadd.s32 $0xA280, s10;
	[sflag:s23] =	ssyncadd.s32 $0xFFFFE000  }
0x71: {  	[tilespmem:s24], [sflag:$0x2] =	stream.indirect.gather [hbm4b:s4+s21], $0x40, s11, s21, $0xb8;
	[tilespmem:$0x19C00] =	vst v63  }
0x72: {  	_ =	swait.ge [sflag:s25], $0x2000  }
0x73: {  	[sflag:s25] =	ssyncset.done $0x0  }
.Ltmp1:
0x74: {  	s11 =	sadd.s32 $0xA300, s10;
	[sflag:s25] =	ssyncadd.s32 $0xFFFFE000;
	(pc) =	sbr.rel @p0 .LBB2_4-.Ltmp1, $4  }
0x75: {  	[tilespmem:s26], [sflag:$0x3] =	stream.indirect.gather [hbm4b:s4+s21], $0x40, s11, s21, $0xb8;
	[tilespmem:$0x19C00] =	vst v63  }
0x76: {  	_ =	swait.ge [sflag:s28], $0x2000  }
0x77: {  	[sflag:s28] =	ssyncset.done $0x0  }
0x78: {  	s10 =	sadd.s32 $0xA380, s10;
	[sflag:s28] =	ssyncadd.s32 $0xFFFFE000  }
0x79: {  	[tilespmem:s29], [sflag:$0x4] =	stream.indirect.gather [hbm4b:s4+s21], $0x40, s10, s21, $0xb8;
	[tilespmem:$0x19C00] =	vst v63  }
0x7a: {  	_ =	swait.ge [sflag:s30], $0x2000  }
0x7b: {  	[sflag:s30] =	ssyncset.done $0x0  }
0x7c: {  	s9 =	simm.s32 $0xEE00;
	[sflag:s30] =	ssyncadd.s32 $0xFFFFE000  }
0x7d: {  	[spmem:s2] =	stream.indirect.scatter.add.f32 [tilespmem:s22], [sflag:$0x5], $0x40, s9, s21, $0xb8;
	[tilespmem:$0x19C00] =	vst v63  }
0x7e: {  	_ =	swait.ge [sflag:s31], $0x2000  }
0x7f: {  	[sflag:s31] =	ssyncset.done $0x0  }
0x80: {  	s10 =	simm.s32 $0xEE80;
	[sflag:s31] =	ssyncadd.s32 $0xFFFFE000  }
0x81: {  	[spmem:s2] =	stream.indirect.scatter.add.f32 [tilespmem:s24], [sflag:$0x6], $0x40, s10, s21, $0xb8;
	[tilespmem:$0x19C00] =	vst v63  }
0x82: {  	_ =	swait.ge [sflag:s0], $0x2000  }
0x83: {  	[sflag:s0] =	ssyncset.done $0x0  }
0x84: {  	s11 =	simm.s32 $0xEF00;
	[sflag:s0] =	ssyncadd.s32 $0xFFFFE000  }
0x85: {  	[spmem:s2] =	stream.indirect.scatter.add.f32 [tilespmem:s26], [sflag:$0x7], $0x40, s11, s21, $0xb8;
	[tilespmem:$0x19C00] =	vst v63  }
0x86: {  	_ =	swait.ge [sflag:s1], $0x2000  }
0x87: {  	[sflag:s1] =	ssyncset.done $0x0  }
0x88: {  	s10 =	simm.s32 $0xEF80;
	[sflag:s1] =	ssyncadd.s32 $0xFFFFE000  }
0x89: {  	[spmem:s2] =	stream.indirect.scatter.add.f32 [tilespmem:s29], [sflag:$0x8], $0x40, s10, s21, $0xb8;
	[tilespmem:$0x19C00] =	vst v63  }
0x8a: {  	_ =	swait.ge [sflag:s20], $0x2000  }
0x8b: {  	[sflag:s20] =	ssyncset.done $0x0  }
0x8c: {  	[sflag:s20] =	ssyncadd.s32 $0xFFFFE000  }
0x8d: {  	_ =	swait.ge [sflag:s23], $0x2000  }
0x8e: {  	[sflag:s23] =	ssyncset.done $0x0  }
0x8f: {  	[sflag:s23] =	ssyncadd.s32 $0xFFFFE000  }
0x90: {  	_ =	swait.ge [sflag:s25], $0x2000  }
0x91: {  	[sflag:s25] =	ssyncset.done $0x0  }
0x92: {  	[sflag:s25] =	ssyncadd.s32 $0xFFFFE000  }
0x93: {  	_ =	swait.ge [sflag:s28], $0x2000  }
0x94: {  	[sflag:s28] =	ssyncset.done $0x0  }
0x95: {  	[sflag:s28] =	ssyncadd.s32 $0xFFFFE000  }
0x96: {  	[bflag:$0x0] =	sbarrier.arrive $0xFFFF  }
0x97: {  	[tilespmem:s5], [sflag:$0x9] =	stream.linear.gather [spmem:s8], $0x2800, $0x38;
	[tilespmem:$0x19C00] =	vst v63  }
0x98: {  	_ =	swait.ge [sflag:s18], $0x2800  }
0x99: {  	[sflag:s18] =	ssyncset.done $0x0  }
0x9a: {  	s11 =	rddreg [dreg:$0x7];
	[sflag:s18] =	ssyncadd.s32 $0xFFFFD800  }
0x9b: {  	[hbm4b:s11+s6] =	stream.strided.scatter [tilespmem:s5], [sflag:$0x9], $0x2800, s21, s6, $0x38;
	[tilespmem:$0x19C00] =	vst v63  }
0x9c: {  	_ =	swait.ge [sflag:s18], $0x2800  }
0x9d: {  	[sflag:s18] =	ssyncset.done $0x0  }
0x9e: {  	s10 =	rddreg [dreg:$0x8];
	[sflag:s18] =	ssyncadd.s32 $0xFFFFD800  }
0x9f: {  	[tilespmem:s5], [sflag:$0x9] =	stream.linear.gather [spmem:s10], $0x2800, $0x38;
	[tilespmem:$0x19C00] =	vst v63  }
0xa0: {  	_ =	swait.ge [sflag:s18], $0x2800  }
0xa1: {  	[sflag:s18] =	ssyncset.done $0x0  }
0xa2: {  	[sflag:s18] =	ssyncadd.s32 $0xFFFFD800  }
0xa3: {  	[hbm4b:s12+s6] =	stream.strided.scatter [tilespmem:s5], [sflag:$0x9], $0x2800, s21, s6, $0x38;
	[tilespmem:$0x19C00] =	vst v63  }
0xa4: {  	_ =	swait.ge [sflag:s18], $0x2800  }
0xa5: {  	[sflag:s18] =	ssyncset.done $0x0  }
0xa6: {  	[sflag:s18] =	ssyncadd.s32 $0xFFFFD800  }
0xa7: {  	[tilespmem:s5], [sflag:$0x9] =	stream.linear.gather [spmem:s13], $0x2800, $0x38;
	[tilespmem:$0x19C00] =	vst v63  }
0xa8: {  	_ =	swait.ge [sflag:s18], $0x2800  }
0xa9: {  	[sflag:s18] =	ssyncset.done $0x0  }
0xaa: {  	[sflag:s18] =	ssyncadd.s32 $0xFFFFD800  }
0xab: {  	[hbm4b:s14+s6] =	stream.strided.scatter [tilespmem:s5], [sflag:$0x9], $0x2800, s21, s6, $0x38;
	[tilespmem:$0x19C00] =	vst v63  }
0xac: {  	_ =	swait.ge [sflag:s18], $0x2800  }
0xad: {  	[sflag:s18] =	ssyncset.done $0x0  }
0xae: {  	[sflag:s18] =	ssyncadd.s32 $0xFFFFD800  }
0xaf: {  	[tilespmem:s5], [sflag:$0x9] =	stream.linear.gather [spmem:s15], $0x2800, $0x38;
	[tilespmem:$0x19C00] =	vst v63  }
0xb0: {  	_ =	swait.ge [sflag:s18], $0x2800  }
0xb1: {  	[sflag:s18] =	ssyncset.done $0x0  }
0xb2: {  	[sflag:s18] =	ssyncadd.s32 $0xFFFFD800  }
0xb3: {  	[hbm4b:s16+s6] =	stream.strided.scatter [tilespmem:s5], [sflag:$0x9], $0x2800, s21, s6, $0x38;
	[tilespmem:$0x19C00] =	vst v63  }
0xb4: {  	_ =	swait.ge [sflag:s18], $0x2800  }
0xb5: {  	s7 =	sadd.s32 $0x1, s7;
	s11 =	rddreg [dreg:$0x6]  }
0xb6: {  	p0 =	sne.s32 s7, s11  }
.Ltmp2:
0xb7: {  	_ = 	snop;
	(pc) =	sbr.rel @p0 .LBB2_1-.Ltmp2, $3  }
0xb8: {  	_ =	sdelay $0x1  }
0xb9: {  	[sflag:s18] =	ssyncset.done $0x0  }
0xba: {  	[sflag:s18] =	ssyncadd.s32 $0xFFFFD800  }
0xbb: {  	_ =	sfence.sel $0x180000  }
0xbc: {  	[bflag:$0x0] =	sbarrier.arrive $0xFFFF  }
0xbd: {  	_ =	strace $0x9000004D  }
0xbe: {  	s0 =	stileid.u32;
	[bflag:$0x2] =	sbarrier.arrive $0xFFFF  }
0xbf: {  	p0 =	sne.s32 s0, $0x0;
	s0 =	rddreg [dreg:$0x2]  }
0xc0: {  	s0 =	sadd.s32 @!p0 $0x100000, s0  }
0xc1: {  	[sflag:s0] =	ssyncadd.tile.s32 @!p0 $0x1;
	_ =	shalt  }
.Lfunc_end2:
_tile_overlayer_lowered:
.L_overlay_start_2:
0xc2: {  	(tag) =	ssettag $0x2  }
0xc3: {  	s0 =	rddreg [dreg:$0x0];
	s2 =	stileid.u32  }
0xc4: {  	s1 =	rddreg [dreg:$0x1];
	p0 =	sne.s32 s2, $0x0  }
0xc5: {  	s3 =	rddreg [dreg:$0x2];
	[bflag:$0x3] =	sbarrier.arrive $0xFFFF;
	s2 =	simm.s32 @!p0 $0x1C09  }
0xc6: {  	[timem:s3], [sflag:s2] =	dma.local @!p0 [hbm:s0], s1  }
0xc7: {  	s0 =	simm.s32 @!p0 $0x9  }
0xc8: {  	_ =	swait.ge @!p0 [sflag:s0], s1  }
0xc9: {  	s1 =	ssub.s32 @!p0 $0x0, s1;
	[sflag:s0] =	ssyncset.done @!p0 $0x0  }
0xca: {  	[sflag:s0] =	ssyncadd.s32 @!p0 s1  }
0xcb: {  	[bflag:$0x3] =	sbarrier.arrive $0xFFFF  }
0xcc: {  	_ =	shalt  }

// kernel: kernel.8.cloned.1.call-start
scs
__scs_entry_jumppad:
0x0: {  	(pc) =	sbr.rel $0x88, $3  }
0x1: {  	(tag) =	ssettag $0x0;
	lr =	simm.s32 $0x1  }
0x2: {  	[smem:$0x3F98] =	sst lr;
	_ =	strace $0xD0000000  }
0x3: {  	_ = 	snop  }
0x4: {  	_ = 	snop  }
0x5: {  	_ = 	snop  }
0x6: {  	_ = 	snop  }
0x7: {  	_ = 	snop  }
__scs_overlays_trampoline_lowered:
0x8: {  	[smem:$0x3FA7] =	sst s0  }
0x9: {  	[smem:$0x3FA8] =	sst s1  }
0xa: {  	[smem:$0x3FA9] =	sst s2  }
0xb: {  	[smem:$0x3FAA] =	sst s3  }
0xc: {  	[smem:$0x3FAB] =	sst s4  }
0xd: {  	[smem:$0x3FAC] =	sst s5  }
0xe: {  	[smem:$0x3FAD] =	sst s6  }
0xf: {  	[smem:$0x3FAE] =	sst s7  }
0x10: {  	[smem:$0x3FAF] =	sst s8  }
0x11: {  	[smem:$0x3FB0] =	sst s9;
	s0 =	simm.s32 @!p0 $0x0  }
0x12: {  	s1 =	sld [smem:$0x3F96];
	s0 =	simm.s32 @p0 $0x1  }
0x13: {  	[smem:$0x3FB1] =	sst s0;
	s0 =	simm.s32 @!p1 $0x0  }
0x14: {  	s2 =	sld [smem:$0x3F95];
	s0 =	simm.s32 @p1 $0x1  }
0x15: {  	[smem:$0x3FB2] =	sst s0;
	s0 =	simm.s32 @!p2 $0x0  }
0x16: {  	s3 =	sld [smem:$0x3FDB];
	s0 =	simm.s32 @p2 $0x1  }
0x17: {  	s4 =	simm.s32 $0x1BF5;
	[smem:$0x3FB4] =	sst s0  }
0x18: {  	s0 =	sld [smem:$0x3F97];
	_ =	swait.ge [sflag:s4], $0x0  }
0x19: {  	s7 =	sld [smem:$0x3F98]  }
0x1a: {  	s8 =	sadd.s32 $0xFFFFE003, lr  }
0x1b: {  	s9 =	sadd.s32 $0xFFFFFEF7, lr;
	s5 =	simm.s32 $0xFFFFFFFF;
	p2 =	slt.u32 s8, $0xFFFFF086  }
0x1c: {  	p1 =	slt.u32 s9, $0xF7A;
	s5 =	simm.s32 @!p2 $0x0  }
0x1d: {  	s5 =	simm.s32 @p1 $0x1;
	p0 =	seq.s32 s7, s2  }
0x1e: {  	s7 =	smul.u32 @!p0 $0xF7A, s2;
	p2 =	seq.s32 @!p0 s5, $0x0  }
0x1f: {  	s9 =	smul.u32 $0xF7A, s1;
	s8 =	simm.s32 @!p0 $0x1BF5;
	p2 =	por !p2, p0  }
0x20: {  	[sflag:s8] =	ssyncset.s32 @!p0 $0xFFFFF086;
	s6 =	sadd.s32 @!p0 s3, s7;
	s7 =	simm.s32 @!p0 $0x108  }
0x21: {  	s3 =	sadd.s32 s3, s9;
	s6 =	sadd.s32 @!p0 $0x88, s6;
	s7 =	simm.s32 @p2 $0x1082  }
0x22: {  	[simem:s7], [sflag:s8] =	dma.local @!p0 [hbm:s6], $0xF7A  }
0x23: {  	s9 =	sor.u32 $0xD0000000, s2;
	s6 =	simm.s32 $0x108;
	_ =	swait.ge @!p0 [sflag:s8], $0x0  }
0x24: {  	s3 =	sadd.s32 $0x88, s3;
	s6 =	simm.s32 @!p1 $0x1082;
	[sflag:s4] =	ssyncset.s32 $0xFFFFF086  }
0x25: {  	[simem:s6], [sflag:s4] =	dma.local [hbm:s3], $0xF7A  }
0x26: {  	[smem:$0x3F98] =	sst s1;
	(tag) =	ssettag s2;
	_ =	strace s9  }
0x27: {  	s1 =	sld [smem:$0x3FA8]  }
0x28: {  	s2 =	sld [smem:$0x3FA9]  }
0x29: {  	s4 =	sld [smem:$0x3FAB]  }
0x2a: {  	p0 =	seq.s32 s5, $0x0;
	s5 =	sld [smem:$0x3FAC]  }
0x2b: {  	s6 =	sld [smem:$0x3FAD]  }
0x2c: {  	s7 =	sld [smem:$0x3FAE]  }
0x2d: {  	s3 =	simm.s32 $0x108;
	s8 =	sld [smem:$0x3FAF]  }
0x2e: {  	s3 =	simm.s32 @!p0 $0x1082;
	s9 =	sld [smem:$0x3FB0]  }
0x2f: {  	lr =	sadd.s32 s0, s3;
	s0 =	sld [smem:$0x3FA7]  }
0x30: {  	s3 =	sld [smem:$0x3FAA]  }
0x31: {  	[smem:$0x3FB3] =	sst s10  }
0x32: {  	s10 =	sld [smem:$0x3FB1];
	_ =	sdelay $0x3  }
0x33: {  	p0 =	seq.s32 s10, $0x1;
	s10 =	sld [smem:$0x3FB3];
	_ =	sdelay $0x3  }
0x34: {  	[smem:$0x3FB3] =	sst s10  }
0x35: {  	s10 =	sld [smem:$0x3FB2];
	_ =	sdelay $0x3  }
0x36: {  	p1 =	seq.s32 s10, $0x1;
	s10 =	sld [smem:$0x3FB3];
	_ =	sdelay $0x3  }
0x37: {  	[smem:$0x3FB3] =	sst s10  }
0x38: {  	s10 =	sld [smem:$0x3FB4]  }
0x39: {  	_ = 	snop;
	(pc) =	sbr.ind lr, $3  }
0x3a: {  	_ = 	snop  }
0x3b: {  	_ = 	snop  }
0x3c: {  	p2 =	seq.s32 s10, $0x1;
	s10 =	sld [smem:$0x3FB3]  }
0x3d: {  	_ =	shalt  }
0x3e: {  	_ =	shalt  }
0x3f: {  	_ =	shalt  }
0x40: {  	_ =	shalt  }
0x41: {  	_ =	shalt  }
0x42: {  	_ =	shalt  }
0x43: {  	_ =	shalt  }
0x44: {  	_ =	shalt  }
0x45: {  	_ =	shalt  }
0x46: {  	_ =	shalt  }
0x47: {  	_ =	shalt  }
0x48: {  	_ =	shalt  }
0x49: {  	_ =	shalt  }
0x4a: {  	_ =	shalt  }
0x4b: {  	_ =	shalt  }
0x4c: {  	_ =	shalt  }
0x4d: {  	_ =	shalt  }
0x4e: {  	_ =	shalt  }
0x4f: {  	_ =	shalt  }
0x50: {  	_ =	shalt  }
0x51: {  	_ =	shalt  }
0x52: {  	_ =	shalt  }
0x53: {  	_ =	shalt  }
0x54: {  	_ =	shalt  }
0x55: {  	_ =	shalt  }
0x56: {  	_ =	shalt  }
0x57: {  	_ =	shalt  }
0x58: {  	_ =	shalt  }
0x59: {  	_ =	shalt  }
0x5a: {  	_ =	shalt  }
0x5b: {  	_ =	shalt  }
0x5c: {  	_ =	shalt  }
0x5d: {  	_ =	shalt  }
0x5e: {  	_ =	shalt  }
0x5f: {  	_ =	shalt  }
0x60: {  	_ =	shalt  }
0x61: {  	_ =	shalt  }
0x62: {  	_ =	shalt  }
0x63: {  	_ =	shalt  }
0x64: {  	_ =	shalt  }
0x65: {  	_ =	shalt  }
0x66: {  	_ =	shalt  }
0x67: {  	_ =	shalt  }
0x68: {  	_ =	shalt  }
0x69: {  	_ =	shalt  }
0x6a: {  	_ =	shalt  }
0x6b: {  	_ =	shalt  }
0x6c: {  	_ =	shalt  }
0x6d: {  	_ =	shalt  }
0x6e: {  	_ =	shalt  }
0x6f: {  	_ =	shalt  }
0x70: {  	_ =	shalt  }
0x71: {  	_ =	shalt  }
0x72: {  	_ =	shalt  }
0x73: {  	_ =	shalt  }
0x74: {  	_ =	shalt  }
0x75: {  	_ =	shalt  }
0x76: {  	_ =	shalt  }
0x77: {  	_ =	shalt  }
0x78: {  	_ =	shalt  }
0x79: {  	_ =	shalt  }
0x7a: {  	_ =	shalt  }
0x7b: {  	_ =	shalt  }
0x7c: {  	_ =	shalt  }
0x7d: {  	_ =	shalt  }
0x7e: {  	_ =	shalt  }
0x7f: {  	_ =	shalt  }
0x80: {  	_ =	shalt  }
0x81: {  	_ =	shalt  }
0x82: {  	_ =	shalt  }
0x83: {  	_ =	shalt  }
0x84: {  	_ =	shalt  }
0x85: {  	_ =	shalt  }
0x86: {  	_ =	shalt  }
0x87: {  	_ =	shalt  }
.Lfunc_end0:
.L_simem_size_0:
called_computation_lowered:
.L_overlay_start_0:
0x88: {  	s2 =	sld [smem:$0x3FD9]  }
0x89: {  	s3 =	sld [smem:$0x3FFE];
	_ =	sdelay $0x1  }
0x8a: {  	s1 =	srdreg.scid  }
0x8b: {  	s0 =	sand.u32 $0x1, s1  }
0x8c: {  	s16 =	sshll.u32 s0, $0xA;
	s2 =	sadd.s32 s3, s2  }
0x8d: {  	s2 =	sadd.s32 s2, s16  }
0x8e: {  	[smem:$0x3FBF] =	sst s2  }
0x8f: {  	_ = 	snop  }
0x90: {  	(tm) =	ssettm $0x1  }
0x91: {  	s17 =	sld [smem:$0x3FFB];
	_ =	sdelay $0x3  }
0x92: {  	_ =	strace s17  }
0x93: {  	s2 =	sld [smem:$0x3FFC];
	_ =	sdelay $0x3  }
0x94: {  	_ =	strace s2  }
0x95: {  	s2 =	sld [smem:$0x3FFD];
	_ =	sdelay $0x3  }
0x96: {  	_ =	strace s2  }
0x97: {  	_ =	strace $0x8FFFFFFF  }
0x98: {  	s18 =	sld [smem:$0x3FDB];
	_ =	sdelay $0x1  }
0x99: {  	s19 =	simm.s32 $_scs_section_size  }
0x9a: {  	s4 =	simm.s32 $_size__tile_overlayer_lowered;
	s5 =	simm.s32 $_tile_overlayer_lowered  }
0x9b: {  	s22 =	simm.s32 $0x1BFF;
	s21 =	sshll.u32 s5, $0x1;
	s2 =	sadd.s32 s19, s18  }
0x9c: {  	s6 =	simm.s32 $0x0;
	s20 =	sshll.u32 s4, $0x1;
	s4 =	sadd.s32 s21, s2  }
0x9d: {  	[timem:s6], [sflag:s22] =	dma.local [hbm:s4], s20  }
0x9e: {  	_ =	swait.ge [sflag:s22], s20  }
0x9f: {  	s3 =	ssub.s32 $0x0, s20;
	[sflag:s22] =	ssyncset.done $0x0  }
0xa0: {  	[sflag:s22] =	ssyncadd.s32 s3;
	_ =	sdelay $0x1  }
0xa1: {  	s23 =	simm.s32 $0x1B8B  }
0xa2: {  	_ =	swait.ge [sflag:s23], $0x1  }
0xa3: {  	[sflag:s23] =	ssyncset.done $0x0  }
0xa4: {  	s25 =	simm.s32 $0x1B8E;
	s24 =	sld [smem:$0x3FFE];
	[sflag:s23] =	ssyncadd.s32 $0xFFFFFFFF  }
0xa5: {  	s26 =	simm.s32 $execute0_lowered;
	[smem:$0x3FD2] =	sst s25  }
0xa6: {  	s4 =	sshll.u32 s26, $0x1;
	_ =	strace $0x80000046;
	[dreg:$0x1] =	wrdreg $0xFFFFFFFF  }
0xa7: {  	s28 =	simm.s32 $_size_execute0_lowered;
	s2 =	sadd.s32 s2, s4;
	[dreg:$0x0] =	wrdreg $0x0  }
0xa8: {  	s4 =	sshll.u32 s28, $0x1;
	[dreg:$0x2] =	wrdreg s2  }
0xa9: {  	[dreg:$0x3] =	wrdreg s4  }
0xaa: {  	[dreg:$0x4] =	wrdreg $0xC0  }
0xab: {  	_ =	task [dreg:s6], $0x5FFFF  }
0xac: {  	[dreg:$0x1] =	wrdreg $0xFFFFFFFF  }
0xad: {  	[dreg:$0x0] =	wrdreg $0x60  }
0xae: {  	[dreg:$0x2] =	wrdreg s24  }
0xaf: {  	[dreg:$0x3] =	wrdreg $0x0  }
0xb0: {  	[dreg:$0x4] =	wrdreg $0x9  }
0xb1: {  	_ =	task.clear_ibuf [dreg:s6], $0x5FFFF;
	_ =	strace $0x90000046  }
0xb2: {  	s29 =	simm.s32 $0x9;
	_ =	strace $0x80000048  }
0xb3: {  	_ =	swait.ge [sflag:s29], $0x1  }
0xb4: {  	[sflag:s29] =	ssyncadd.s32 $0xFFFFFFFF  }
0xb5: {  	_ =	strace $0x90000048  }
0xb6: {  	_ =	sfence  }
0xb7: {  	s30 =	sld [smem:$0x0];
	_ =	sdelay $0x2  }
0xb8: {  	s31 =	sshll.u32 s1, $0xD;
	s1 =	sshrl.u32 s1, $0x2  }
0xb9: {  	s3 =	sand.u32 $0x4000, s31;
	s1 =	sadd.s32 s1, s30  }
0xba: {  	s0 =	sor.u32 s3, s0;
	s1 =	sshll.u32 s1, $0x11  }
0xbb: {  	s0 =	sor.u32 s1, s0  }
0xbc: {  	s0 =	sadd.s32 $0x8F2B, s0  }
0xbd: {  	[sflag:s0] =	ssyncadd.remote.s32 $0x1  }
0xbe: {  	_ =	sfence.sel $0xFFFF  }
0xbf: {  	[dreg:$0x0] =	wrdreg $0xFFFFFFFF;
	(pc) =	sbr.abs _section_cstart, $3  }
0xc0: {  	[dreg:$0x1] =	wrdreg $0xFFFFFFFF  }
0xc1: {  	_ =	task.clear_ibuf [dreg:s6], $0x2FFFF;
	_ =	strace $0x9FFFFFFF  }
0xc2: {  	(tm) =	ssettm $0x7FFFFFFF  }
0xc3: {  	_ =	shalt  }
tec
execute0_lowered:
.L_overlay_start_1:
0x0: {  	(tag) =	ssettag $0x1  }
0x1: {  	s6 =	rddreg [dreg:$0x0]  }
0x2: {  	s0 =	srdreg.scid;
	s2 =	rddreg [dreg:$0x1]  }
0x3: {  	s1 =	stileid.u32;
	s3 =	simm.s32 $0x0;
	s18 =	simm.s32 $0x5800  }
0x4: {  	s19 =	simm.s32 $0x2800;
	s20 =	simm.s32 $0x80;
	s21 =	simm.s32 $0x1  }
0x5: {  	s22 =	simm.s32 $0x5900;
	s7 =	sand.u32 $0x1, s0;
	s0 =	rddreg [dreg:$0x2]  }
0x6: {  	s23 =	simm.s32 $0x10;
	[smem:$0x7FF] =	sst s3;
	s9 =	smul.u32 $0xA000, s1  }
0x7: {  	s5 =	sadd.s32 $0x17600, s6;
	s12 =	smul.u32 $0x280, s1;
	s15 =	sadd.s32 $0x17800, s6  }
0x8: {  	s26 =	smul.u32 $0x14000, s1;
	s4 =	sshll.u32 s7, $0x4;
	_ =	strace $0x80000047  }
0x9: {  	s10 =	ssub.s32 $0x2, s7;
	s13 =	smul.u32 $0x140000, s7;
	s4 =	sor.u32 s1, s4  }
0xa: {  	s24 =	sshrl.u32 s10, $0x1;
	s25 =	sshrl.u32 s9, $0x2;
	s11 =	sadd.s32 $0xA0, s12  }
0xb: {  	s30 =	sadd.s32 $0x140, s12;
	s16 =	sadd.s32 $0x1E0, s12;
	s4 =	smul.u32 $0x500, s4  }
0xc: {  	s10 =	ssub.s32 s10, s24;
	s7 =	sadd.s32 s25, s2;
	s9 =	sadd.s32 s13, s26  }
0xd: {  	s28 =	sshll.u32 s11, $0x7;
	s11 =	sshll.u32 s11, $0x4;
	s31 =	sshll.u32 s30, $0x4  }
0xe: {  	s17 =	sshll.u32 s16, $0x7;
	s16 =	sshll.u32 s16, $0x4;
	s24 =	simm.s32 $0x0  }
0xf: {  	s9 =	sshrl.u32 s9, $0x3;
	s14 =	sadd.s32 s13, s28;
	s12 =	sadd.s32 s31, s2  }
0x10: {  	s8 =	sadd.s32 s4, s6;
	s4 =	sadd.s32 $0x17400, s6;
	s9 =	sadd.s32 s15, s9  }
0x11: {  	s29 =	sshrl.u32 s14, $0x3;
	s14 =	sshll.u32 s30, $0x7;
	s6 =	sadd.s32 $0x3400, s8  }
0x12: {  	s8 =	smax.u32 s10, $0x1;
	s10 =	sadd.s32 s11, s2;
	s14 =	sadd.s32 s13, s14  }
0x13: {  	s11 =	sadd.s32 s15, s29;
	s13 =	sadd.s32 s13, s17;
	s14 =	sshrl.u32 s14, $0x3  }
0x14: {  	s17 =	sshrl.u32 s13, $0x3;
	s13 =	sadd.s32 s15, s14;
	s14 =	sadd.s32 s16, s2  }
0x15: {  	s15 =	sadd.s32 s15, s17;
	s16 =	simm.s32 $0x5000;
	s17 =	simm.s32 $0x2  }
.LBB2_1:
0x16: {  	[tilespmem:s16], [sflag:$0x2] =	stream.linear.gather [hbm4b:s4+s3], $0x800, $0x38;
	[tilespmem:$0x6300] =	vst v63  }
0x17: {  	_ =	swait.ge [sflag:s17], $0x800  }
0x18: {  	[sflag:s17] =	ssyncset.done $0x0  }
0x19: {  	[sflag:s17] =	ssyncadd.s32 $0xFFFFF800  }
0x1a: {  	[tilespmem:s18], [sflag:$0x2] =	stream.linear.gather [hbm4b:s5+s3], $0x100, $0x38;
	[tilespmem:$0x6300] =	vst v63  }
0x1b: {  	_ =	swait.ge [sflag:s17], $0x100  }
0x1c: {  	[sflag:s17] =	ssyncset.done $0x0  }
0x1d: {  	[sflag:s17] =	ssyncadd.s32 $0xFFFFFF00  }
0x1e: {  	[tilespmem:s19], [sflag:$0x2] =	stream.linear.gather [hbm4b:s6+s3], $0x2800, $0x38;
	[tilespmem:$0x6300] =	vst v63  }
0x1f: {  	_ =	swait.ge [sflag:s17], $0x2800  }
0x20: {  	[sflag:s17] =	ssyncset.done $0x0  }
0x21: {  	s25 =	sadd.s32 $0x0, s7;
	[sflag:s17] =	ssyncadd.s32 $0xFFFFD800  }
0x22: {  	[spmem:s25] =	stream.linear.scatter [tilespmem:s18], [sflag:$0x2], $0x100, $0x38;
	[tilespmem:$0x6300] =	vst v63  }
0x23: {  	s25 =	simm.s32 $0x400;
	_ =	swait.ge [sflag:s17], $0x100  }
.LBB2_2:
0x24: {  	s26 =	sshra.s32 s25, $0x2;
	[sflag:s17] =	ssyncset.done $0x0;
	p0 =	sne.s32 s25, $0x9C00  }
.Ltmp0:
0x25: {  	s26 =	sadd.s32 s26, s7;
	[sflag:s17] =	ssyncadd.s32 $0xFFFFFF00;
	(pc) =	sbr.rel @p0 .LBB2_2-.Ltmp0, $3  }
0x26: {  	[spmem:s26] =	stream.linear.scatter [tilespmem:s18], [sflag:$0x2], $0x100, $0x38;
	[tilespmem:$0x6300] =	vst v63  }
0x27: {  	s25 =	sadd.s32 $0x400, s25;
	_ =	sdelay $0x1  }
0x28: {  	_ =	swait.ge [sflag:s17], $0x100  }
0x29: {  	[sflag:s17] =	ssyncset.done $0x0  }
0x2a: {  	[sflag:s17] =	ssyncadd.s32 $0xFFFFFF00  }
0x2b: {  	s25 =	simm.s32 $0x2800;
	[bflag:$0x0] =	sbarrier.arrive $0xFFFF  }
0x2c: {  	[spmem:s2] =	stream.indirect.scatter.add.f32 [tilespmem:s16], [sflag:$0x1], $0x10, s25, s20, $0xb8;
	[tilespmem:$0x6300] =	vst v63  }
0x2d: {  	s31 =	simm.s32 $0x2880  }
0x2e: {  	[spmem:s2] =	stream.indirect.scatter.add.f32 [tilespmem:s16], [sflag:$0x1], $0x10, s31, s20, $0xb8;
	[tilespmem:$0x6300] =	vst v63  }
0x2f: {  	s26 =	simm.s32 $0x2900  }
0x30: {  	[spmem:s2] =	stream.indirect.scatter.add.f32 [tilespmem:s16], [sflag:$0x1], $0x10, s26, s20, $0xb8;
	[tilespmem:$0x6300] =	vst v63  }
0x31: {  	s30 =	simm.s32 $0x2980  }
0x32: {  	[spmem:s2] =	stream.indirect.scatter.add.f32 [tilespmem:s16], [sflag:$0x1], $0x10, s30, s20, $0xb8;
	[tilespmem:$0x6300] =	vst v63  }
0x33: {  	s31 =	simm.s32 $0x2A00  }
0x34: {  	[spmem:s2] =	stream.indirect.scatter.add.f32 [tilespmem:s16], [sflag:$0x1], $0x10, s31, s20, $0xb8;
	[tilespmem:$0x6300] =	vst v63  }
0x35: {  	s26 =	simm.s32 $0x2A80  }
0x36: {  	[spmem:s2] =	stream.indirect.scatter.add.f32 [tilespmem:s16], [sflag:$0x1], $0x10, s26, s20, $0xb8;
	[tilespmem:$0x6300] =	vst v63  }
0x37: {  	s30 =	simm.s32 $0x2B00  }
0x38: {  	[spmem:s2] =	stream.indirect.scatter.add.f32 [tilespmem:s16], [sflag:$0x1], $0x10, s30, s20, $0xb8;
	[tilespmem:$0x6300] =	vst v63  }
0x39: {  	s31 =	simm.s32 $0x2B80  }
0x3a: {  	[spmem:s2] =	stream.indirect.scatter.add.f32 [tilespmem:s16], [sflag:$0x1], $0x10, s31, s20, $0xb8;
	[tilespmem:$0x6300] =	vst v63  }
0x3b: {  	_ =	swait.ge [sflag:s21], $0x800  }
0x3c: {  	[sflag:s21] =	ssyncset.done $0x0  }
0x3d: {  	[sflag:s21] =	ssyncadd.s32 $0xFFFFF800  }
0x3e: {  	_ =	swait.ge [sflag:s21], $0x800  }
0x3f: {  	[sflag:s21] =	ssyncset.done $0x0  }
0x40: {  	[sflag:s21] =	ssyncadd.s32 $0xFFFFF800  }
0x41: {  	_ =	swait.ge [sflag:s21], $0x800  }
0x42: {  	[sflag:s21] =	ssyncset.done $0x0  }
0x43: {  	[sflag:s21] =	ssyncadd.s32 $0xFFFFF800  }
0x44: {  	_ =	swait.ge [sflag:s21], $0x800  }
0x45: {  	[sflag:s21] =	ssyncset.done $0x0  }
0x46: {  	[sflag:s21] =	ssyncadd.s32 $0xFFFFF800  }
0x47: {  	_ =	swait.ge [sflag:s21], $0x800  }
0x48: {  	[sflag:s21] =	ssyncset.done $0x0  }
0x49: {  	[sflag:s21] =	ssyncadd.s32 $0xFFFFF800  }
0x4a: {  	_ =	swait.ge [sflag:s21], $0x800  }
0x4b: {  	[sflag:s21] =	ssyncset.done $0x0  }
0x4c: {  	[sflag:s21] =	ssyncadd.s32 $0xFFFFF800  }
0x4d: {  	_ =	swait.ge [sflag:s21], $0x800  }
0x4e: {  	[sflag:s21] =	ssyncset.done $0x0  }
0x4f: {  	[sflag:s21] =	ssyncadd.s32 $0xFFFFF800  }
0x50: {  	_ =	swait.ge [sflag:s21], $0x800  }
0x51: {  	s29 =	simm.s32 $0x2000;
	s28 =	simm.s32 $0x400;
	[sflag:s21] =	ssyncset.done $0x0  }
.LBB2_4:
0x52: {  	s30 =	sadd.s32 $0x2800, s28  }
0x53: {  	[sflag:s21] =	ssyncadd.s32 $0xFFFFF800;
	s26 =	smov.u32 s29;
	s25 =	sadd.s32 $0x1000, s29  }
0x54: {  	[spmem:s2] =	stream.indirect.scatter.add.f32 [tilespmem:s16], [sflag:$0x1], $0x10, s30, s20, $0xb8;
	[tilespmem:$0x6300] =	vst v63  }
0x55: {  	p0 =	sne.s32 s29, $0x9000;
	s29 =	sadd.s32 $0x2880, s28  }
0x56: {  	[spmem:s2] =	stream.indirect.scatter.add.f32 [tilespmem:s16], [sflag:$0x1], $0x10, s29, s20, $0xb8;
	[tilespmem:$0x6300] =	vst v63  }
0x57: {  	s29 =	sadd.s32 $0x2900, s28  }
0x58: {  	[spmem:s2] =	stream.indirect.scatter.add.f32 [tilespmem:s16], [sflag:$0x1], $0x10, s29, s20, $0xb8;
	[tilespmem:$0x6300] =	vst v63  }
0x59: {  	s29 =	sadd.s32 $0x2980, s28  }
0x5a: {  	[spmem:s2] =	stream.indirect.scatter.add.f32 [tilespmem:s16], [sflag:$0x1], $0x10, s29, s20, $0xb8;
	[tilespmem:$0x6300] =	vst v63  }
0x5b: {  	s29 =	sadd.s32 $0x2A00, s28  }
0x5c: {  	[spmem:s2] =	stream.indirect.scatter.add.f32 [tilespmem:s16], [sflag:$0x1], $0x10, s29, s20, $0xb8;
	[tilespmem:$0x6300] =	vst v63  }
0x5d: {  	s29 =	sadd.s32 $0x2A80, s28  }
0x5e: {  	[spmem:s2] =	stream.indirect.scatter.add.f32 [tilespmem:s16], [sflag:$0x1], $0x10, s29, s20, $0xb8;
	[tilespmem:$0x6300] =	vst v63  }
0x5f: {  	s29 =	sadd.s32 $0x2B00, s28  }
0x60: {  	[spmem:s2] =	stream.indirect.scatter.add.f32 [tilespmem:s16], [sflag:$0x1], $0x10, s29, s20, $0xb8;
	[tilespmem:$0x6300] =	vst v63  }
0x61: {  	s28 =	sadd.s32 $0x2B80, s28  }
0x62: {  	[spmem:s2] =	stream.indirect.scatter.add.f32 [tilespmem:s16], [sflag:$0x1], $0x10, s28, s20, $0xb8;
	[tilespmem:$0x6300] =	vst v63  }
0x63: {  	_ =	swait.ge [sflag:s21], $0x800  }
0x64: {  	[sflag:s21] =	ssyncset.done $0x0  }
0x65: {  	[sflag:s21] =	ssyncadd.s32 $0xFFFFF800  }
0x66: {  	_ =	swait.ge [sflag:s21], $0x800  }
0x67: {  	[sflag:s21] =	ssyncset.done $0x0  }
0x68: {  	[sflag:s21] =	ssyncadd.s32 $0xFFFFF800  }
0x69: {  	_ =	swait.ge [sflag:s21], $0x800  }
0x6a: {  	[sflag:s21] =	ssyncset.done $0x0  }
0x6b: {  	[sflag:s21] =	ssyncadd.s32 $0xFFFFF800  }
0x6c: {  	_ =	swait.ge [sflag:s21], $0x800  }
0x6d: {  	[sflag:s21] =	ssyncset.done $0x0  }
0x6e: {  	[sflag:s21] =	ssyncadd.s32 $0xFFFFF800  }
0x6f: {  	_ =	swait.ge [sflag:s21], $0x800  }
0x70: {  	[sflag:s21] =	ssyncset.done $0x0  }
0x71: {  	[sflag:s21] =	ssyncadd.s32 $0xFFFFF800  }
0x72: {  	_ =	swait.ge [sflag:s21], $0x800  }
0x73: {  	[sflag:s21] =	ssyncset.done $0x0  }
0x74: {  	[sflag:s21] =	ssyncadd.s32 $0xFFFFF800  }
.Ltmp1:
0x75: {  	_ =	swait.ge [sflag:s21], $0x800;
	(pc) =	sbr.rel @p0 .LBB2_4-.Ltmp1, $4  }
0x76: {  	[sflag:s21] =	ssyncset.done $0x0  }
0x77: {  	[sflag:s21] =	ssyncadd.s32 $0xFFFFF800  }
0x78: {  	_ =	swait.ge [sflag:s21], $0x800  }
0x79: {  	s29 =	smov.u32 s25;
	s28 =	sshra.s32 s26, $0x2;
	[sflag:s21] =	ssyncset.done $0x0  }
0x7a: {  	s25 =	sadd.s32 $0x2800, s28;
	[sflag:s21] =	ssyncadd.s32 $0xFFFFF800  }
0x7b: {  	[spmem:s2] =	stream.indirect.scatter.add.f32 [tilespmem:s16], [sflag:$0x1], $0x10, s25, s20, $0xb8;
	[tilespmem:$0x6300] =	vst v63  }
0x7c: {  	s29 =	sadd.s32 $0x2880, s28  }
0x7d: {  	[spmem:s2] =	stream.indirect.scatter.add.f32 [tilespmem:s16], [sflag:$0x1], $0x10, s29, s20, $0xb8;
	[tilespmem:$0x6300] =	vst v63  }
0x7e: {  	s30 =	sadd.s32 $0x2900, s28  }
0x7f: {  	[spmem:s2] =	stream.indirect.scatter.add.f32 [tilespmem:s16], [sflag:$0x1], $0x10, s30, s20, $0xb8;
	[tilespmem:$0x6300] =	vst v63  }
0x80: {  	s31 =	sadd.s32 $0x2980, s28  }
0x81: {  	[spmem:s2] =	stream.indirect.scatter.add.f32 [tilespmem:s16], [sflag:$0x1], $0x10, s31, s20, $0xb8;
	[tilespmem:$0x6300] =	vst v63  }
0x82: {  	s26 =	sadd.s32 $0x2A00, s28  }
0x83: {  	[spmem:s2] =	stream.indirect.scatter.add.f32 [tilespmem:s16], [sflag:$0x1], $0x10, s26, s20, $0xb8;
	[tilespmem:$0x6300] =	vst v63  }
0x84: {  	s29 =	sadd.s32 $0x2A80, s28  }
0x85: {  	[spmem:s2] =	stream.indirect.scatter.add.f32 [tilespmem:s16], [sflag:$0x1], $0x10, s29, s20, $0xb8;
	[tilespmem:$0x6300] =	vst v63  }
0x86: {  	s30 =	sadd.s32 $0x2B00, s28  }
0x87: {  	[spmem:s2] =	stream.indirect.scatter.add.f32 [tilespmem:s16], [sflag:$0x1], $0x10, s30, s20, $0xb8;
	[tilespmem:$0x6300] =	vst v63  }
0x88: {  	s31 =	sadd.s32 $0x2B80, s28  }
0x89: {  	[spmem:s2] =	stream.indirect.scatter.add.f32 [tilespmem:s16], [sflag:$0x1], $0x10, s31, s20, $0xb8;
	[tilespmem:$0x6300] =	vst v63  }
0x8a: {  	_ =	swait.ge [sflag:s21], $0x800  }
0x8b: {  	[sflag:s21] =	ssyncset.done $0x0  }
0x8c: {  	[sflag:s21] =	ssyncadd.s32 $0xFFFFF800  }
0x8d: {  	_ =	swait.ge [sflag:s21], $0x800  }
0x8e: {  	[sflag:s21] =	ssyncset.done $0x0  }
0x8f: {  	[sflag:s21] =	ssyncadd.s32 $0xFFFFF800  }
0x90: {  	_ =	swait.ge [sflag:s21], $0x800  }
0x91: {  	[sflag:s21] =	ssyncset.done $0x0  }
0x92: {  	[sflag:s21] =	ssyncadd.s32 $0xFFFFF800  }
0x93: {  	_ =	swait.ge [sflag:s21], $0x800  }
0x94: {  	[sflag:s21] =	ssyncset.done $0x0  }
0x95: {  	[sflag:s21] =	ssyncadd.s32 $0xFFFFF800  }
0x96: {  	_ =	swait.ge [sflag:s21], $0x800  }
0x97: {  	[sflag:s21] =	ssyncset.done $0x0  }
0x98: {  	[sflag:s21] =	ssyncadd.s32 $0xFFFFF800  }
0x99: {  	_ =	swait.ge [sflag:s21], $0x800  }
0x9a: {  	[sflag:s21] =	ssyncset.done $0x0  }
0x9b: {  	[sflag:s21] =	ssyncadd.s32 $0xFFFFF800  }
0x9c: {  	_ =	swait.ge [sflag:s21], $0x800  }
0x9d: {  	[sflag:s21] =	ssyncset.done $0x0  }
0x9e: {  	[sflag:s21] =	ssyncadd.s32 $0xFFFFF800  }
0x9f: {  	_ =	swait.ge [sflag:s21], $0x800  }
0xa0: {  	[sflag:s21] =	ssyncset.done $0x0  }
0xa1: {  	[sflag:s21] =	ssyncadd.s32 $0xFFFFF800  }
0xa2: {  	[bflag:$0x0] =	sbarrier.arrive $0xFFFF  }
0xa3: {  	[tilespmem:s22], [sflag:$0x2] =	stream.linear.gather [spmem:s7], $0xA00, $0x38;
	[tilespmem:$0x6300] =	vst v63  }
0xa4: {  	_ =	swait.ge [sflag:s17], $0xA00  }
0xa5: {  	[sflag:s17] =	ssyncset.done $0x0  }
0xa6: {  	[sflag:s17] =	ssyncadd.s32 $0xFFFFF600  }
0xa7: {  	[hbm4b:s9+s23] =	stream.strided.scatter [tilespmem:s22], [sflag:$0x2], $0xA00, s20, s23, $0x38;
	[tilespmem:$0x6300] =	vst v63  }
0xa8: {  	_ =	swait.ge [sflag:s17], $0xA00  }
0xa9: {  	[sflag:s17] =	ssyncset.done $0x0  }
0xaa: {  	[sflag:s17] =	ssyncadd.s32 $0xFFFFF600  }
0xab: {  	[tilespmem:s22], [sflag:$0x2] =	stream.linear.gather [spmem:s10], $0xA00, $0x38;
	[tilespmem:$0x6300] =	vst v63  }
0xac: {  	_ =	swait.ge [sflag:s17], $0xA00  }
0xad: {  	[sflag:s17] =	ssyncset.done $0x0  }
0xae: {  	[sflag:s17] =	ssyncadd.s32 $0xFFFFF600  }
0xaf: {  	[hbm4b:s11+s23] =	stream.strided.scatter [tilespmem:s22], [sflag:$0x2], $0xA00, s20, s23, $0x38;
	[tilespmem:$0x6300] =	vst v63  }
0xb0: {  	_ =	swait.ge [sflag:s17], $0xA00  }
0xb1: {  	[sflag:s17] =	ssyncset.done $0x0  }
0xb2: {  	[sflag:s17] =	ssyncadd.s32 $0xFFFFF600  }
0xb3: {  	[tilespmem:s22], [sflag:$0x2] =	stream.linear.gather [spmem:s12], $0xA00, $0x38;
	[tilespmem:$0x6300] =	vst v63  }
0xb4: {  	_ =	swait.ge [sflag:s17], $0xA00  }
0xb5: {  	[sflag:s17] =	ssyncset.done $0x0  }
0xb6: {  	[sflag:s17] =	ssyncadd.s32 $0xFFFFF600  }
0xb7: {  	[hbm4b:s13+s23] =	stream.strided.scatter [tilespmem:s22], [sflag:$0x2], $0xA00, s20, s23, $0x38;
	[tilespmem:$0x6300] =	vst v63  }
0xb8: {  	_ =	swait.ge [sflag:s17], $0xA00  }
0xb9: {  	[sflag:s17] =	ssyncset.done $0x0  }
0xba: {  	[sflag:s17] =	ssyncadd.s32 $0xFFFFF600  }
0xbb: {  	[tilespmem:s22], [sflag:$0x2] =	stream.linear.gather [spmem:s14], $0xA00, $0x38;
	[tilespmem:$0x6300] =	vst v63  }
0xbc: {  	s24 =	sadd.s32 $0x1, s24;
	_ =	swait.ge [sflag:s17], $0xA00  }
0xbd: {  	p0 =	sne.s32 s24, s8;
	[sflag:s17] =	ssyncset.done $0x0  }
.Ltmp2:
0xbe: {  	[sflag:s17] =	ssyncadd.s32 $0xFFFFF600;
	(pc) =	sbr.rel @p0 .LBB2_1-.Ltmp2, $4  }
0xbf: {  	[hbm4b:s15+s23] =	stream.strided.scatter [tilespmem:s22], [sflag:$0x2], $0xA00, s20, s23, $0x38;
	[tilespmem:$0x6300] =	vst v63  }
0xc0: {  	_ =	swait.ge [sflag:s17], $0xA00  }
0xc1: {  	[sflag:s17] =	ssyncset.done $0x0  }
0xc2: {  	[sflag:s17] =	ssyncadd.s32 $0xFFFFF600  }
0xc3: {  	_ =	sfence.sel $0x180000  }
0xc4: {  	[bflag:$0x0] =	sbarrier.arrive $0xFFFF  }
0xc5: {  	p0 =	sne.s32 s1, $0x0;
	_ =	strace $0x90000047  }
0xc6: {  	s0 =	sadd.s32 @!p0 $0x100000, s0;
	[bflag:$0x2] =	sbarrier.arrive $0xFFFF  }
0xc7: {  	[sflag:s0] =	ssyncadd.tile.s32 @!p0 $0x1;
	_ =	shalt  }
.Lfunc_end2:
_tile_overlayer_lowered:
.L_overlay_start_2:
0xc8: {  	(tag) =	ssettag $0x2  }
0xc9: {  	s0 =	rddreg [dreg:$0x0];
	s2 =	stileid.u32  }
0xca: {  	s1 =	rddreg [dreg:$0x1];
	p0 =	sne.s32 s2, $0x0  }
0xcb: {  	s3 =	rddreg [dreg:$0x2];
	[bflag:$0x3] =	sbarrier.arrive $0xFFFF;
	s2 =	simm.s32 @!p0 $0x1C02  }
0xcc: {  	[timem:s3], [sflag:s2] =	dma.local @!p0 [hbm:s0], s1  }
0xcd: {  	s0 =	simm.s32 @!p0 $0x2  }
0xce: {  	_ =	swait.ge @!p0 [sflag:s0], s1  }
0xcf: {  	s1 =	ssub.s32 @!p0 $0x0, s1;
	[sflag:s0] =	ssyncset.done @!p0 $0x0  }
0xd0: {  	[sflag:s0] =	ssyncadd.s32 @!p0 s1  }
0xd1: {  	[bflag:$0x3] =	sbarrier.arrive $0xFFFF  }
0xd2: {  	_ =	shalt  }

</sc_bundles>
